<compile_context>
chip_gen: v7x
topology: tpu7x:2x2x1
jax: 0.10.2.dev20260603
libtpu: 0.0.44.dev20260713+nightly
codegen_flags: <defaults>
</compile_context>

<pallas_src>
import dataclasses
import functools

import jax
import jax.numpy as jnp
from jax import lax
from jax.experimental import pallas as pl
from jax.experimental.pallas import tpu as pltpu
from jax.experimental.pallas import tpu_sc as plsc

_NC = 2
_NS = 16
_NW = _NC * _NS
_CB = 8
_GW = 80


def _splat_lane(vec, r):
    idx = jnp.full((16, 1), r, jnp.int32)
    dnums = lax.GatherDimensionNumbers(
        offset_dims=(), collapsed_slice_dims=(0,), start_index_map=(0,))
    return lax.gather(vec, idx, dnums, slice_sizes=(1,),
                      mode=lax.GatherScatterMode.PROMISE_IN_BOUNDS)


def _rsqrt16(x):
    i = plsc.bitcast(x, jnp.int32)
    i = jnp.int32(0x5F3759DF) - lax.shift_right_arithmetic(i, 1)
    y = plsc.bitcast(i, jnp.float32)
    half_x = x * jnp.float32(0.5)
    for _ in range(2):
        y = y * (jnp.float32(1.5) - half_x * y * y)
    return y


@functools.cache
def _make_sc_kernel(B, H, D):
    crows = _CB * H
    assert B % (_NW * _CB) == 0 and crows % _GW == 0 and D % 16 == 0
    assert crows % 16 == 0 and _GW % 8 == 0
    N = B * H
    rows_per_w = N // _NW
    batches_per_w = B // _NW
    chunks = batches_per_w // _CB
    assert chunks % 2 == 0
    nwin = crows // _GW
    div_shift = 21
    div_magic = (1 << div_shift) // H + 1
    assert all((r * div_magic) >> div_shift == r // H for r in range(crows))
    mesh = plsc.VectorSubcoreMesh(core_axis_name="c", subcore_axis_name="s")
    cp = pltpu.CompilerParams()
    for fld, val in (("needs_layout_passes", False), ("use_tc_tiling_on_sc", False)):
        if fld in pltpu.CompilerParams.__dataclass_fields__:
            cp = dataclasses.replace(cp, **{fld: val})

    @functools.partial(
        pl.kernel,
        mesh=mesh,
        compiler_params=cp,
        out_type=jax.ShapeDtypeStruct((B, H, D), jnp.float32),
        scratch_types=[
            pltpu.VMEM((chunks, crows), jnp.int32),
            pltpu.VMEM((crows, D), jnp.float32),
            pltpu.VMEM((crows, D), jnp.float32),
            pltpu.VMEM((_CB, H, D), jnp.float32),
            pltpu.VMEM((_CB, H, D), jnp.float32),
            pltpu.VMEM((crows,), jnp.float32),
            pltpu.VMEM((crows,), jnp.float32),
            pltpu.VMEM((256,), jnp.float32),
            pltpu.SemaphoreType.DMA,
            pltpu.SemaphoreType.DMA,
            pltpu.SemaphoreType.DMA,
            pltpu.SemaphoreType.DMA,
            pltpu.SemaphoreType.DMA,
            pltpu.SemaphoreType.DMA,
        ],
    )
    def sc_kernel(v_hbm, w_hbm, idx_hbm, out_hbm,
                  idx_all, rows0, rows1, outs0, outs1, wv0, wv1, cs_s,
                  sv0, sv1, sw0, sw1, so0, so1):
        wid = lax.axis_index("s") * _NC + lax.axis_index("c")
        iota16 = lax.iota(jnp.int32, 16)
        collect_idx = iota16 * 16 + 15
        batchbase = wid * batches_per_w

        pltpu.sync_copy(idx_hbm.at[pl.ds(wid * chunks, chunks)], idx_all)

        slots = ((rows0, outs0, wv0, sv0, sw0, so0),
                 (rows1, outs1, wv1, sv1, sw1, so1))

        def issue_gathers(c, slot):
            rows_v, _, wv, sv, sw, _ = slots[slot]
            win = idx_all.at[c]
            pltpu.async_copy(v_hbm.at[win], rows_v, sv)
            pltpu.async_copy(w_hbm.at[win], wv, sw)

        def wait_gathers(slot):
            rows_v, _, wv, sv, sw, _ = slots[slot]
            pltpu.make_async_copy(v_hbm.at[pl.ds(0, crows)], rows_v, sv).wait()
            pltpu.make_async_copy(w_hbm.at[pl.ds(0, crows)], wv, sw).wait()

        def wait_out(slot):
            _, out_v, _, _, _, so = slots[slot]
            pltpu.make_async_copy(out_v, out_hbm.at[pl.ds(0, _CB)], so).wait()

        def compute(slot):
            rows_v, out_v, wv, _, _, _ = slots[slot]

            @pl.loop(0, crows // 16)
            def _group(g):
                base = g * 16
                for r in range(16):
                    s = None
                    for h in range(D // 16):
                        v = rows_v[base + r, pl.ds(h * 16, 16)]
                        s = v * v if s is None else s + v * v
                    cs_s[pl.ds(r * 16, 16)] = jnp.cumsum(s)
                sums = plsc.load_gather(cs_s, [collect_idx])
                sc_vec = wv[pl.ds(base, 16)] * _rsqrt16(sums)
                for r in range(16):
                    scale = _splat_lane(sc_vec, r)
                    row = base + r
                    b_i = lax.shift_right_logical(row * div_magic, div_shift)
                    l_i = row - b_i * H
                    for h in range(D // 16):
                        out_v[b_i, l_i, pl.ds(h * 16, 16)] = (
                            rows_v[row, pl.ds(h * 16, 16)] * scale)

        issue_gathers(0, 0)

        @pl.loop(0, chunks // 2)
        def _pipe(k):
            for slot in (0, 1):
                c = k * 2 + slot
                nxt = c + 1

                @pl.when(nxt < chunks)
                def _():
                    issue_gathers(nxt, 1 - slot)

                @pl.when(c >= 2)
                def _():
                    wait_out(slot)

                wait_gathers(slot)
                compute(slot)
                _, out_v, _, _, _, so = slots[slot]
                pltpu.async_copy(
                    out_v, out_hbm.at[pl.ds(batchbase + c * _CB, _CB)], so)

        wait_out(0)
        wait_out(1)

    return sc_kernel


def kernel(V, w, indices):
    B, H = indices.shape
    D = V.shape[1]
    idx2d = indices.astype(jnp.int32).reshape(B // _CB, _CB * H)
    return _make_sc_kernel(B, H, D)(V, w, idx2d)

# --- scband reference (transcript-rebuilt; emitter-appended) ---
"""Pipeline reference for scband-embedding-similarity-model-49701361549684 (READ-ONLY COPY).

The authoritative reference and input builder live on the scoring server;
editing this copy changes nothing except your own understanding.
"""

import jax, jax.numpy as jnp
import numpy as np

VOCAB = 1000000
DIM = 32
BATCH = 16384
HIST = 50
EXPONENT = 0.5

def setup_inputs(seed: int = 0) -> dict:
    key = jax.random.key(seed)
    k1, k2, k3 = jax.random.split(key, 3)
    # Embedding table V (the stored string embedding vectors)
    V = jax.random.normal(k1, (VOCAB, DIM), dtype=jnp.float32)
    # counts -> exponent weighting (ExponentWeights): w = counts ** exponent
    counts = jax.random.randint(k2, (VOCAB,), 1, 1000)
    w = jnp.power(counts.astype(jnp.float32), EXPONENT)
    # indices of strings to look up
    indices = jax.random.randint(k3, (BATCH, HIST), 0, VOCAB, dtype=jnp.int64)
    return {"V": V, "w": w, "indices": indices}

def reference(V, w, indices):
    # Normalize embedding rows to unit vectors (cosine-similarity embeddings,
    # matching ExpCosSimilarity semantics of the score model), then gather
    # the rows for the requested strings and apply the count-based weights.
    norms = jnp.linalg.norm(V, axis=1, keepdims=True)
    Vn = V / (norms + 1e-12)
    emb = jnp.take(Vn, indices, axis=0)          # [B, L, D] gather (embedding lookup)
    ww = jnp.take(w, indices, axis=0)            # [B, L] gather of weights
    return emb * ww[..., None]

if __name__ == "__main__":
    import jax
    _d = setup_inputs()
    print(jax.jit(kernel)(*tuple(_d.values())))

</pallas_src>

<mosaic_0001>
#map = affine_map<(d0, d1) -> (0, 0)>
#map1 = affine_map<(d0, d1) -> (0)>
#map2 = affine_map<(d0, d1) -> (0, 0, 0)>
module attributes {stable_mosaic.version = 14 : i64} {
  func.func @sc_kernel(%arg0: i32, %arg1: i32, %arg2: memref<1000000x32xf32, #tpu.memory_space<hbm>>, %arg3: memref<1000000xf32, #tpu.memory_space<hbm>>, %arg4: memref<2048x400xi32, #tpu.memory_space<hbm>>, %arg5: memref<16384x50x32xf32, #tpu.memory_space<hbm>>, %arg6: memref<64x400xi32, #tpu.memory_space<vmem>>, %arg7: memref<400x32xf32, #tpu.memory_space<vmem>>, %arg8: memref<400x32xf32, #tpu.memory_space<vmem>>, %arg9: memref<8x50x32xf32, #tpu.memory_space<vmem>>, %arg10: memref<8x50x32xf32, #tpu.memory_space<vmem>>, %arg11: memref<400xf32, #tpu.memory_space<vmem>>, %arg12: memref<400xf32, #tpu.memory_space<vmem>>, %arg13: memref<256xf32, #tpu.memory_space<vmem>>, %arg14: memref<!tpu.dma_semaphore, #tpu.memory_space<semaphore_mem>>, %arg15: memref<!tpu.dma_semaphore, #tpu.memory_space<semaphore_mem>>, %arg16: memref<!tpu.dma_semaphore, #tpu.memory_space<semaphore_mem>>, %arg17: memref<!tpu.dma_semaphore, #tpu.memory_space<semaphore_mem>>, %arg18: memref<!tpu.dma_semaphore, #tpu.memory_space<semaphore_mem>>, %arg19: memref<!tpu.dma_semaphore, #tpu.memory_space<semaphore_mem>>) attributes {dimension_semantics = [#tpu.dimension_semantics<core_parallel>, #tpu.dimension_semantics<subcore_parallel>], iteration_bounds = array<i64: 2, 16>, scalar_prefetch = 0 : i64, scratch_operands = 14 : i64, tpu.core_type = #tpu.core_type<sc_vector_subcore>, window_params = [{transform_indices = #map}, {transform_indices = #map1}, {transform_indices = #map}, {transform_indices = #map2}]} {
    %mul3A = arith.constant 2 : i32
    %mul3A_0 = arith.muli %arg1, %mul3A : i32
    %add3A = arith.addi %mul3A_0, %arg0 : i32
    %iota3A = tpu.iota {dimensions = array<i32: 0>} : vector<16xi32>
    %mul3A_1 = arith.constant 16 : i32
    %mul3A_2 = vector.broadcast %mul3A_1 : i32 to vector<16xi32>
    %mul3A_3 = arith.muli %iota3A, %mul3A_2 : vector<16xi32>
    %add3A_4 = arith.constant 15 : i32
    %add3A_5 = vector.broadcast %add3A_4 : i32 to vector<16xi32>
    %add3A_6 = arith.addi %mul3A_3, %add3A_5 : vector<16xi32>
    %mul3A_7 = arith.constant 512 : i32
    %mul3A_8 = arith.muli %add3A, %mul3A_7 : i32
    %mul3A_9 = arith.constant 64 : i32
    %mul3A_10 = arith.muli %add3A, %mul3A_9 : i32
    "tpu.region"() ({
      %run_scoped3A = tpu.sem_alloc : memref<!tpu.dma_semaphore, #tpu.memory_space<semaphore_mem>>
      %dma_start3A_42 = arith.constant 0 : i32
      %dma_start3A_43 = tpu.memref_slice %arg4[%mul3A_10, %dma_start3A_42] : memref<2048x400xi32, #tpu.memory_space<hbm>> -> memref<64x400xi32, #tpu.memory_space<hbm>>
      %dma_start3A_44 = arith.constant 0 : i32
      %dma_start3A_45 = tpu.memref_slice %arg4[%mul3A_10, %dma_start3A_44] : memref<2048x400xi32, #tpu.memory_space<hbm>> -> memref<64x400xi32, #tpu.memory_space<hbm>>
      tpu.enqueue_dma source(%dma_start3A_45 : memref<64x400xi32, #tpu.memory_space<hbm>>) target(%arg6 : memref<64x400xi32, #tpu.memory_space<vmem>>) target_semaphore(%run_scoped3A : memref<!tpu.dma_semaphore, #tpu.memory_space<semaphore_mem>>)
      %dma_wait3A_46 = arith.constant 0 : i32
      %dma_wait3A_47 = tpu.memref_slice %arg4[%mul3A_10, %dma_wait3A_46] : memref<2048x400xi32, #tpu.memory_space<hbm>> -> memref<64x400xi32, #tpu.memory_space<hbm>>
      %dma_wait3A_48 = arith.constant 0 : i32
      %dma_wait3A_49 = tpu.memref_slice %arg4[%mul3A_10, %dma_wait3A_48] : memref<2048x400xi32, #tpu.memory_space<hbm>> -> memref<64x400xi32, #tpu.memory_space<hbm>>
      tpu.wait_dma2 semaphore(%run_scoped3A : memref<!tpu.dma_semaphore, #tpu.memory_space<semaphore_mem>>) src(%dma_wait3A_49 : memref<64x400xi32, #tpu.memory_space<hbm>>) dst(%arg6 : memref<64x400xi32, #tpu.memory_space<vmem>>)
      tpu.yield
    }) : () -> ()
    %dma_start3A = arith.constant 0 : i32
    %dma_start3A_11 = arith.constant 0 : i32
    %dma_start3A_12 = tpu.memref_slice %arg6[%dma_start3A, %dma_start3A_11] : memref<64x400xi32, #tpu.memory_space<vmem>> -> memref<1x400xi32, #tpu.memory_space<vmem>>
    %dma_start3A_13 = tpu.memref_squeeze %dma_start3A_12 : memref<1x400xi32, #tpu.memory_space<vmem>> -> memref<400xi32, #tpu.memory_space<vmem>>
    %dma_start3A_14 = arith.constant 0 : i32
    %dma_start3A_15 = arith.constant 0 : i32
    %dma_start3A_16 = tpu.memref_slice %arg2[%dma_start3A_14, %dma_start3A_15] : memref<1000000x32xf32, #tpu.memory_space<hbm>> -> memref<1000000x32xf32, #tpu.memory_space<hbm>>
    tpu.enqueue_indirect_dma source(%dma_start3A_16 : memref<1000000x32xf32, #tpu.memory_space<hbm>>) target(%arg7 : memref<400x32xf32, #tpu.memory_space<vmem>>) offsets(%dma_start3A_13 : memref<400xi32, #tpu.memory_space<vmem>>) semaphore(%arg14 : memref<!tpu.dma_semaphore, #tpu.memory_space<semaphore_mem>>)
    %dma_start3A_17 = arith.constant 0 : i32
    %dma_start3A_18 = arith.constant 0 : i32
    %dma_start3A_19 = tpu.memref_slice %arg6[%dma_start3A_17, %dma_start3A_18] : memref<64x400xi32, #tpu.memory_space<vmem>> -> memref<1x400xi32, #tpu.memory_space<vmem>>
    %dma_start3A_20 = tpu.memref_squeeze %dma_start3A_19 : memref<1x400xi32, #tpu.memory_space<vmem>> -> memref<400xi32, #tpu.memory_space<vmem>>
    %dma_start3A_21 = arith.constant 0 : i32
    %dma_start3A_22 = tpu.memref_slice %arg3[%dma_start3A_21] : memref<1000000xf32, #tpu.memory_space<hbm>> -> memref<1000000xf32, #tpu.memory_space<hbm>>
    tpu.enqueue_indirect_dma source(%dma_start3A_22 : memref<1000000xf32, #tpu.memory_space<hbm>>) target(%arg11 : memref<400xf32, #tpu.memory_space<vmem>>) offsets(%dma_start3A_20 : memref<400xi32, #tpu.memory_space<vmem>>) semaphore(%arg16 : memref<!tpu.dma_semaphore, #tpu.memory_space<semaphore_mem>>)
    %scan3A = arith.constant 0 : i32
    %scan3A_23 = arith.constant 32 : i32
    %scan3A_24 = arith.addi %scan3A, %scan3A_23 : i32
    %scan3A_25 = arith.constant 1 : i32
    scf.for %scan3A_42 = %scan3A to %scan3A_24 step %scan3A_25  : i32 {
      %mul3A_43 = arith.constant 1 : i32
      %mul3A_44 = arith.muli %scan3A_42, %mul3A_43 : i32
      %add3A_45 = arith.constant 0 : i32
      %add3A_46 = arith.addi %add3A_45, %mul3A_44 : i32
      %mul3A_47 = arith.constant 2 : i32
      %mul3A_48 = arith.muli %add3A_46, %mul3A_47 : i32
      %add3A_49 = arith.constant 0 : i32
      %add3A_50 = arith.addi %mul3A_48, %add3A_49 : i32
      %add3A_51 = arith.constant 1 : i32
      %add3A_52 = arith.addi %add3A_50, %add3A_51 : i32
      %lt3A = arith.constant 64 : i32
      %lt3A_53 = arith.cmpi slt, %add3A_52, %lt3A : i32
      %convert_element_type3A = arith.extui %lt3A_53 : i1 to i32
      %cond3A = arith.constant 0 : i32
      %cond3A_54 = arith.cmpi ne, %convert_element_type3A, %cond3A : i32
      scf.if %cond3A_54 {
        %dma_start3A_123 = arith.constant 0 : i32
        %dma_start3A_124 = tpu.memref_slice %arg6[%add3A_52, %dma_start3A_123] : memref<64x400xi32, #tpu.memory_space<vmem>> -> memref<1x400xi32, #tpu.memory_space<vmem>>
        %dma_start3A_125 = tpu.memref_squeeze %dma_start3A_124 : memref<1x400xi32, #tpu.memory_space<vmem>> -> memref<400xi32, #tpu.memory_space<vmem>>
        %dma_start3A_126 = arith.constant 0 : i32
        %dma_start3A_127 = arith.constant 0 : i32
        %dma_start3A_128 = tpu.memref_slice %arg2[%dma_start3A_126, %dma_start3A_127] : memref<1000000x32xf32, #tpu.memory_space<hbm>> -> memref<1000000x32xf32, #tpu.memory_space<hbm>>
        tpu.enqueue_indirect_dma source(%dma_start3A_128 : memref<1000000x32xf32, #tpu.memory_space<hbm>>) target(%arg8 : memref<400x32xf32, #tpu.memory_space<vmem>>) offsets(%dma_start3A_125 : memref<400xi32, #tpu.memory_space<vmem>>) semaphore(%arg15 : memref<!tpu.dma_semaphore, #tpu.memory_space<semaphore_mem>>)
        %dma_start3A_129 = arith.constant 0 : i32
        %dma_start3A_130 = tpu.memref_slice %arg6[%add3A_52, %dma_start3A_129] : memref<64x400xi32, #tpu.memory_space<vmem>> -> memref<1x400xi32, #tpu.memory_space<vmem>>
        %dma_start3A_131 = tpu.memref_squeeze %dma_start3A_130 : memref<1x400xi32, #tpu.memory_space<vmem>> -> memref<400xi32, #tpu.memory_space<vmem>>
        %dma_start3A_132 = arith.constant 0 : i32
        %dma_start3A_133 = tpu.memref_slice %arg3[%dma_start3A_132] : memref<1000000xf32, #tpu.memory_space<hbm>> -> memref<1000000xf32, #tpu.memory_space<hbm>>
        tpu.enqueue_indirect_dma source(%dma_start3A_133 : memref<1000000xf32, #tpu.memory_space<hbm>>) target(%arg12 : memref<400xf32, #tpu.memory_space<vmem>>) offsets(%dma_start3A_131 : memref<400xi32, #tpu.memory_space<vmem>>) semaphore(%arg17 : memref<!tpu.dma_semaphore, #tpu.memory_space<semaphore_mem>>)
      } else {
      }
      %ge3A = arith.constant 2 : i32
      %ge3A_55 = arith.cmpi sge, %add3A_50, %ge3A : i32
      %convert_element_type3A_56 = arith.extui %ge3A_55 : i1 to i32
      %cond3A_57 = arith.constant 0 : i32
      %cond3A_58 = arith.cmpi ne, %convert_element_type3A_56, %cond3A_57 : i32
      scf.if %cond3A_58 {
        %dma_wait3A_123 = arith.constant 0 : i32
        %dma_wait3A_124 = arith.constant 0 : i32
        %dma_wait3A_125 = arith.constant 0 : i32
        %dma_wait3A_126 = tpu.memref_slice %arg5[%dma_wait3A_123, %dma_wait3A_124, %dma_wait3A_125] : memref<16384x50x32xf32, #tpu.memory_space<hbm>> -> memref<8x50x32xf32, #tpu.memory_space<hbm>>
        %dma_wait3A_127 = arith.constant 0 : i32
        %dma_wait3A_128 = arith.constant 0 : i32
        %dma_wait3A_129 = arith.constant 0 : i32
        %dma_wait3A_130 = tpu.memref_slice %arg5[%dma_wait3A_127, %dma_wait3A_128, %dma_wait3A_129] : memref<16384x50x32xf32, #tpu.memory_space<hbm>> -> memref<8x50x32xf32, #tpu.memory_space<hbm>>
        tpu.wait_dma2 semaphore(%arg18 : memref<!tpu.dma_semaphore, #tpu.memory_space<semaphore_mem>>) src(%arg9 : memref<8x50x32xf32, #tpu.memory_space<vmem>>) dst(%dma_wait3A_130 : memref<8x50x32xf32, #tpu.memory_space<hbm>>)
      } else {
      }
      %dma_wait3A_59 = arith.constant 0 : i32
      %dma_wait3A_60 = arith.constant 0 : i32
      %dma_wait3A_61 = tpu.memref_slice %arg2[%dma_wait3A_59, %dma_wait3A_60] : memref<1000000x32xf32, #tpu.memory_space<hbm>> -> memref<400x32xf32, #tpu.memory_space<hbm>>
      %dma_wait3A_62 = arith.constant 0 : i32
      %dma_wait3A_63 = arith.constant 0 : i32
      %dma_wait3A_64 = tpu.memref_slice %arg2[%dma_wait3A_62, %dma_wait3A_63] : memref<1000000x32xf32, #tpu.memory_space<hbm>> -> memref<400x32xf32, #tpu.memory_space<hbm>>
      tpu.wait_dma2 semaphore(%arg14 : memref<!tpu.dma_semaphore, #tpu.memory_space<semaphore_mem>>) src(%dma_wait3A_64 : memref<400x32xf32, #tpu.memory_space<hbm>>) dst(%arg7 : memref<400x32xf32, #tpu.memory_space<vmem>>)
      %dma_wait3A_65 = arith.constant 0 : i32
      %dma_wait3A_66 = tpu.memref_slice %arg3[%dma_wait3A_65] : memref<1000000xf32, #tpu.memory_space<hbm>> -> memref<400xf32, #tpu.memory_space<hbm>>
      %dma_wait3A_67 = arith.constant 0 : i32
      %dma_wait3A_68 = tpu.memref_slice %arg3[%dma_wait3A_67] : memref<1000000xf32, #tpu.memory_space<hbm>> -> memref<400xf32, #tpu.memory_space<hbm>>
      tpu.wait_dma2 semaphore(%arg16 : memref<!tpu.dma_semaphore, #tpu.memory_space<semaphore_mem>>) src(%dma_wait3A_68 : memref<400xf32, #tpu.memory_space<hbm>>) dst(%arg11 : memref<400xf32, #tpu.memory_space<vmem>>)
      %scan3A_69 = arith.constant 0 : i32
      %scan3A_70 = arith.constant 25 : i32
      %scan3A_71 = arith.addi %scan3A_69, %scan3A_70 : i32
      %scan3A_72 = arith.constant 1 : i32
      scf.for %scan3A_123 = %scan3A_69 to %scan3A_71 step %scan3A_72  : i32 {
        %mul3A_124 = arith.constant 1 : i32
        %mul3A_125 = arith.muli %scan3A_123, %mul3A_124 : i32
        %add3A_126 = arith.constant 0 : i32
        %add3A_127 = arith.addi %add3A_126, %mul3A_125 : i32
        %mul3A_128 = arith.constant 16 : i32
        %mul3A_129 = arith.muli %add3A_127, %mul3A_128 : i32
        %add3A_130 = arith.constant 0 : i32
        %add3A_131 = arith.addi %mul3A_129, %add3A_130 : i32
        %get3A = arith.index_cast %add3A_131 : i32 to index
        %get3A_132 = arith.constant 0 : index
        %get3A_133 = tpu.vector_load %arg7[%get3A, %get3A_132] {strides = array<i32>} : memref<400x32xf32, #tpu.memory_space<vmem>>, vector<16xf32>,
        %mul3A_134 = arith.mulf %get3A_133, %get3A_133 : vector<16xf32>
        %add3A_135 = arith.constant 0 : i32
        %add3A_136 = arith.addi %mul3A_129, %add3A_135 : i32
        %get3A_137 = arith.index_cast %add3A_136 : i32 to index
        %get3A_138 = arith.constant 16 : index
        %get3A_139 = tpu.vector_load %arg7[%get3A_137, %get3A_138] {strides = array<i32>} : memref<400x32xf32, #tpu.memory_space<vmem>>, vector<16xf32>,
        %mul3A_140 = arith.mulf %get3A_139, %get3A_139 : vector<16xf32>
        %add3A_141 = arith.addf %mul3A_134, %mul3A_140 : vector<16xf32>
        %cumsum3A = arith.constant true
        %cumsum3A_142 = vector.broadcast %cumsum3A : i1 to vector<16xi1>
        %cumsum3A_143 = tpu.scan <sum>, %add3A_141 masked %cumsum3A_142 : vector<16xf32>, vector<16xi1> -> vector<16xf32>
        %swap3A = arith.constant 0 : index
        %swap3A_144 = tpu.vector_load %arg13[%swap3A] {strides = array<i32>} : memref<256xf32, #tpu.memory_space<vmem>>, vector<16xf32>,
        tpu.vector_store %arg13[%swap3A], %cumsum3A_143 {strides = array<i32>} : memref<256xf32, #tpu.memory_space<vmem>>, vector<16xf32>,
        %add3A_145 = arith.constant 1 : i32
        %add3A_146 = arith.addi %mul3A_129, %add3A_145 : i32
        %get3A_147 = arith.index_cast %add3A_146 : i32 to index
        %get3A_148 = arith.constant 0 : index
        %get3A_149 = tpu.vector_load %arg7[%get3A_147, %get3A_148] {strides = array<i32>} : memref<400x32xf32, #tpu.memory_space<vmem>>, vector<16xf32>,
        %mul3A_150 = arith.mulf %get3A_149, %get3A_149 : vector<16xf32>
        %add3A_151 = arith.constant 1 : i32
        %add3A_152 = arith.addi %mul3A_129, %add3A_151 : i32
        %get3A_153 = arith.index_cast %add3A_152 : i32 to index
        %get3A_154 = arith.constant 16 : index
        %get3A_155 = tpu.vector_load %arg7[%get3A_153, %get3A_154] {strides = array<i32>} : memref<400x32xf32, #tpu.memory_space<vmem>>, vector<16xf32>,
        %mul3A_156 = arith.mulf %get3A_155, %get3A_155 : vector<16xf32>
        %add3A_157 = arith.addf %mul3A_150, %mul3A_156 : vector<16xf32>
        %cumsum3A_158 = arith.constant true
        %cumsum3A_159 = vector.broadcast %cumsum3A_158 : i1 to vector<16xi1>
        %cumsum3A_160 = tpu.scan <sum>, %add3A_157 masked %cumsum3A_159 : vector<16xf32>, vector<16xi1> -> vector<16xf32>
        %swap3A_161 = arith.constant 16 : index
        %swap3A_162 = tpu.vector_load %arg13[%swap3A_161] {strides = array<i32>} : memref<256xf32, #tpu.memory_space<vmem>>, vector<16xf32>,
        tpu.vector_store %arg13[%swap3A_161], %cumsum3A_160 {strides = array<i32>} : memref<256xf32, #tpu.memory_space<vmem>>, vector<16xf32>,
        %add3A_163 = arith.constant 2 : i32
        %add3A_164 = arith.addi %mul3A_129, %add3A_163 : i32
        %get3A_165 = arith.index_cast %add3A_164 : i32 to index
        %get3A_166 = arith.constant 0 : index
        %get3A_167 = tpu.vector_load %arg7[%get3A_165, %get3A_166] {strides = array<i32>} : memref<400x32xf32, #tpu.memory_space<vmem>>, vector<16xf32>,
        %mul3A_168 = arith.mulf %get3A_167, %get3A_167 : vector<16xf32>
        %add3A_169 = arith.constant 2 : i32
        %add3A_170 = arith.addi %mul3A_129, %add3A_169 : i32
        %get3A_171 = arith.index_cast %add3A_170 : i32 to index
        %get3A_172 = arith.constant 16 : index
        %get3A_173 = tpu.vector_load %arg7[%get3A_171, %get3A_172] {strides = array<i32>} : memref<400x32xf32, #tpu.memory_space<vmem>>, vector<16xf32>,
        %mul3A_174 = arith.mulf %get3A_173, %get3A_173 : vector<16xf32>
        %add3A_175 = arith.addf %mul3A_168, %mul3A_174 : vector<16xf32>
        %cumsum3A_176 = arith.constant true
        %cumsum3A_177 = vector.broadcast %cumsum3A_176 : i1 to vector<16xi1>
        %cumsum3A_178 = tpu.scan <sum>, %add3A_175 masked %cumsum3A_177 : vector<16xf32>, vector<16xi1> -> vector<16xf32>
        %swap3A_179 = arith.constant 32 : index
        %swap3A_180 = tpu.vector_load %arg13[%swap3A_179] {strides = array<i32>} : memref<256xf32, #tpu.memory_space<vmem>>, vector<16xf32>,
        tpu.vector_store %arg13[%swap3A_179], %cumsum3A_178 {strides = array<i32>} : memref<256xf32, #tpu.memory_space<vmem>>, vector<16xf32>,
        %add3A_181 = arith.constant 3 : i32
        %add3A_182 = arith.addi %mul3A_129, %add3A_181 : i32
        %get3A_183 = arith.index_cast %add3A_182 : i32 to index
        %get3A_184 = arith.constant 0 : index
        %get3A_185 = tpu.vector_load %arg7[%get3A_183, %get3A_184] {strides = array<i32>} : memref<400x32xf32, #tpu.memory_space<vmem>>, vector<16xf32>,
        %mul3A_186 = arith.mulf %get3A_185, %get3A_185 : vector<16xf32>
        %add3A_187 = arith.constant 3 : i32
        %add3A_188 = arith.addi %mul3A_129, %add3A_187 : i32
        %get3A_189 = arith.index_cast %add3A_188 : i32 to index
        %get3A_190 = arith.constant 16 : index
        %get3A_191 = tpu.vector_load %arg7[%get3A_189, %get3A_190] {strides = array<i32>} : memref<400x32xf32, #tpu.memory_space<vmem>>, vector<16xf32>,
        %mul3A_192 = arith.mulf %get3A_191, %get3A_191 : vector<16xf32>
        %add3A_193 = arith.addf %mul3A_186, %mul3A_192 : vector<16xf32>
        %cumsum3A_194 = arith.constant true
        %cumsum3A_195 = vector.broadcast %cumsum3A_194 : i1 to vector<16xi1>
        %cumsum3A_196 = tpu.scan <sum>, %add3A_193 masked %cumsum3A_195 : vector<16xf32>, vector<16xi1> -> vector<16xf32>
        %swap3A_197 = arith.constant 48 : index
        %swap3A_198 = tpu.vector_load %arg13[%swap3A_197] {strides = array<i32>} : memref<256xf32, #tpu.memory_space<vmem>>, vector<16xf32>,
        tpu.vector_store %arg13[%swap3A_197], %cumsum3A_196 {strides = array<i32>} : memref<256xf32, #tpu.memory_space<vmem>>, vector<16xf32>,
        %add3A_199 = arith.constant 4 : i32
        %add3A_200 = arith.addi %mul3A_129, %add3A_199 : i32
        %get3A_201 = arith.index_cast %add3A_200 : i32 to index
        %get3A_202 = arith.constant 0 : index
        %get3A_203 = tpu.vector_load %arg7[%get3A_201, %get3A_202] {strides = array<i32>} : memref<400x32xf32, #tpu.memory_space<vmem>>, vector<16xf32>,
        %mul3A_204 = arith.mulf %get3A_203, %get3A_203 : vector<16xf32>
        %add3A_205 = arith.constant 4 : i32
        %add3A_206 = arith.addi %mul3A_129, %add3A_205 : i32
        %get3A_207 = arith.index_cast %add3A_206 : i32 to index
        %get3A_208 = arith.constant 16 : index
        %get3A_209 = tpu.vector_load %arg7[%get3A_207, %get3A_208] {strides = array<i32>} : memref<400x32xf32, #tpu.memory_space<vmem>>, vector<16xf32>,
        %mul3A_210 = arith.mulf %get3A_209, %get3A_209 : vector<16xf32>
        %add3A_211 = arith.addf %mul3A_204, %mul3A_210 : vector<16xf32>
        %cumsum3A_212 = arith.constant true
        %cumsum3A_213 = vector.broadcast %cumsum3A_212 : i1 to vector<16xi1>
        %cumsum3A_214 = tpu.scan <sum>, %add3A_211 masked %cumsum3A_213 : vector<16xf32>, vector<16xi1> -> vector<16xf32>
        %swap3A_215 = arith.constant 64 : index
        %swap3A_216 = tpu.vector_load %arg13[%swap3A_215] {strides = array<i32>} : memref<256xf32, #tpu.memory_space<vmem>>, vector<16xf32>,
        tpu.vector_store %arg13[%swap3A_215], %cumsum3A_214 {strides = array<i32>} : memref<256xf32, #tpu.memory_space<vmem>>, vector<16xf32>,
        %add3A_217 = arith.constant 5 : i32
        %add3A_218 = arith.addi %mul3A_129, %add3A_217 : i32
        %get3A_219 = arith.index_cast %add3A_218 : i32 to index
        %get3A_220 = arith.constant 0 : index
        %get3A_221 = tpu.vector_load %arg7[%get3A_219, %get3A_220] {strides = array<i32>} : memref<400x32xf32, #tpu.memory_space<vmem>>, vector<16xf32>,
        %mul3A_222 = arith.mulf %get3A_221, %get3A_221 : vector<16xf32>
        %add3A_223 = arith.constant 5 : i32
        %add3A_224 = arith.addi %mul3A_129, %add3A_223 : i32
        %get3A_225 = arith.index_cast %add3A_224 : i32 to index
        %get3A_226 = arith.constant 16 : index
        %get3A_227 = tpu.vector_load %arg7[%get3A_225, %get3A_226] {strides = array<i32>} : memref<400x32xf32, #tpu.memory_space<vmem>>, vector<16xf32>,
        %mul3A_228 = arith.mulf %get3A_227, %get3A_227 : vector<16xf32>
        %add3A_229 = arith.addf %mul3A_222, %mul3A_228 : vector<16xf32>
        %cumsum3A_230 = arith.constant true
        %cumsum3A_231 = vector.broadcast %cumsum3A_230 : i1 to vector<16xi1>
        %cumsum3A_232 = tpu.scan <sum>, %add3A_229 masked %cumsum3A_231 : vector<16xf32>, vector<16xi1> -> vector<16xf32>
        %swap3A_233 = arith.constant 80 : index
        %swap3A_234 = tpu.vector_load %arg13[%swap3A_233] {strides = array<i32>} : memref<256xf32, #tpu.memory_space<vmem>>, vector<16xf32>,
        tpu.vector_store %arg13[%swap3A_233], %cumsum3A_232 {strides = array<i32>} : memref<256xf32, #tpu.memory_space<vmem>>, vector<16xf32>,
        %add3A_235 = arith.constant 6 : i32
        %add3A_236 = arith.addi %mul3A_129, %add3A_235 : i32
        %get3A_237 = arith.index_cast %add3A_236 : i32 to index
        %get3A_238 = arith.constant 0 : index
        %get3A_239 = tpu.vector_load %arg7[%get3A_237, %get3A_238] {strides = array<i32>} : memref<400x32xf32, #tpu.memory_space<vmem>>, vector<16xf32>,
        %mul3A_240 = arith.mulf %get3A_239, %get3A_239 : vector<16xf32>
        %add3A_241 = arith.constant 6 : i32
        %add3A_242 = arith.addi %mul3A_129, %add3A_241 : i32
        %get3A_243 = arith.index_cast %add3A_242 : i32 to index
        %get3A_244 = arith.constant 16 : index
        %get3A_245 = tpu.vector_load %arg7[%get3A_243, %get3A_244] {strides = array<i32>} : memref<400x32xf32, #tpu.memory_space<vmem>>, vector<16xf32>,
        %mul3A_246 = arith.mulf %get3A_245, %get3A_245 : vector<16xf32>
        %add3A_247 = arith.addf %mul3A_240, %mul3A_246 : vector<16xf32>
        %cumsum3A_248 = arith.constant true
        %cumsum3A_249 = vector.broadcast %cumsum3A_248 : i1 to vector<16xi1>
        %cumsum3A_250 = tpu.scan <sum>, %add3A_247 masked %cumsum3A_249 : vector<16xf32>, vector<16xi1> -> vector<16xf32>
        %swap3A_251 = arith.constant 96 : index
        %swap3A_252 = tpu.vector_load %arg13[%swap3A_251] {strides = array<i32>} : memref<256xf32, #tpu.memory_space<vmem>>, vector<16xf32>,
        tpu.vector_store %arg13[%swap3A_251], %cumsum3A_250 {strides = array<i32>} : memref<256xf32, #tpu.memory_space<vmem>>, vector<16xf32>,
        %add3A_253 = arith.constant 7 : i32
        %add3A_254 = arith.addi %mul3A_129, %add3A_253 : i32
        %get3A_255 = arith.index_cast %add3A_254 : i32 to index
        %get3A_256 = arith.constant 0 : index
        %get3A_257 = tpu.vector_load %arg7[%get3A_255, %get3A_256] {strides = array<i32>} : memref<400x32xf32, #tpu.memory_space<vmem>>, vector<16xf32>,
        %mul3A_258 = arith.mulf %get3A_257, %get3A_257 : vector<16xf32>
        %add3A_259 = arith.constant 7 : i32
        %add3A_260 = arith.addi %mul3A_129, %add3A_259 : i32
        %get3A_261 = arith.index_cast %add3A_260 : i32 to index
        %get3A_262 = arith.constant 16 : index
        %get3A_263 = tpu.vector_load %arg7[%get3A_261, %get3A_262] {strides = array<i32>} : memref<400x32xf32, #tpu.memory_space<vmem>>, vector<16xf32>,
        %mul3A_264 = arith.mulf %get3A_263, %get3A_263 : vector<16xf32>
        %add3A_265 = arith.addf %mul3A_258, %mul3A_264 : vector<16xf32>
        %cumsum3A_266 = arith.constant true
        %cumsum3A_267 = vector.broadcast %cumsum3A_266 : i1 to vector<16xi1>
        %cumsum3A_268 = tpu.scan <sum>, %add3A_265 masked %cumsum3A_267 : vector<16xf32>, vector<16xi1> -> vector<16xf32>
        %swap3A_269 = arith.constant 112 : index
        %swap3A_270 = tpu.vector_load %arg13[%swap3A_269] {strides = array<i32>} : memref<256xf32, #tpu.memory_space<vmem>>, vector<16xf32>,
        tpu.vector_store %arg13[%swap3A_269], %cumsum3A_268 {strides = array<i32>} : memref<256xf32, #tpu.memory_space<vmem>>, vector<16xf32>,
        %add3A_271 = arith.constant 8 : i32
        %add3A_272 = arith.addi %mul3A_129, %add3A_271 : i32
        %get3A_273 = arith.index_cast %add3A_272 : i32 to index
        %get3A_274 = arith.constant 0 : index
        %get3A_275 = tpu.vector_load %arg7[%get3A_273, %get3A_274] {strides = array<i32>} : memref<400x32xf32, #tpu.memory_space<vmem>>, vector<16xf32>,
        %mul3A_276 = arith.mulf %get3A_275, %get3A_275 : vector<16xf32>
        %add3A_277 = arith.constant 8 : i32
        %add3A_278 = arith.addi %mul3A_129, %add3A_277 : i32
        %get3A_279 = arith.index_cast %add3A_278 : i32 to index
        %get3A_280 = arith.constant 16 : index
        %get3A_281 = tpu.vector_load %arg7[%get3A_279, %get3A_280] {strides = array<i32>} : memref<400x32xf32, #tpu.memory_space<vmem>>, vector<16xf32>,
        %mul3A_282 = arith.mulf %get3A_281, %get3A_281 : vector<16xf32>
        %add3A_283 = arith.addf %mul3A_276, %mul3A_282 : vector<16xf32>
        %cumsum3A_284 = arith.constant true
        %cumsum3A_285 = vector.broadcast %cumsum3A_284 : i1 to vector<16xi1>
        %cumsum3A_286 = tpu.scan <sum>, %add3A_283 masked %cumsum3A_285 : vector<16xf32>, vector<16xi1> -> vector<16xf32>
        %swap3A_287 = arith.constant 128 : index
        %swap3A_288 = tpu.vector_load %arg13[%swap3A_287] {strides = array<i32>} : memref<256xf32, #tpu.memory_space<vmem>>, vector<16xf32>,
        tpu.vector_store %arg13[%swap3A_287], %cumsum3A_286 {strides = array<i32>} : memref<256xf32, #tpu.memory_space<vmem>>, vector<16xf32>,
        %add3A_289 = arith.constant 9 : i32
        %add3A_290 = arith.addi %mul3A_129, %add3A_289 : i32
        %get3A_291 = arith.index_cast %add3A_290 : i32 to index
        %get3A_292 = arith.constant 0 : index
        %get3A_293 = tpu.vector_load %arg7[%get3A_291, %get3A_292] {strides = array<i32>} : memref<400x32xf32, #tpu.memory_space<vmem>>, vector<16xf32>,
        %mul3A_294 = arith.mulf %get3A_293, %get3A_293 : vector<16xf32>
        %add3A_295 = arith.constant 9 : i32
        %add3A_296 = arith.addi %mul3A_129, %add3A_295 : i32
        %get3A_297 = arith.index_cast %add3A_296 : i32 to index
        %get3A_298 = arith.constant 16 : index
        %get3A_299 = tpu.vector_load %arg7[%get3A_297, %get3A_298] {strides = array<i32>} : memref<400x32xf32, #tpu.memory_space<vmem>>, vector<16xf32>,
        %mul3A_300 = arith.mulf %get3A_299, %get3A_299 : vector<16xf32>
        %add3A_301 = arith.addf %mul3A_294, %mul3A_300 : vector<16xf32>
        %cumsum3A_302 = arith.constant true
        %cumsum3A_303 = vector.broadcast %cumsum3A_302 : i1 to vector<16xi1>
        %cumsum3A_304 = tpu.scan <sum>, %add3A_301 masked %cumsum3A_303 : vector<16xf32>, vector<16xi1> -> vector<16xf32>
        %swap3A_305 = arith.constant 144 : index
        %swap3A_306 = tpu.vector_load %arg13[%swap3A_305] {strides = array<i32>} : memref<256xf32, #tpu.memory_space<vmem>>, vector<16xf32>,
        tpu.vector_store %arg13[%swap3A_305], %cumsum3A_304 {strides = array<i32>} : memref<256xf32, #tpu.memory_space<vmem>>, vector<16xf32>,
        %add3A_307 = arith.constant 10 : i32
        %add3A_308 = arith.addi %mul3A_129, %add3A_307 : i32
        %get3A_309 = arith.index_cast %add3A_308 : i32 to index
        %get3A_310 = arith.constant 0 : index
        %get3A_311 = tpu.vector_load %arg7[%get3A_309, %get3A_310] {strides = array<i32>} : memref<400x32xf32, #tpu.memory_space<vmem>>, vector<16xf32>,
        %mul3A_312 = arith.mulf %get3A_311, %get3A_311 : vector<16xf32>
        %add3A_313 = arith.constant 10 : i32
        %add3A_314 = arith.addi %mul3A_129, %add3A_313 : i32
        %get3A_315 = arith.index_cast %add3A_314 : i32 to index
        %get3A_316 = arith.constant 16 : index
        %get3A_317 = tpu.vector_load %arg7[%get3A_315, %get3A_316] {strides = array<i32>} : memref<400x32xf32, #tpu.memory_space<vmem>>, vector<16xf32>,
        %mul3A_318 = arith.mulf %get3A_317, %get3A_317 : vector<16xf32>
        %add3A_319 = arith.addf %mul3A_312, %mul3A_318 : vector<16xf32>
        %cumsum3A_320 = arith.constant true
        %cumsum3A_321 = vector.broadcast %cumsum3A_320 : i1 to vector<16xi1>
        %cumsum3A_322 = tpu.scan <sum>, %add3A_319 masked %cumsum3A_321 : vector<16xf32>, vector<16xi1> -> vector<16xf32>
        %swap3A_323 = arith.constant 160 : index
        %swap3A_324 = tpu.vector_load %arg13[%swap3A_323] {strides = array<i32>} : memref<256xf32, #tpu.memory_space<vmem>>, vector<16xf32>,
        tpu.vector_store %arg13[%swap3A_323], %cumsum3A_322 {strides = array<i32>} : memref<256xf32, #tpu.memory_space<vmem>>, vector<16xf32>,
        %add3A_325 = arith.constant 11 : i32
        %add3A_326 = arith.addi %mul3A_129, %add3A_325 : i32
        %get3A_327 = arith.index_cast %add3A_326 : i32 to index
        %get3A_328 = arith.constant 0 : index
        %get3A_329 = tpu.vector_load %arg7[%get3A_327, %get3A_328] {strides = array<i32>} : memref<400x32xf32, #tpu.memory_space<vmem>>, vector<16xf32>,
        %mul3A_330 = arith.mulf %get3A_329, %get3A_329 : vector<16xf32>
        %add3A_331 = arith.constant 11 : i32
        %add3A_332 = arith.addi %mul3A_129, %add3A_331 : i32
        %get3A_333 = arith.index_cast %add3A_332 : i32 to index
        %get3A_334 = arith.constant 16 : index
        %get3A_335 = tpu.vector_load %arg7[%get3A_333, %get3A_334] {strides = array<i32>} : memref<400x32xf32, #tpu.memory_space<vmem>>, vector<16xf32>,
        %mul3A_336 = arith.mulf %get3A_335, %get3A_335 : vector<16xf32>
        %add3A_337 = arith.addf %mul3A_330, %mul3A_336 : vector<16xf32>
        %cumsum3A_338 = arith.constant true
        %cumsum3A_339 = vector.broadcast %cumsum3A_338 : i1 to vector<16xi1>
        %cumsum3A_340 = tpu.scan <sum>, %add3A_337 masked %cumsum3A_339 : vector<16xf32>, vector<16xi1> -> vector<16xf32>
        %swap3A_341 = arith.constant 176 : index
        %swap3A_342 = tpu.vector_load %arg13[%swap3A_341] {strides = array<i32>} : memref<256xf32, #tpu.memory_space<vmem>>, vector<16xf32>,
        tpu.vector_store %arg13[%swap3A_341], %cumsum3A_340 {strides = array<i32>} : memref<256xf32, #tpu.memory_space<vmem>>, vector<16xf32>,
        %add3A_343 = arith.constant 12 : i32
        %add3A_344 = arith.addi %mul3A_129, %add3A_343 : i32
        %get3A_345 = arith.index_cast %add3A_344 : i32 to index
        %get3A_346 = arith.constant 0 : index
        %get3A_347 = tpu.vector_load %arg7[%get3A_345, %get3A_346] {strides = array<i32>} : memref<400x32xf32, #tpu.memory_space<vmem>>, vector<16xf32>,
        %mul3A_348 = arith.mulf %get3A_347, %get3A_347 : vector<16xf32>
        %add3A_349 = arith.constant 12 : i32
        %add3A_350 = arith.addi %mul3A_129, %add3A_349 : i32
        %get3A_351 = arith.index_cast %add3A_350 : i32 to index
        %get3A_352 = arith.constant 16 : index
        %get3A_353 = tpu.vector_load %arg7[%get3A_351, %get3A_352] {strides = array<i32>} : memref<400x32xf32, #tpu.memory_space<vmem>>, vector<16xf32>,
        %mul3A_354 = arith.mulf %get3A_353, %get3A_353 : vector<16xf32>
        %add3A_355 = arith.addf %mul3A_348, %mul3A_354 : vector<16xf32>
        %cumsum3A_356 = arith.constant true
        %cumsum3A_357 = vector.broadcast %cumsum3A_356 : i1 to vector<16xi1>
        %cumsum3A_358 = tpu.scan <sum>, %add3A_355 masked %cumsum3A_357 : vector<16xf32>, vector<16xi1> -> vector<16xf32>
        %swap3A_359 = arith.constant 192 : index
        %swap3A_360 = tpu.vector_load %arg13[%swap3A_359] {strides = array<i32>} : memref<256xf32, #tpu.memory_space<vmem>>, vector<16xf32>,
        tpu.vector_store %arg13[%swap3A_359], %cumsum3A_358 {strides = array<i32>} : memref<256xf32, #tpu.memory_space<vmem>>, vector<16xf32>,
        %add3A_361 = arith.constant 13 : i32
        %add3A_362 = arith.addi %mul3A_129, %add3A_361 : i32
        %get3A_363 = arith.index_cast %add3A_362 : i32 to index
        %get3A_364 = arith.constant 0 : index
        %get3A_365 = tpu.vector_load %arg7[%get3A_363, %get3A_364] {strides = array<i32>} : memref<400x32xf32, #tpu.memory_space<vmem>>, vector<16xf32>,
        %mul3A_366 = arith.mulf %get3A_365, %get3A_365 : vector<16xf32>
        %add3A_367 = arith.constant 13 : i32
        %add3A_368 = arith.addi %mul3A_129, %add3A_367 : i32
        %get3A_369 = arith.index_cast %add3A_368 : i32 to index
        %get3A_370 = arith.constant 16 : index
        %get3A_371 = tpu.vector_load %arg7[%get3A_369, %get3A_370] {strides = array<i32>} : memref<400x32xf32, #tpu.memory_space<vmem>>, vector<16xf32>,
        %mul3A_372 = arith.mulf %get3A_371, %get3A_371 : vector<16xf32>
        %add3A_373 = arith.addf %mul3A_366, %mul3A_372 : vector<16xf32>
        %cumsum3A_374 = arith.constant true
        %cumsum3A_375 = vector.broadcast %cumsum3A_374 : i1 to vector<16xi1>
        %cumsum3A_376 = tpu.scan <sum>, %add3A_373 masked %cumsum3A_375 : vector<16xf32>, vector<16xi1> -> vector<16xf32>
        %swap3A_377 = arith.constant 208 : index
        %swap3A_378 = tpu.vector_load %arg13[%swap3A_377] {strides = array<i32>} : memref<256xf32, #tpu.memory_space<vmem>>, vector<16xf32>,
        tpu.vector_store %arg13[%swap3A_377], %cumsum3A_376 {strides = array<i32>} : memref<256xf32, #tpu.memory_space<vmem>>, vector<16xf32>,
        %add3A_379 = arith.constant 14 : i32
        %add3A_380 = arith.addi %mul3A_129, %add3A_379 : i32
        %get3A_381 = arith.index_cast %add3A_380 : i32 to index
        %get3A_382 = arith.constant 0 : index
        %get3A_383 = tpu.vector_load %arg7[%get3A_381, %get3A_382] {strides = array<i32>} : memref<400x32xf32, #tpu.memory_space<vmem>>, vector<16xf32>,
        %mul3A_384 = arith.mulf %get3A_383, %get3A_383 : vector<16xf32>
        %add3A_385 = arith.constant 14 : i32
        %add3A_386 = arith.addi %mul3A_129, %add3A_385 : i32
        %get3A_387 = arith.index_cast %add3A_386 : i32 to index
        %get3A_388 = arith.constant 16 : index
        %get3A_389 = tpu.vector_load %arg7[%get3A_387, %get3A_388] {strides = array<i32>} : memref<400x32xf32, #tpu.memory_space<vmem>>, vector<16xf32>,
        %mul3A_390 = arith.mulf %get3A_389, %get3A_389 : vector<16xf32>
        %add3A_391 = arith.addf %mul3A_384, %mul3A_390 : vector<16xf32>
        %cumsum3A_392 = arith.constant true
        %cumsum3A_393 = vector.broadcast %cumsum3A_392 : i1 to vector<16xi1>
        %cumsum3A_394 = tpu.scan <sum>, %add3A_391 masked %cumsum3A_393 : vector<16xf32>, vector<16xi1> -> vector<16xf32>
        %swap3A_395 = arith.constant 224 : index
        %swap3A_396 = tpu.vector_load %arg13[%swap3A_395] {strides = array<i32>} : memref<256xf32, #tpu.memory_space<vmem>>, vector<16xf32>,
        tpu.vector_store %arg13[%swap3A_395], %cumsum3A_394 {strides = array<i32>} : memref<256xf32, #tpu.memory_space<vmem>>, vector<16xf32>,
        %add3A_397 = arith.constant 15 : i32
        %add3A_398 = arith.addi %mul3A_129, %add3A_397 : i32
        %get3A_399 = arith.index_cast %add3A_398 : i32 to index
        %get3A_400 = arith.constant 0 : index
        %get3A_401 = tpu.vector_load %arg7[%get3A_399, %get3A_400] {strides = array<i32>} : memref<400x32xf32, #tpu.memory_space<vmem>>, vector<16xf32>,
        %mul3A_402 = arith.mulf %get3A_401, %get3A_401 : vector<16xf32>
        %add3A_403 = arith.constant 15 : i32
        %add3A_404 = arith.addi %mul3A_129, %add3A_403 : i32
        %get3A_405 = arith.index_cast %add3A_404 : i32 to index
        %get3A_406 = arith.constant 16 : index
        %get3A_407 = tpu.vector_load %arg7[%get3A_405, %get3A_406] {strides = array<i32>} : memref<400x32xf32, #tpu.memory_space<vmem>>, vector<16xf32>,
        %mul3A_408 = arith.mulf %get3A_407, %get3A_407 : vector<16xf32>
        %add3A_409 = arith.addf %mul3A_402, %mul3A_408 : vector<16xf32>
        %cumsum3A_410 = arith.constant true
        %cumsum3A_411 = vector.broadcast %cumsum3A_410 : i1 to vector<16xi1>
        %cumsum3A_412 = tpu.scan <sum>, %add3A_409 masked %cumsum3A_411 : vector<16xf32>, vector<16xi1> -> vector<16xf32>
        %swap3A_413 = arith.constant 240 : index
        %swap3A_414 = tpu.vector_load %arg13[%swap3A_413] {strides = array<i32>} : memref<256xf32, #tpu.memory_space<vmem>>, vector<16xf32>,
        tpu.vector_store %arg13[%swap3A_413], %cumsum3A_412 {strides = array<i32>} : memref<256xf32, #tpu.memory_space<vmem>>, vector<16xf32>,
        %gather3A = tpu.vector_load_idx %arg13[%add3A_6] : memref<256xf32, #tpu.memory_space<vmem>>[vector<16xi32>], vector<16xf32>,
        %get3A_415 = arith.index_cast %mul3A_129 : i32 to index
        %get3A_416 = tpu.vector_load %arg11[%get3A_415] {strides = array<i32>} : memref<400xf32, #tpu.memory_space<vmem>>, vector<16xf32>,
        %bitcast3A = vector.bitcast %gather3A : vector<16xf32> to vector<16xi32>
        %shift_right_arithmetic3A = arith.constant 1 : i32
        %shift_right_arithmetic3A_417 = vector.broadcast %shift_right_arithmetic3A : i32 to vector<16xi32>
        %shift_right_arithmetic3A_418 = arith.shrsi %bitcast3A, %shift_right_arithmetic3A_417 : vector<16xi32>
        %sub3A = arith.constant 1597463007 : i32
        %sub3A_419 = vector.broadcast %sub3A : i32 to vector<16xi32>
        %sub3A_420 = arith.subi %sub3A_419, %shift_right_arithmetic3A_418 : vector<16xi32>
        %bitcast3A_421 = vector.bitcast %sub3A_420 : vector<16xi32> to vector<16xf32>
        %mul3A_422 = arith.constant 5.000000e-01 : f32
        %mul3A_423 = vector.broadcast %mul3A_422 : f32 to vector<16xf32>
        %mul3A_424 = arith.mulf %gather3A, %mul3A_423 : vector<16xf32>
        %mul3A_425 = arith.mulf %mul3A_424, %bitcast3A_421 : vector<16xf32>
        %mul3A_426 = arith.mulf %mul3A_425, %bitcast3A_421 : vector<16xf32>
        %sub3A_427 = arith.constant 1.500000e+00 : f32
        %sub3A_428 = vector.broadcast %sub3A_427 : f32 to vector<16xf32>
        %sub3A_429 = arith.subf %sub3A_428, %mul3A_426 : vector<16xf32>
        %mul3A_430 = arith.mulf %bitcast3A_421, %sub3A_429 : vector<16xf32>
        %mul3A_431 = arith.mulf %mul3A_424, %mul3A_430 : vector<16xf32>
        %mul3A_432 = arith.mulf %mul3A_431, %mul3A_430 : vector<16xf32>
        %sub3A_433 = arith.constant 1.500000e+00 : f32
        %sub3A_434 = vector.broadcast %sub3A_433 : f32 to vector<16xf32>
        %sub3A_435 = arith.subf %sub3A_434, %mul3A_432 : vector<16xf32>
        %mul3A_436 = arith.mulf %mul3A_430, %sub3A_435 : vector<16xf32>
        %mul3A_437 = arith.mulf %get3A_416, %mul3A_436 : vector<16xf32>
        %broadcast_in_dim3A = arith.constant 0 : i32
        %broadcast_in_dim3A_438 = vector.broadcast %broadcast_in_dim3A : i32 to vector<16x1xi32>
        %gather3A_439 = vector.shape_cast %broadcast_in_dim3A_438 : vector<16x1xi32> to vector<16xi32>
        %gather3A_440 = tpu.dynamic_gather %mul3A_437[%gather3A_439] in [0] : vector<16xf32>, vector<16xi32> -> vector<16xf32>
        %add3A_441 = arith.constant 0 : i32
        %add3A_442 = arith.addi %mul3A_129, %add3A_441 : i32
        %mul3A_443 = arith.constant 41944 : i32
        %mul3A_444 = arith.muli %add3A_442, %mul3A_443 : i32
        %shift_right_logical3A = arith.constant 21 : i32
        %shift_right_logical3A_445 = arith.shrui %mul3A_444, %shift_right_logical3A : i32
        %mul3A_446 = arith.constant 50 : i32
        %mul3A_447 = arith.muli %shift_right_logical3A_445, %mul3A_446 : i32
        %sub3A_448 = arith.subi %add3A_442, %mul3A_447 : i32
        %get3A_449 = arith.index_cast %add3A_442 : i32 to index
        %get3A_450 = arith.constant 0 : index
        %get3A_451 = tpu.vector_load %arg7[%get3A_449, %get3A_450] {strides = array<i32>} : memref<400x32xf32, #tpu.memory_space<vmem>>, vector<16xf32>,
        %mul3A_452 = arith.mulf %get3A_451, %gather3A_440 : vector<16xf32>
        %swap3A_453 = arith.index_cast %shift_right_logical3A_445 : i32 to index
        %swap3A_454 = arith.index_cast %sub3A_448 : i32 to index
        %swap3A_455 = arith.constant 0 : index
        %swap3A_456 = tpu.vector_load %arg9[%swap3A_453, %swap3A_454, %swap3A_455] {strides = array<i32>} : memref<8x50x32xf32, #tpu.memory_space<vmem>>, vector<16xf32>,
        tpu.vector_store %arg9[%swap3A_453, %swap3A_454, %swap3A_455], %mul3A_452 {strides = array<i32>} : memref<8x50x32xf32, #tpu.memory_space<vmem>>, vector<16xf32>,
        %get3A_457 = arith.index_cast %add3A_442 : i32 to index
        %get3A_458 = arith.constant 16 : index
        %get3A_459 = tpu.vector_load %arg7[%get3A_457, %get3A_458] {strides = array<i32>} : memref<400x32xf32, #tpu.memory_space<vmem>>, vector<16xf32>,
        %mul3A_460 = arith.mulf %get3A_459, %gather3A_440 : vector<16xf32>
        %swap3A_461 = arith.index_cast %shift_right_logical3A_445 : i32 to index
        %swap3A_462 = arith.index_cast %sub3A_448 : i32 to index
        %swap3A_463 = arith.constant 16 : index
        %swap3A_464 = tpu.vector_load %arg9[%swap3A_461, %swap3A_462, %swap3A_463] {strides = array<i32>} : memref<8x50x32xf32, #tpu.memory_space<vmem>>, vector<16xf32>,
        tpu.vector_store %arg9[%swap3A_461, %swap3A_462, %swap3A_463], %mul3A_460 {strides = array<i32>} : memref<8x50x32xf32, #tpu.memory_space<vmem>>, vector<16xf32>,
        %broadcast_in_dim3A_465 = arith.constant 1 : i32
        %broadcast_in_dim3A_466 = vector.broadcast %broadcast_in_dim3A_465 : i32 to vector<16x1xi32>
        %gather3A_467 = vector.shape_cast %broadcast_in_dim3A_466 : vector<16x1xi32> to vector<16xi32>
        %gather3A_468 = tpu.dynamic_gather %mul3A_437[%gather3A_467] in [0] : vector<16xf32>, vector<16xi32> -> vector<16xf32>
        %add3A_469 = arith.constant 1 : i32
        %add3A_470 = arith.addi %mul3A_129, %add3A_469 : i32
        %mul3A_471 = arith.constant 41944 : i32
        %mul3A_472 = arith.muli %add3A_470, %mul3A_471 : i32
        %shift_right_logical3A_473 = arith.constant 21 : i32
        %shift_right_logical3A_474 = arith.shrui %mul3A_472, %shift_right_logical3A_473 : i32
        %mul3A_475 = arith.constant 50 : i32
        %mul3A_476 = arith.muli %shift_right_logical3A_474, %mul3A_475 : i32
        %sub3A_477 = arith.subi %add3A_470, %mul3A_476 : i32
        %get3A_478 = arith.index_cast %add3A_470 : i32 to index
        %get3A_479 = arith.constant 0 : index
        %get3A_480 = tpu.vector_load %arg7[%get3A_478, %get3A_479] {strides = array<i32>} : memref<400x32xf32, #tpu.memory_space<vmem>>, vector<16xf32>,
        %mul3A_481 = arith.mulf %get3A_480, %gather3A_468 : vector<16xf32>
        %swap3A_482 = arith.index_cast %shift_right_logical3A_474 : i32 to index
        %swap3A_483 = arith.index_cast %sub3A_477 : i32 to index
        %swap3A_484 = arith.constant 0 : index
        %swap3A_485 = tpu.vector_load %arg9[%swap3A_482, %swap3A_483, %swap3A_484] {strides = array<i32>} : memref<8x50x32xf32, #tpu.memory_space<vmem>>, vector<16xf32>,
        tpu.vector_store %arg9[%swap3A_482, %swap3A_483, %swap3A_484], %mul3A_481 {strides = array<i32>} : memref<8x50x32xf32, #tpu.memory_space<vmem>>, vector<16xf32>,
        %get3A_486 = arith.index_cast %add3A_470 : i32 to index
        %get3A_487 = arith.constant 16 : index
        %get3A_488 = tpu.vector_load %arg7[%get3A_486, %get3A_487] {strides = array<i32>} : memref<400x32xf32, #tpu.memory_space<vmem>>, vector<16xf32>,
        %mul3A_489 = arith.mulf %get3A_488, %gather3A_468 : vector<16xf32>
        %swap3A_490 = arith.index_cast %shift_right_logical3A_474 : i32 to index
        %swap3A_491 = arith.index_cast %sub3A_477 : i32 to index
        %swap3A_492 = arith.constant 16 : index
        %swap3A_493 = tpu.vector_load %arg9[%swap3A_490, %swap3A_491, %swap3A_492] {strides = array<i32>} : memref<8x50x32xf32, #tpu.memory_space<vmem>>, vector<16xf32>,
        tpu.vector_store %arg9[%swap3A_490, %swap3A_491, %swap3A_492], %mul3A_489 {strides = array<i32>} : memref<8x50x32xf32, #tpu.memory_space<vmem>>, vector<16xf32>,
        %broadcast_in_dim3A_494 = arith.constant 2 : i32
        %broadcast_in_dim3A_495 = vector.broadcast %broadcast_in_dim3A_494 : i32 to vector<16x1xi32>
        %gather3A_496 = vector.shape_cast %broadcast_in_dim3A_495 : vector<16x1xi32> to vector<16xi32>
        %gather3A_497 = tpu.dynamic_gather %mul3A_437[%gather3A_496] in [0] : vector<16xf32>, vector<16xi32> -> vector<16xf32>
        %add3A_498 = arith.constant 2 : i32
        %add3A_499 = arith.addi %mul3A_129, %add3A_498 : i32
        %mul3A_500 = arith.constant 41944 : i32
        %mul3A_501 = arith.muli %add3A_499, %mul3A_500 : i32
        %shift_right_logical3A_502 = arith.constant 21 : i32
        %shift_right_logical3A_503 = arith.shrui %mul3A_501, %shift_right_logical3A_502 : i32
        %mul3A_504 = arith.constant 50 : i32
        %mul3A_505 = arith.muli %shift_right_logical3A_503, %mul3A_504 : i32
        %sub3A_506 = arith.subi %add3A_499, %mul3A_505 : i32
        %get3A_507 = arith.index_cast %add3A_499 : i32 to index
        %get3A_508 = arith.constant 0 : index
        %get3A_509 = tpu.vector_load %arg7[%get3A_507, %get3A_508] {strides = array<i32>} : memref<400x32xf32, #tpu.memory_space<vmem>>, vector<16xf32>,
        %mul3A_510 = arith.mulf %get3A_509, %gather3A_497 : vector<16xf32>
        %swap3A_511 = arith.index_cast %shift_right_logical3A_503 : i32 to index
        %swap3A_512 = arith.index_cast %sub3A_506 : i32 to index
        %swap3A_513 = arith.constant 0 : index
        %swap3A_514 = tpu.vector_load %arg9[%swap3A_511, %swap3A_512, %swap3A_513] {strides = array<i32>} : memref<8x50x32xf32, #tpu.memory_space<vmem>>, vector<16xf32>,
        tpu.vector_store %arg9[%swap3A_511, %swap3A_512, %swap3A_513], %mul3A_510 {strides = array<i32>} : memref<8x50x32xf32, #tpu.memory_space<vmem>>, vector<16xf32>,
        %get3A_515 = arith.index_cast %add3A_499 : i32 to index
        %get3A_516 = arith.constant 16 : index
        %get3A_517 = tpu.vector_load %arg7[%get3A_515, %get3A_516] {strides = array<i32>} : memref<400x32xf32, #tpu.memory_space<vmem>>, vector<16xf32>,
        %mul3A_518 = arith.mulf %get3A_517, %gather3A_497 : vector<16xf32>
        %swap3A_519 = arith.index_cast %shift_right_logical3A_503 : i32 to index
        %swap3A_520 = arith.index_cast %sub3A_506 : i32 to index
        %swap3A_521 = arith.constant 16 : index
        %swap3A_522 = tpu.vector_load %arg9[%swap3A_519, %swap3A_520, %swap3A_521] {strides = array<i32>} : memref<8x50x32xf32, #tpu.memory_space<vmem>>, vector<16xf32>,
        tpu.vector_store %arg9[%swap3A_519, %swap3A_520, %swap3A_521], %mul3A_518 {strides = array<i32>} : memref<8x50x32xf32, #tpu.memory_space<vmem>>, vector<16xf32>,
        %broadcast_in_dim3A_523 = arith.constant 3 : i32
        %broadcast_in_dim3A_524 = vector.broadcast %broadcast_in_dim3A_523 : i32 to vector<16x1xi32>
        %gather3A_525 = vector.shape_cast %broadcast_in_dim3A_524 : vector<16x1xi32> to vector<16xi32>
        %gather3A_526 = tpu.dynamic_gather %mul3A_437[%gather3A_525] in [0] : vector<16xf32>, vector<16xi32> -> vector<16xf32>
        %add3A_527 = arith.constant 3 : i32
        %add3A_528 = arith.addi %mul3A_129, %add3A_527 : i32
        %mul3A_529 = arith.constant 41944 : i32
        %mul3A_530 = arith.muli %add3A_528, %mul3A_529 : i32
        %shift_right_logical3A_531 = arith.constant 21 : i32
        %shift_right_logical3A_532 = arith.shrui %mul3A_530, %shift_right_logical3A_531 : i32
        %mul3A_533 = arith.constant 50 : i32
        %mul3A_534 = arith.muli %shift_right_logical3A_532, %mul3A_533 : i32
        %sub3A_535 = arith.subi %add3A_528, %mul3A_534 : i32
        %get3A_536 = arith.index_cast %add3A_528 : i32 to index
        %get3A_537 = arith.constant 0 : index
        %get3A_538 = tpu.vector_load %arg7[%get3A_536, %get3A_537] {strides = array<i32>} : memref<400x32xf32, #tpu.memory_space<vmem>>, vector<16xf32>,
        %mul3A_539 = arith.mulf %get3A_538, %gather3A_526 : vector<16xf32>
        %swap3A_540 = arith.index_cast %shift_right_logical3A_532 : i32 to index
        %swap3A_541 = arith.index_cast %sub3A_535 : i32 to index
        %swap3A_542 = arith.constant 0 : index
        %swap3A_543 = tpu.vector_load %arg9[%swap3A_540, %swap3A_541, %swap3A_542] {strides = array<i32>} : memref<8x50x32xf32, #tpu.memory_space<vmem>>, vector<16xf32>,
        tpu.vector_store %arg9[%swap3A_540, %swap3A_541, %swap3A_542], %mul3A_539 {strides = array<i32>} : memref<8x50x32xf32, #tpu.memory_space<vmem>>, vector<16xf32>,
        %get3A_544 = arith.index_cast %add3A_528 : i32 to index
        %get3A_545 = arith.constant 16 : index
        %get3A_546 = tpu.vector_load %arg7[%get3A_544, %get3A_545] {strides = array<i32>} : memref<400x32xf32, #tpu.memory_space<vmem>>, vector<16xf32>,
        %mul3A_547 = arith.mulf %get3A_546, %gather3A_526 : vector<16xf32>
        %swap3A_548 = arith.index_cast %shift_right_logical3A_532 : i32 to index
        %swap3A_549 = arith.index_cast %sub3A_535 : i32 to index
        %swap3A_550 = arith.constant 16 : index
        %swap3A_551 = tpu.vector_load %arg9[%swap3A_548, %swap3A_549, %swap3A_550] {strides = array<i32>} : memref<8x50x32xf32, #tpu.memory_space<vmem>>, vector<16xf32>,
        tpu.vector_store %arg9[%swap3A_548, %swap3A_549, %swap3A_550], %mul3A_547 {strides = array<i32>} : memref<8x50x32xf32, #tpu.memory_space<vmem>>, vector<16xf32>,
        %broadcast_in_dim3A_552 = arith.constant 4 : i32
        %broadcast_in_dim3A_553 = vector.broadcast %broadcast_in_dim3A_552 : i32 to vector<16x1xi32>
        %gather3A_554 = vector.shape_cast %broadcast_in_dim3A_553 : vector<16x1xi32> to vector<16xi32>
        %gather3A_555 = tpu.dynamic_gather %mul3A_437[%gather3A_554] in [0] : vector<16xf32>, vector<16xi32> -> vector<16xf32>
        %add3A_556 = arith.constant 4 : i32
        %add3A_557 = arith.addi %mul3A_129, %add3A_556 : i32
        %mul3A_558 = arith.constant 41944 : i32
        %mul3A_559 = arith.muli %add3A_557, %mul3A_558 : i32
        %shift_right_logical3A_560 = arith.constant 21 : i32
        %shift_right_logical3A_561 = arith.shrui %mul3A_559, %shift_right_logical3A_560 : i32
        %mul3A_562 = arith.constant 50 : i32
        %mul3A_563 = arith.muli %shift_right_logical3A_561, %mul3A_562 : i32
        %sub3A_564 = arith.subi %add3A_557, %mul3A_563 : i32
        %get3A_565 = arith.index_cast %add3A_557 : i32 to index
        %get3A_566 = arith.constant 0 : index
        %get3A_567 = tpu.vector_load %arg7[%get3A_565, %get3A_566] {strides = array<i32>} : memref<400x32xf32, #tpu.memory_space<vmem>>, vector<16xf32>,
        %mul3A_568 = arith.mulf %get3A_567, %gather3A_555 : vector<16xf32>
        %swap3A_569 = arith.index_cast %shift_right_logical3A_561 : i32 to index
        %swap3A_570 = arith.index_cast %sub3A_564 : i32 to index
        %swap3A_571 = arith.constant 0 : index
        %swap3A_572 = tpu.vector_load %arg9[%swap3A_569, %swap3A_570, %swap3A_571] {strides = array<i32>} : memref<8x50x32xf32, #tpu.memory_space<vmem>>, vector<16xf32>,
        tpu.vector_store %arg9[%swap3A_569, %swap3A_570, %swap3A_571], %mul3A_568 {strides = array<i32>} : memref<8x50x32xf32, #tpu.memory_space<vmem>>, vector<16xf32>,
        %get3A_573 = arith.index_cast %add3A_557 : i32 to index
        %get3A_574 = arith.constant 16 : index
        %get3A_575 = tpu.vector_load %arg7[%get3A_573, %get3A_574] {strides = array<i32>} : memref<400x32xf32, #tpu.memory_space<vmem>>, vector<16xf32>,
        %mul3A_576 = arith.mulf %get3A_575, %gather3A_555 : vector<16xf32>
        %swap3A_577 = arith.index_cast %shift_right_logical3A_561 : i32 to index
        %swap3A_578 = arith.index_cast %sub3A_564 : i32 to index
        %swap3A_579 = arith.constant 16 : index
        %swap3A_580 = tpu.vector_load %arg9[%swap3A_577, %swap3A_578, %swap3A_579] {strides = array<i32>} : memref<8x50x32xf32, #tpu.memory_space<vmem>>, vector<16xf32>,
        tpu.vector_store %arg9[%swap3A_577, %swap3A_578, %swap3A_579], %mul3A_576 {strides = array<i32>} : memref<8x50x32xf32, #tpu.memory_space<vmem>>, vector<16xf32>,
        %broadcast_in_dim3A_581 = arith.constant 5 : i32
        %broadcast_in_dim3A_582 = vector.broadcast %broadcast_in_dim3A_581 : i32 to vector<16x1xi32>
        %gather3A_583 = vector.shape_cast %broadcast_in_dim3A_582 : vector<16x1xi32> to vector<16xi32>
        %gather3A_584 = tpu.dynamic_gather %mul3A_437[%gather3A_583] in [0] : vector<16xf32>, vector<16xi32> -> vector<16xf32>
        %add3A_585 = arith.constant 5 : i32
        %add3A_586 = arith.addi %mul3A_129, %add3A_585 : i32
        %mul3A_587 = arith.constant 41944 : i32
        %mul3A_588 = arith.muli %add3A_586, %mul3A_587 : i32
        %shift_right_logical3A_589 = arith.constant 21 : i32
        %shift_right_logical3A_590 = arith.shrui %mul3A_588, %shift_right_logical3A_589 : i32
        %mul3A_591 = arith.constant 50 : i32
        %mul3A_592 = arith.muli %shift_right_logical3A_590, %mul3A_591 : i32
        %sub3A_593 = arith.subi %add3A_586, %mul3A_592 : i32
        %get3A_594 = arith.index_cast %add3A_586 : i32 to index
        %get3A_595 = arith.constant 0 : index
        %get3A_596 = tpu.vector_load %arg7[%get3A_594, %get3A_595] {strides = array<i32>} : memref<400x32xf32, #tpu.memory_space<vmem>>, vector<16xf32>,
        %mul3A_597 = arith.mulf %get3A_596, %gather3A_584 : vector<16xf32>
        %swap3A_598 = arith.index_cast %shift_right_logical3A_590 : i32 to index
        %swap3A_599 = arith.index_cast %sub3A_593 : i32 to index
        %swap3A_600 = arith.constant 0 : index
        %swap3A_601 = tpu.vector_load %arg9[%swap3A_598, %swap3A_599, %swap3A_600] {strides = array<i32>} : memref<8x50x32xf32, #tpu.memory_space<vmem>>, vector<16xf32>,
        tpu.vector_store %arg9[%swap3A_598, %swap3A_599, %swap3A_600], %mul3A_597 {strides = array<i32>} : memref<8x50x32xf32, #tpu.memory_space<vmem>>, vector<16xf32>,
        %get3A_602 = arith.index_cast %add3A_586 : i32 to index
        %get3A_603 = arith.constant 16 : index
        %get3A_604 = tpu.vector_load %arg7[%get3A_602, %get3A_603] {strides = array<i32>} : memref<400x32xf32, #tpu.memory_space<vmem>>, vector<16xf32>,
        %mul3A_605 = arith.mulf %get3A_604, %gather3A_584 : vector<16xf32>
        %swap3A_606 = arith.index_cast %shift_right_logical3A_590 : i32 to index
        %swap3A_607 = arith.index_cast %sub3A_593 : i32 to index
        %swap3A_608 = arith.constant 16 : index
        %swap3A_609 = tpu.vector_load %arg9[%swap3A_606, %swap3A_607, %swap3A_608] {strides = array<i32>} : memref<8x50x32xf32, #tpu.memory_space<vmem>>, vector<16xf32>,
        tpu.vector_store %arg9[%swap3A_606, %swap3A_607, %swap3A_608], %mul3A_605 {strides = array<i32>} : memref<8x50x32xf32, #tpu.memory_space<vmem>>, vector<16xf32>,
        %broadcast_in_dim3A_610 = arith.constant 6 : i32
        %broadcast_in_dim3A_611 = vector.broadcast %broadcast_in_dim3A_610 : i32 to vector<16x1xi32>
        %gather3A_612 = vector.shape_cast %broadcast_in_dim3A_611 : vector<16x1xi32> to vector<16xi32>
        %gather3A_613 = tpu.dynamic_gather %mul3A_437[%gather3A_612] in [0] : vector<16xf32>, vector<16xi32> -> vector<16xf32>
        %add3A_614 = arith.constant 6 : i32
        %add3A_615 = arith.addi %mul3A_129, %add3A_614 : i32
        %mul3A_616 = arith.constant 41944 : i32
        %mul3A_617 = arith.muli %add3A_615, %mul3A_616 : i32
        %shift_right_logical3A_618 = arith.constant 21 : i32
        %shift_right_logical3A_619 = arith.shrui %mul3A_617, %shift_right_logical3A_618 : i32
        %mul3A_620 = arith.constant 50 : i32
        %mul3A_621 = arith.muli %shift_right_logical3A_619, %mul3A_620 : i32
        %sub3A_622 = arith.subi %add3A_615, %mul3A_621 : i32
        %get3A_623 = arith.index_cast %add3A_615 : i32 to index
        %get3A_624 = arith.constant 0 : index
        %get3A_625 = tpu.vector_load %arg7[%get3A_623, %get3A_624] {strides = array<i32>} : memref<400x32xf32, #tpu.memory_space<vmem>>, vector<16xf32>,
        %mul3A_626 = arith.mulf %get3A_625, %gather3A_613 : vector<16xf32>
        %swap3A_627 = arith.index_cast %shift_right_logical3A_619 : i32 to index
        %swap3A_628 = arith.index_cast %sub3A_622 : i32 to index
        %swap3A_629 = arith.constant 0 : index
        %swap3A_630 = tpu.vector_load %arg9[%swap3A_627, %swap3A_628, %swap3A_629] {strides = array<i32>} : memref<8x50x32xf32, #tpu.memory_space<vmem>>, vector<16xf32>,
        tpu.vector_store %arg9[%swap3A_627, %swap3A_628, %swap3A_629], %mul3A_626 {strides = array<i32>} : memref<8x50x32xf32, #tpu.memory_space<vmem>>, vector<16xf32>,
        %get3A_631 = arith.index_cast %add3A_615 : i32 to index
        %get3A_632 = arith.constant 16 : index
        %get3A_633 = tpu.vector_load %arg7[%get3A_631, %get3A_632] {strides = array<i32>} : memref<400x32xf32, #tpu.memory_space<vmem>>, vector<16xf32>,
        %mul3A_634 = arith.mulf %get3A_633, %gather3A_613 : vector<16xf32>
        %swap3A_635 = arith.index_cast %shift_right_logical3A_619 : i32 to index
        %swap3A_636 = arith.index_cast %sub3A_622 : i32 to index
        %swap3A_637 = arith.constant 16 : index
        %swap3A_638 = tpu.vector_load %arg9[%swap3A_635, %swap3A_636, %swap3A_637] {strides = array<i32>} : memref<8x50x32xf32, #tpu.memory_space<vmem>>, vector<16xf32>,
        tpu.vector_store %arg9[%swap3A_635, %swap3A_636, %swap3A_637], %mul3A_634 {strides = array<i32>} : memref<8x50x32xf32, #tpu.memory_space<vmem>>, vector<16xf32>,
        %broadcast_in_dim3A_639 = arith.constant 7 : i32
        %broadcast_in_dim3A_640 = vector.broadcast %broadcast_in_dim3A_639 : i32 to vector<16x1xi32>
        %gather3A_641 = vector.shape_cast %broadcast_in_dim3A_640 : vector<16x1xi32> to vector<16xi32>
        %gather3A_642 = tpu.dynamic_gather %mul3A_437[%gather3A_641] in [0] : vector<16xf32>, vector<16xi32> -> vector<16xf32>
        %add3A_643 = arith.constant 7 : i32
        %add3A_644 = arith.addi %mul3A_129, %add3A_643 : i32
        %mul3A_645 = arith.constant 41944 : i32
        %mul3A_646 = arith.muli %add3A_644, %mul3A_645 : i32
        %shift_right_logical3A_647 = arith.constant 21 : i32
        %shift_right_logical3A_648 = arith.shrui %mul3A_646, %shift_right_logical3A_647 : i32
        %mul3A_649 = arith.constant 50 : i32
        %mul3A_650 = arith.muli %shift_right_logical3A_648, %mul3A_649 : i32
        %sub3A_651 = arith.subi %add3A_644, %mul3A_650 : i32
        %get3A_652 = arith.index_cast %add3A_644 : i32 to index
        %get3A_653 = arith.constant 0 : index
        %get3A_654 = tpu.vector_load %arg7[%get3A_652, %get3A_653] {strides = array<i32>} : memref<400x32xf32, #tpu.memory_space<vmem>>, vector<16xf32>,
        %mul3A_655 = arith.mulf %get3A_654, %gather3A_642 : vector<16xf32>
        %swap3A_656 = arith.index_cast %shift_right_logical3A_648 : i32 to index
        %swap3A_657 = arith.index_cast %sub3A_651 : i32 to index
        %swap3A_658 = arith.constant 0 : index
        %swap3A_659 = tpu.vector_load %arg9[%swap3A_656, %swap3A_657, %swap3A_658] {strides = array<i32>} : memref<8x50x32xf32, #tpu.memory_space<vmem>>, vector<16xf32>,
        tpu.vector_store %arg9[%swap3A_656, %swap3A_657, %swap3A_658], %mul3A_655 {strides = array<i32>} : memref<8x50x32xf32, #tpu.memory_space<vmem>>, vector<16xf32>,
        %get3A_660 = arith.index_cast %add3A_644 : i32 to index
        %get3A_661 = arith.constant 16 : index
        %get3A_662 = tpu.vector_load %arg7[%get3A_660, %get3A_661] {strides = array<i32>} : memref<400x32xf32, #tpu.memory_space<vmem>>, vector<16xf32>,
        %mul3A_663 = arith.mulf %get3A_662, %gather3A_642 : vector<16xf32>
        %swap3A_664 = arith.index_cast %shift_right_logical3A_648 : i32 to index
        %swap3A_665 = arith.index_cast %sub3A_651 : i32 to index
        %swap3A_666 = arith.constant 16 : index
        %swap3A_667 = tpu.vector_load %arg9[%swap3A_664, %swap3A_665, %swap3A_666] {strides = array<i32>} : memref<8x50x32xf32, #tpu.memory_space<vmem>>, vector<16xf32>,
        tpu.vector_store %arg9[%swap3A_664, %swap3A_665, %swap3A_666], %mul3A_663 {strides = array<i32>} : memref<8x50x32xf32, #tpu.memory_space<vmem>>, vector<16xf32>,
        %broadcast_in_dim3A_668 = arith.constant 8 : i32
        %broadcast_in_dim3A_669 = vector.broadcast %broadcast_in_dim3A_668 : i32 to vector<16x1xi32>
        %gather3A_670 = vector.shape_cast %broadcast_in_dim3A_669 : vector<16x1xi32> to vector<16xi32>
        %gather3A_671 = tpu.dynamic_gather %mul3A_437[%gather3A_670] in [0] : vector<16xf32>, vector<16xi32> -> vector<16xf32>
        %add3A_672 = arith.constant 8 : i32
        %add3A_673 = arith.addi %mul3A_129, %add3A_672 : i32
        %mul3A_674 = arith.constant 41944 : i32
        %mul3A_675 = arith.muli %add3A_673, %mul3A_674 : i32
        %shift_right_logical3A_676 = arith.constant 21 : i32
        %shift_right_logical3A_677 = arith.shrui %mul3A_675, %shift_right_logical3A_676 : i32
        %mul3A_678 = arith.constant 50 : i32
        %mul3A_679 = arith.muli %shift_right_logical3A_677, %mul3A_678 : i32
        %sub3A_680 = arith.subi %add3A_673, %mul3A_679 : i32
        %get3A_681 = arith.index_cast %add3A_673 : i32 to index
        %get3A_682 = arith.constant 0 : index
        %get3A_683 = tpu.vector_load %arg7[%get3A_681, %get3A_682] {strides = array<i32>} : memref<400x32xf32, #tpu.memory_space<vmem>>, vector<16xf32>,
        %mul3A_684 = arith.mulf %get3A_683, %gather3A_671 : vector<16xf32>
        %swap3A_685 = arith.index_cast %shift_right_logical3A_677 : i32 to index
        %swap3A_686 = arith.index_cast %sub3A_680 : i32 to index
        %swap3A_687 = arith.constant 0 : index
        %swap3A_688 = tpu.vector_load %arg9[%swap3A_685, %swap3A_686, %swap3A_687] {strides = array<i32>} : memref<8x50x32xf32, #tpu.memory_space<vmem>>, vector<16xf32>,
        tpu.vector_store %arg9[%swap3A_685, %swap3A_686, %swap3A_687], %mul3A_684 {strides = array<i32>} : memref<8x50x32xf32, #tpu.memory_space<vmem>>, vector<16xf32>,
        %get3A_689 = arith.index_cast %add3A_673 : i32 to index
        %get3A_690 = arith.constant 16 : index
        %get3A_691 = tpu.vector_load %arg7[%get3A_689, %get3A_690] {strides = array<i32>} : memref<400x32xf32, #tpu.memory_space<vmem>>, vector<16xf32>,
        %mul3A_692 = arith.mulf %get3A_691, %gather3A_671 : vector<16xf32>
        %swap3A_693 = arith.index_cast %shift_right_logical3A_677 : i32 to index
        %swap3A_694 = arith.index_cast %sub3A_680 : i32 to index
        %swap3A_695 = arith.constant 16 : index
        %swap3A_696 = tpu.vector_load %arg9[%swap3A_693, %swap3A_694, %swap3A_695] {strides = array<i32>} : memref<8x50x32xf32, #tpu.memory_space<vmem>>, vector<16xf32>,
        tpu.vector_store %arg9[%swap3A_693, %swap3A_694, %swap3A_695], %mul3A_692 {strides = array<i32>} : memref<8x50x32xf32, #tpu.memory_space<vmem>>, vector<16xf32>,
        %broadcast_in_dim3A_697 = arith.constant 9 : i32
        %broadcast_in_dim3A_698 = vector.broadcast %broadcast_in_dim3A_697 : i32 to vector<16x1xi32>
        %gather3A_699 = vector.shape_cast %broadcast_in_dim3A_698 : vector<16x1xi32> to vector<16xi32>
        %gather3A_700 = tpu.dynamic_gather %mul3A_437[%gather3A_699] in [0] : vector<16xf32>, vector<16xi32> -> vector<16xf32>
        %add3A_701 = arith.constant 9 : i32
        %add3A_702 = arith.addi %mul3A_129, %add3A_701 : i32
        %mul3A_703 = arith.constant 41944 : i32
        %mul3A_704 = arith.muli %add3A_702, %mul3A_703 : i32
        %shift_right_logical3A_705 = arith.constant 21 : i32
        %shift_right_logical3A_706 = arith.shrui %mul3A_704, %shift_right_logical3A_705 : i32
        %mul3A_707 = arith.constant 50 : i32
        %mul3A_708 = arith.muli %shift_right_logical3A_706, %mul3A_707 : i32
        %sub3A_709 = arith.subi %add3A_702, %mul3A_708 : i32
        %get3A_710 = arith.index_cast %add3A_702 : i32 to index
        %get3A_711 = arith.constant 0 : index
        %get3A_712 = tpu.vector_load %arg7[%get3A_710, %get3A_711] {strides = array<i32>} : memref<400x32xf32, #tpu.memory_space<vmem>>, vector<16xf32>,
        %mul3A_713 = arith.mulf %get3A_712, %gather3A_700 : vector<16xf32>
        %swap3A_714 = arith.index_cast %shift_right_logical3A_706 : i32 to index
        %swap3A_715 = arith.index_cast %sub3A_709 : i32 to index
        %swap3A_716 = arith.constant 0 : index
        %swap3A_717 = tpu.vector_load %arg9[%swap3A_714, %swap3A_715, %swap3A_716] {strides = array<i32>} : memref<8x50x32xf32, #tpu.memory_space<vmem>>, vector<16xf32>,
        tpu.vector_store %arg9[%swap3A_714, %swap3A_715, %swap3A_716], %mul3A_713 {strides = array<i32>} : memref<8x50x32xf32, #tpu.memory_space<vmem>>, vector<16xf32>,
        %get3A_718 = arith.index_cast %add3A_702 : i32 to index
        %get3A_719 = arith.constant 16 : index
        %get3A_720 = tpu.vector_load %arg7[%get3A_718, %get3A_719] {strides = array<i32>} : memref<400x32xf32, #tpu.memory_space<vmem>>, vector<16xf32>,
        %mul3A_721 = arith.mulf %get3A_720, %gather3A_700 : vector<16xf32>
        %swap3A_722 = arith.index_cast %shift_right_logical3A_706 : i32 to index
        %swap3A_723 = arith.index_cast %sub3A_709 : i32 to index
        %swap3A_724 = arith.constant 16 : index
        %swap3A_725 = tpu.vector_load %arg9[%swap3A_722, %swap3A_723, %swap3A_724] {strides = array<i32>} : memref<8x50x32xf32, #tpu.memory_space<vmem>>, vector<16xf32>,
        tpu.vector_store %arg9[%swap3A_722, %swap3A_723, %swap3A_724], %mul3A_721 {strides = array<i32>} : memref<8x50x32xf32, #tpu.memory_space<vmem>>, vector<16xf32>,
        %broadcast_in_dim3A_726 = arith.constant 10 : i32
        %broadcast_in_dim3A_727 = vector.broadcast %broadcast_in_dim3A_726 : i32 to vector<16x1xi32>
        %gather3A_728 = vector.shape_cast %broadcast_in_dim3A_727 : vector<16x1xi32> to vector<16xi32>
        %gather3A_729 = tpu.dynamic_gather %mul3A_437[%gather3A_728] in [0] : vector<16xf32>, vector<16xi32> -> vector<16xf32>
        %add3A_730 = arith.constant 10 : i32
        %add3A_731 = arith.addi %mul3A_129, %add3A_730 : i32
        %mul3A_732 = arith.constant 41944 : i32
        %mul3A_733 = arith.muli %add3A_731, %mul3A_732 : i32
        %shift_right_logical3A_734 = arith.constant 21 : i32
        %shift_right_logical3A_735 = arith.shrui %mul3A_733, %shift_right_logical3A_734 : i32
        %mul3A_736 = arith.constant 50 : i32
        %mul3A_737 = arith.muli %shift_right_logical3A_735, %mul3A_736 : i32
        %sub3A_738 = arith.subi %add3A_731, %mul3A_737 : i32
        %get3A_739 = arith.index_cast %add3A_731 : i32 to index
        %get3A_740 = arith.constant 0 : index
        %get3A_741 = tpu.vector_load %arg7[%get3A_739, %get3A_740] {strides = array<i32>} : memref<400x32xf32, #tpu.memory_space<vmem>>, vector<16xf32>,
        %mul3A_742 = arith.mulf %get3A_741, %gather3A_729 : vector<16xf32>
        %swap3A_743 = arith.index_cast %shift_right_logical3A_735 : i32 to index
        %swap3A_744 = arith.index_cast %sub3A_738 : i32 to index
        %swap3A_745 = arith.constant 0 : index
        %swap3A_746 = tpu.vector_load %arg9[%swap3A_743, %swap3A_744, %swap3A_745] {strides = array<i32>} : memref<8x50x32xf32, #tpu.memory_space<vmem>>, vector<16xf32>,
        tpu.vector_store %arg9[%swap3A_743, %swap3A_744, %swap3A_745], %mul3A_742 {strides = array<i32>} : memref<8x50x32xf32, #tpu.memory_space<vmem>>, vector<16xf32>,
        %get3A_747 = arith.index_cast %add3A_731 : i32 to index
        %get3A_748 = arith.constant 16 : index
        %get3A_749 = tpu.vector_load %arg7[%get3A_747, %get3A_748] {strides = array<i32>} : memref<400x32xf32, #tpu.memory_space<vmem>>, vector<16xf32>,
        %mul3A_750 = arith.mulf %get3A_749, %gather3A_729 : vector<16xf32>
        %swap3A_751 = arith.index_cast %shift_right_logical3A_735 : i32 to index
        %swap3A_752 = arith.index_cast %sub3A_738 : i32 to index
        %swap3A_753 = arith.constant 16 : index
        %swap3A_754 = tpu.vector_load %arg9[%swap3A_751, %swap3A_752, %swap3A_753] {strides = array<i32>} : memref<8x50x32xf32, #tpu.memory_space<vmem>>, vector<16xf32>,
        tpu.vector_store %arg9[%swap3A_751, %swap3A_752, %swap3A_753], %mul3A_750 {strides = array<i32>} : memref<8x50x32xf32, #tpu.memory_space<vmem>>, vector<16xf32>,
        %broadcast_in_dim3A_755 = arith.constant 11 : i32
        %broadcast_in_dim3A_756 = vector.broadcast %broadcast_in_dim3A_755 : i32 to vector<16x1xi32>
        %gather3A_757 = vector.shape_cast %broadcast_in_dim3A_756 : vector<16x1xi32> to vector<16xi32>
        %gather3A_758 = tpu.dynamic_gather %mul3A_437[%gather3A_757] in [0] : vector<16xf32>, vector<16xi32> -> vector<16xf32>
        %add3A_759 = arith.constant 11 : i32
        %add3A_760 = arith.addi %mul3A_129, %add3A_759 : i32
        %mul3A_761 = arith.constant 41944 : i32
        %mul3A_762 = arith.muli %add3A_760, %mul3A_761 : i32
        %shift_right_logical3A_763 = arith.constant 21 : i32
        %shift_right_logical3A_764 = arith.shrui %mul3A_762, %shift_right_logical3A_763 : i32
        %mul3A_765 = arith.constant 50 : i32
        %mul3A_766 = arith.muli %shift_right_logical3A_764, %mul3A_765 : i32
        %sub3A_767 = arith.subi %add3A_760, %mul3A_766 : i32
        %get3A_768 = arith.index_cast %add3A_760 : i32 to index
        %get3A_769 = arith.constant 0 : index
        %get3A_770 = tpu.vector_load %arg7[%get3A_768, %get3A_769] {strides = array<i32>} : memref<400x32xf32, #tpu.memory_space<vmem>>, vector<16xf32>,
        %mul3A_771 = arith.mulf %get3A_770, %gather3A_758 : vector<16xf32>
        %swap3A_772 = arith.index_cast %shift_right_logical3A_764 : i32 to index
        %swap3A_773 = arith.index_cast %sub3A_767 : i32 to index
        %swap3A_774 = arith.constant 0 : index
        %swap3A_775 = tpu.vector_load %arg9[%swap3A_772, %swap3A_773, %swap3A_774] {strides = array<i32>} : memref<8x50x32xf32, #tpu.memory_space<vmem>>, vector<16xf32>,
        tpu.vector_store %arg9[%swap3A_772, %swap3A_773, %swap3A_774], %mul3A_771 {strides = array<i32>} : memref<8x50x32xf32, #tpu.memory_space<vmem>>, vector<16xf32>,
        %get3A_776 = arith.index_cast %add3A_760 : i32 to index
        %get3A_777 = arith.constant 16 : index
        %get3A_778 = tpu.vector_load %arg7[%get3A_776, %get3A_777] {strides = array<i32>} : memref<400x32xf32, #tpu.memory_space<vmem>>, vector<16xf32>,
        %mul3A_779 = arith.mulf %get3A_778, %gather3A_758 : vector<16xf32>
        %swap3A_780 = arith.index_cast %shift_right_logical3A_764 : i32 to index
        %swap3A_781 = arith.index_cast %sub3A_767 : i32 to index
        %swap3A_782 = arith.constant 16 : index
        %swap3A_783 = tpu.vector_load %arg9[%swap3A_780, %swap3A_781, %swap3A_782] {strides = array<i32>} : memref<8x50x32xf32, #tpu.memory_space<vmem>>, vector<16xf32>,
        tpu.vector_store %arg9[%swap3A_780, %swap3A_781, %swap3A_782], %mul3A_779 {strides = array<i32>} : memref<8x50x32xf32, #tpu.memory_space<vmem>>, vector<16xf32>,
        %broadcast_in_dim3A_784 = arith.constant 12 : i32
        %broadcast_in_dim3A_785 = vector.broadcast %broadcast_in_dim3A_784 : i32 to vector<16x1xi32>
        %gather3A_786 = vector.shape_cast %broadcast_in_dim3A_785 : vector<16x1xi32> to vector<16xi32>
        %gather3A_787 = tpu.dynamic_gather %mul3A_437[%gather3A_786] in [0] : vector<16xf32>, vector<16xi32> -> vector<16xf32>
        %add3A_788 = arith.constant 12 : i32
        %add3A_789 = arith.addi %mul3A_129, %add3A_788 : i32
        %mul3A_790 = arith.constant 41944 : i32
        %mul3A_791 = arith.muli %add3A_789, %mul3A_790 : i32
        %shift_right_logical3A_792 = arith.constant 21 : i32
        %shift_right_logical3A_793 = arith.shrui %mul3A_791, %shift_right_logical3A_792 : i32
        %mul3A_794 = arith.constant 50 : i32
        %mul3A_795 = arith.muli %shift_right_logical3A_793, %mul3A_794 : i32
        %sub3A_796 = arith.subi %add3A_789, %mul3A_795 : i32
        %get3A_797 = arith.index_cast %add3A_789 : i32 to index
        %get3A_798 = arith.constant 0 : index
        %get3A_799 = tpu.vector_load %arg7[%get3A_797, %get3A_798] {strides = array<i32>} : memref<400x32xf32, #tpu.memory_space<vmem>>, vector<16xf32>,
        %mul3A_800 = arith.mulf %get3A_799, %gather3A_787 : vector<16xf32>
        %swap3A_801 = arith.index_cast %shift_right_logical3A_793 : i32 to index
        %swap3A_802 = arith.index_cast %sub3A_796 : i32 to index
        %swap3A_803 = arith.constant 0 : index
        %swap3A_804 = tpu.vector_load %arg9[%swap3A_801, %swap3A_802, %swap3A_803] {strides = array<i32>} : memref<8x50x32xf32, #tpu.memory_space<vmem>>, vector<16xf32>,
        tpu.vector_store %arg9[%swap3A_801, %swap3A_802, %swap3A_803], %mul3A_800 {strides = array<i32>} : memref<8x50x32xf32, #tpu.memory_space<vmem>>, vector<16xf32>,
        %get3A_805 = arith.index_cast %add3A_789 : i32 to index
        %get3A_806 = arith.constant 16 : index
        %get3A_807 = tpu.vector_load %arg7[%get3A_805, %get3A_806] {strides = array<i32>} : memref<400x32xf32, #tpu.memory_space<vmem>>, vector<16xf32>,
        %mul3A_808 = arith.mulf %get3A_807, %gather3A_787 : vector<16xf32>
        %swap3A_809 = arith.index_cast %shift_right_logical3A_793 : i32 to index
        %swap3A_810 = arith.index_cast %sub3A_796 : i32 to index
        %swap3A_811 = arith.constant 16 : index
        %swap3A_812 = tpu.vector_load %arg9[%swap3A_809, %swap3A_810, %swap3A_811] {strides = array<i32>} : memref<8x50x32xf32, #tpu.memory_space<vmem>>, vector<16xf32>,
        tpu.vector_store %arg9[%swap3A_809, %swap3A_810, %swap3A_811], %mul3A_808 {strides = array<i32>} : memref<8x50x32xf32, #tpu.memory_space<vmem>>, vector<16xf32>,
        %broadcast_in_dim3A_813 = arith.constant 13 : i32
        %broadcast_in_dim3A_814 = vector.broadcast %broadcast_in_dim3A_813 : i32 to vector<16x1xi32>
        %gather3A_815 = vector.shape_cast %broadcast_in_dim3A_814 : vector<16x1xi32> to vector<16xi32>
        %gather3A_816 = tpu.dynamic_gather %mul3A_437[%gather3A_815] in [0] : vector<16xf32>, vector<16xi32> -> vector<16xf32>
        %add3A_817 = arith.constant 13 : i32
        %add3A_818 = arith.addi %mul3A_129, %add3A_817 : i32
        %mul3A_819 = arith.constant 41944 : i32
        %mul3A_820 = arith.muli %add3A_818, %mul3A_819 : i32
        %shift_right_logical3A_821 = arith.constant 21 : i32
        %shift_right_logical3A_822 = arith.shrui %mul3A_820, %shift_right_logical3A_821 : i32
        %mul3A_823 = arith.constant 50 : i32
        %mul3A_824 = arith.muli %shift_right_logical3A_822, %mul3A_823 : i32
        %sub3A_825 = arith.subi %add3A_818, %mul3A_824 : i32
        %get3A_826 = arith.index_cast %add3A_818 : i32 to index
        %get3A_827 = arith.constant 0 : index
        %get3A_828 = tpu.vector_load %arg7[%get3A_826, %get3A_827] {strides = array<i32>} : memref<400x32xf32, #tpu.memory_space<vmem>>, vector<16xf32>,
        %mul3A_829 = arith.mulf %get3A_828, %gather3A_816 : vector<16xf32>
        %swap3A_830 = arith.index_cast %shift_right_logical3A_822 : i32 to index
        %swap3A_831 = arith.index_cast %sub3A_825 : i32 to index
        %swap3A_832 = arith.constant 0 : index
        %swap3A_833 = tpu.vector_load %arg9[%swap3A_830, %swap3A_831, %swap3A_832] {strides = array<i32>} : memref<8x50x32xf32, #tpu.memory_space<vmem>>, vector<16xf32>,
        tpu.vector_store %arg9[%swap3A_830, %swap3A_831, %swap3A_832], %mul3A_829 {strides = array<i32>} : memref<8x50x32xf32, #tpu.memory_space<vmem>>, vector<16xf32>,
        %get3A_834 = arith.index_cast %add3A_818 : i32 to index
        %get3A_835 = arith.constant 16 : index
        %get3A_836 = tpu.vector_load %arg7[%get3A_834, %get3A_835] {strides = array<i32>} : memref<400x32xf32, #tpu.memory_space<vmem>>, vector<16xf32>,
        %mul3A_837 = arith.mulf %get3A_836, %gather3A_816 : vector<16xf32>
        %swap3A_838 = arith.index_cast %shift_right_logical3A_822 : i32 to index
        %swap3A_839 = arith.index_cast %sub3A_825 : i32 to index
        %swap3A_840 = arith.constant 16 : index
        %swap3A_841 = tpu.vector_load %arg9[%swap3A_838, %swap3A_839, %swap3A_840] {strides = array<i32>} : memref<8x50x32xf32, #tpu.memory_space<vmem>>, vector<16xf32>,
        tpu.vector_store %arg9[%swap3A_838, %swap3A_839, %swap3A_840], %mul3A_837 {strides = array<i32>} : memref<8x50x32xf32, #tpu.memory_space<vmem>>, vector<16xf32>,
        %broadcast_in_dim3A_842 = arith.constant 14 : i32
        %broadcast_in_dim3A_843 = vector.broadcast %broadcast_in_dim3A_842 : i32 to vector<16x1xi32>
        %gather3A_844 = vector.shape_cast %broadcast_in_dim3A_843 : vector<16x1xi32> to vector<16xi32>
        %gather3A_845 = tpu.dynamic_gather %mul3A_437[%gather3A_844] in [0] : vector<16xf32>, vector<16xi32> -> vector<16xf32>
        %add3A_846 = arith.constant 14 : i32
        %add3A_847 = arith.addi %mul3A_129, %add3A_846 : i32
        %mul3A_848 = arith.constant 41944 : i32
        %mul3A_849 = arith.muli %add3A_847, %mul3A_848 : i32
        %shift_right_logical3A_850 = arith.constant 21 : i32
        %shift_right_logical3A_851 = arith.shrui %mul3A_849, %shift_right_logical3A_850 : i32
        %mul3A_852 = arith.constant 50 : i32
        %mul3A_853 = arith.muli %shift_right_logical3A_851, %mul3A_852 : i32
        %sub3A_854 = arith.subi %add3A_847, %mul3A_853 : i32
        %get3A_855 = arith.index_cast %add3A_847 : i32 to index
        %get3A_856 = arith.constant 0 : index
        %get3A_857 = tpu.vector_load %arg7[%get3A_855, %get3A_856] {strides = array<i32>} : memref<400x32xf32, #tpu.memory_space<vmem>>, vector<16xf32>,
        %mul3A_858 = arith.mulf %get3A_857, %gather3A_845 : vector<16xf32>
        %swap3A_859 = arith.index_cast %shift_right_logical3A_851 : i32 to index
        %swap3A_860 = arith.index_cast %sub3A_854 : i32 to index
        %swap3A_861 = arith.constant 0 : index
        %swap3A_862 = tpu.vector_load %arg9[%swap3A_859, %swap3A_860, %swap3A_861] {strides = array<i32>} : memref<8x50x32xf32, #tpu.memory_space<vmem>>, vector<16xf32>,
        tpu.vector_store %arg9[%swap3A_859, %swap3A_860, %swap3A_861], %mul3A_858 {strides = array<i32>} : memref<8x50x32xf32, #tpu.memory_space<vmem>>, vector<16xf32>,
        %get3A_863 = arith.index_cast %add3A_847 : i32 to index
        %get3A_864 = arith.constant 16 : index
        %get3A_865 = tpu.vector_load %arg7[%get3A_863, %get3A_864] {strides = array<i32>} : memref<400x32xf32, #tpu.memory_space<vmem>>, vector<16xf32>,
        %mul3A_866 = arith.mulf %get3A_865, %gather3A_845 : vector<16xf32>
        %swap3A_867 = arith.index_cast %shift_right_logical3A_851 : i32 to index
        %swap3A_868 = arith.index_cast %sub3A_854 : i32 to index
        %swap3A_869 = arith.constant 16 : index
        %swap3A_870 = tpu.vector_load %arg9[%swap3A_867, %swap3A_868, %swap3A_869] {strides = array<i32>} : memref<8x50x32xf32, #tpu.memory_space<vmem>>, vector<16xf32>,
        tpu.vector_store %arg9[%swap3A_867, %swap3A_868, %swap3A_869], %mul3A_866 {strides = array<i32>} : memref<8x50x32xf32, #tpu.memory_space<vmem>>, vector<16xf32>,
        %broadcast_in_dim3A_871 = arith.constant 15 : i32
        %broadcast_in_dim3A_872 = vector.broadcast %broadcast_in_dim3A_871 : i32 to vector<16x1xi32>
        %gather3A_873 = vector.shape_cast %broadcast_in_dim3A_872 : vector<16x1xi32> to vector<16xi32>
        %gather3A_874 = tpu.dynamic_gather %mul3A_437[%gather3A_873] in [0] : vector<16xf32>, vector<16xi32> -> vector<16xf32>
        %add3A_875 = arith.constant 15 : i32
        %add3A_876 = arith.addi %mul3A_129, %add3A_875 : i32
        %mul3A_877 = arith.constant 41944 : i32
        %mul3A_878 = arith.muli %add3A_876, %mul3A_877 : i32
        %shift_right_logical3A_879 = arith.constant 21 : i32
        %shift_right_logical3A_880 = arith.shrui %mul3A_878, %shift_right_logical3A_879 : i32
        %mul3A_881 = arith.constant 50 : i32
        %mul3A_882 = arith.muli %shift_right_logical3A_880, %mul3A_881 : i32
        %sub3A_883 = arith.subi %add3A_876, %mul3A_882 : i32
        %get3A_884 = arith.index_cast %add3A_876 : i32 to index
        %get3A_885 = arith.constant 0 : index
        %get3A_886 = tpu.vector_load %arg7[%get3A_884, %get3A_885] {strides = array<i32>} : memref<400x32xf32, #tpu.memory_space<vmem>>, vector<16xf32>,
        %mul3A_887 = arith.mulf %get3A_886, %gather3A_874 : vector<16xf32>
        %swap3A_888 = arith.index_cast %shift_right_logical3A_880 : i32 to index
        %swap3A_889 = arith.index_cast %sub3A_883 : i32 to index
        %swap3A_890 = arith.constant 0 : index
        %swap3A_891 = tpu.vector_load %arg9[%swap3A_888, %swap3A_889, %swap3A_890] {strides = array<i32>} : memref<8x50x32xf32, #tpu.memory_space<vmem>>, vector<16xf32>,
        tpu.vector_store %arg9[%swap3A_888, %swap3A_889, %swap3A_890], %mul3A_887 {strides = array<i32>} : memref<8x50x32xf32, #tpu.memory_space<vmem>>, vector<16xf32>,
        %get3A_892 = arith.index_cast %add3A_876 : i32 to index
        %get3A_893 = arith.constant 16 : index
        %get3A_894 = tpu.vector_load %arg7[%get3A_892, %get3A_893] {strides = array<i32>} : memref<400x32xf32, #tpu.memory_space<vmem>>, vector<16xf32>,
        %mul3A_895 = arith.mulf %get3A_894, %gather3A_874 : vector<16xf32>
        %swap3A_896 = arith.index_cast %shift_right_logical3A_880 : i32 to index
        %swap3A_897 = arith.index_cast %sub3A_883 : i32 to index
        %swap3A_898 = arith.constant 16 : index
        %swap3A_899 = tpu.vector_load %arg9[%swap3A_896, %swap3A_897, %swap3A_898] {strides = array<i32>} : memref<8x50x32xf32, #tpu.memory_space<vmem>>, vector<16xf32>,
        tpu.vector_store %arg9[%swap3A_896, %swap3A_897, %swap3A_898], %mul3A_895 {strides = array<i32>} : memref<8x50x32xf32, #tpu.memory_space<vmem>>, vector<16xf32>,
      }
      %scan3A_73 = arith.constant 25 : i32
      %mul3A_74 = arith.constant 8 : i32
      %mul3A_75 = arith.muli %add3A_50, %mul3A_74 : i32
      %add3A_76 = arith.addi %mul3A_8, %mul3A_75 : i32
      %dma_start3A_77 = arith.constant 0 : i32
      %dma_start3A_78 = arith.constant 0 : i32
      %dma_start3A_79 = tpu.memref_slice %arg5[%add3A_76, %dma_start3A_77, %dma_start3A_78] : memref<16384x50x32xf32, #tpu.memory_space<hbm>> -> memref<8x50x32xf32, #tpu.memory_space<hbm>>
      %dma_start3A_80 = arith.constant 0 : i32
      %dma_start3A_81 = arith.constant 0 : i32
      %dma_start3A_82 = tpu.memref_slice %arg5[%add3A_76, %dma_start3A_80, %dma_start3A_81] : memref<16384x50x32xf32, #tpu.memory_space<hbm>> -> memref<8x50x32xf32, #tpu.memory_space<hbm>>
      tpu.enqueue_dma source(%arg9 : memref<8x50x32xf32, #tpu.memory_space<vmem>>) target(%dma_start3A_82 : memref<8x50x32xf32, #tpu.memory_space<hbm>>) target_semaphore(%arg18 : memref<!tpu.dma_semaphore, #tpu.memory_space<semaphore_mem>>)
      %mul3A_83 = arith.constant 2 : i32
      %mul3A_84 = arith.muli %add3A_46, %mul3A_83 : i32
      %add3A_85 = arith.constant 1 : i32
      %add3A_86 = arith.addi %mul3A_84, %add3A_85 : i32
      %add3A_87 = arith.constant 1 : i32
      %add3A_88 = arith.addi %add3A_86, %add3A_87 : i32
      %lt3A_89 = arith.constant 64 : i32
      %lt3A_90 = arith.cmpi slt, %add3A_88, %lt3A_89 : i32
      %convert_element_type3A_91 = arith.extui %lt3A_90 : i1 to i32
      %cond3A_92 = arith.constant 0 : i32
      %cond3A_93 = arith.cmpi ne, %convert_element_type3A_91, %cond3A_92 : i32
      scf.if %cond3A_93 {
        %dma_start3A_123 = arith.constant 0 : i32
        %dma_start3A_124 = tpu.memref_slice %arg6[%add3A_88, %dma_start3A_123] : memref<64x400xi32, #tpu.memory_space<vmem>> -> memref<1x400xi32, #tpu.memory_space<vmem>>
        %dma_start3A_125 = tpu.memref_squeeze %dma_start3A_124 : memref<1x400xi32, #tpu.memory_space<vmem>> -> memref<400xi32, #tpu.memory_space<vmem>>
        %dma_start3A_126 = arith.constant 0 : i32
        %dma_start3A_127 = arith.constant 0 : i32
        %dma_start3A_128 = tpu.memref_slice %arg2[%dma_start3A_126, %dma_start3A_127] : memref<1000000x32xf32, #tpu.memory_space<hbm>> -> memref<1000000x32xf32, #tpu.memory_space<hbm>>
        tpu.enqueue_indirect_dma source(%dma_start3A_128 : memref<1000000x32xf32, #tpu.memory_space<hbm>>) target(%arg7 : memref<400x32xf32, #tpu.memory_space<vmem>>) offsets(%dma_start3A_125 : memref<400xi32, #tpu.memory_space<vmem>>) semaphore(%arg14 : memref<!tpu.dma_semaphore, #tpu.memory_space<semaphore_mem>>)
        %dma_start3A_129 = arith.constant 0 : i32
        %dma_start3A_130 = tpu.memref_slice %arg6[%add3A_88, %dma_start3A_129] : memref<64x400xi32, #tpu.memory_space<vmem>> -> memref<1x400xi32, #tpu.memory_space<vmem>>
        %dma_start3A_131 = tpu.memref_squeeze %dma_start3A_130 : memref<1x400xi32, #tpu.memory_space<vmem>> -> memref<400xi32, #tpu.memory_space<vmem>>
        %dma_start3A_132 = arith.constant 0 : i32
        %dma_start3A_133 = tpu.memref_slice %arg3[%dma_start3A_132] : memref<1000000xf32, #tpu.memory_space<hbm>> -> memref<1000000xf32, #tpu.memory_space<hbm>>
        tpu.enqueue_indirect_dma source(%dma_start3A_133 : memref<1000000xf32, #tpu.memory_space<hbm>>) target(%arg11 : memref<400xf32, #tpu.memory_space<vmem>>) offsets(%dma_start3A_131 : memref<400xi32, #tpu.memory_space<vmem>>) semaphore(%arg16 : memref<!tpu.dma_semaphore, #tpu.memory_space<semaphore_mem>>)
      } else {
      }
      %ge3A_94 = arith.constant 2 : i32
      %ge3A_95 = arith.cmpi sge, %add3A_86, %ge3A_94 : i32
      %convert_element_type3A_96 = arith.extui %ge3A_95 : i1 to i32
      %cond3A_97 = arith.constant 0 : i32
      %cond3A_98 = arith.cmpi ne, %convert_element_type3A_96, %cond3A_97 : i32
      scf.if %cond3A_98 {
        %dma_wait3A_123 = arith.constant 0 : i32
        %dma_wait3A_124 = arith.constant 0 : i32
        %dma_wait3A_125 = arith.constant 0 : i32
        %dma_wait3A_126 = tpu.memref_slice %arg5[%dma_wait3A_123, %dma_wait3A_124, %dma_wait3A_125] : memref<16384x50x32xf32, #tpu.memory_space<hbm>> -> memref<8x50x32xf32, #tpu.memory_space<hbm>>
        %dma_wait3A_127 = arith.constant 0 : i32
        %dma_wait3A_128 = arith.constant 0 : i32
        %dma_wait3A_129 = arith.constant 0 : i32
        %dma_wait3A_130 = tpu.memref_slice %arg5[%dma_wait3A_127, %dma_wait3A_128, %dma_wait3A_129] : memref<16384x50x32xf32, #tpu.memory_space<hbm>> -> memref<8x50x32xf32, #tpu.memory_space<hbm>>
        tpu.wait_dma2 semaphore(%arg19 : memref<!tpu.dma_semaphore, #tpu.memory_space<semaphore_mem>>) src(%arg10 : memref<8x50x32xf32, #tpu.memory_space<vmem>>) dst(%dma_wait3A_130 : memref<8x50x32xf32, #tpu.memory_space<hbm>>)
      } else {
      }
      %dma_wait3A_99 = arith.constant 0 : i32
      %dma_wait3A_100 = arith.constant 0 : i32
      %dma_wait3A_101 = tpu.memref_slice %arg2[%dma_wait3A_99, %dma_wait3A_100] : memref<1000000x32xf32, #tpu.memory_space<hbm>> -> memref<400x32xf32, #tpu.memory_space<hbm>>
      %dma_wait3A_102 = arith.constant 0 : i32
      %dma_wait3A_103 = arith.constant 0 : i32
      %dma_wait3A_104 = tpu.memref_slice %arg2[%dma_wait3A_102, %dma_wait3A_103] : memref<1000000x32xf32, #tpu.memory_space<hbm>> -> memref<400x32xf32, #tpu.memory_space<hbm>>
      tpu.wait_dma2 semaphore(%arg15 : memref<!tpu.dma_semaphore, #tpu.memory_space<semaphore_mem>>) src(%dma_wait3A_104 : memref<400x32xf32, #tpu.memory_space<hbm>>) dst(%arg8 : memref<400x32xf32, #tpu.memory_space<vmem>>)
      %dma_wait3A_105 = arith.constant 0 : i32
      %dma_wait3A_106 = tpu.memref_slice %arg3[%dma_wait3A_105] : memref<1000000xf32, #tpu.memory_space<hbm>> -> memref<400xf32, #tpu.memory_space<hbm>>
      %dma_wait3A_107 = arith.constant 0 : i32
      %dma_wait3A_108 = tpu.memref_slice %arg3[%dma_wait3A_107] : memref<1000000xf32, #tpu.memory_space<hbm>> -> memref<400xf32, #tpu.memory_space<hbm>>
      tpu.wait_dma2 semaphore(%arg17 : memref<!tpu.dma_semaphore, #tpu.memory_space<semaphore_mem>>) src(%dma_wait3A_108 : memref<400xf32, #tpu.memory_space<hbm>>) dst(%arg12 : memref<400xf32, #tpu.memory_space<vmem>>)
      %scan3A_109 = arith.constant 0 : i32
      %scan3A_110 = arith.constant 25 : i32
      %scan3A_111 = arith.addi %scan3A_109, %scan3A_110 : i32
      %scan3A_112 = arith.constant 1 : i32
      scf.for %scan3A_123 = %scan3A_109 to %scan3A_111 step %scan3A_112  : i32 {
        %mul3A_124 = arith.constant 1 : i32
        %mul3A_125 = arith.muli %scan3A_123, %mul3A_124 : i32
        %add3A_126 = arith.constant 0 : i32
        %add3A_127 = arith.addi %add3A_126, %mul3A_125 : i32
        %mul3A_128 = arith.constant 16 : i32
        %mul3A_129 = arith.muli %add3A_127, %mul3A_128 : i32
        %add3A_130 = arith.constant 0 : i32
        %add3A_131 = arith.addi %mul3A_129, %add3A_130 : i32
        %get3A = arith.index_cast %add3A_131 : i32 to index
        %get3A_132 = arith.constant 0 : index
        %get3A_133 = tpu.vector_load %arg8[%get3A, %get3A_132] {strides = array<i32>} : memref<400x32xf32, #tpu.memory_space<vmem>>, vector<16xf32>,
        %mul3A_134 = arith.mulf %get3A_133, %get3A_133 : vector<16xf32>
        %add3A_135 = arith.constant 0 : i32
        %add3A_136 = arith.addi %mul3A_129, %add3A_135 : i32
        %get3A_137 = arith.index_cast %add3A_136 : i32 to index
        %get3A_138 = arith.constant 16 : index
        %get3A_139 = tpu.vector_load %arg8[%get3A_137, %get3A_138] {strides = array<i32>} : memref<400x32xf32, #tpu.memory_space<vmem>>, vector<16xf32>,
        %mul3A_140 = arith.mulf %get3A_139, %get3A_139 : vector<16xf32>
        %add3A_141 = arith.addf %mul3A_134, %mul3A_140 : vector<16xf32>
        %cumsum3A = arith.constant true
        %cumsum3A_142 = vector.broadcast %cumsum3A : i1 to vector<16xi1>
        %cumsum3A_143 = tpu.scan <sum>, %add3A_141 masked %cumsum3A_142 : vector<16xf32>, vector<16xi1> -> vector<16xf32>
        %swap3A = arith.constant 0 : index
        %swap3A_144 = tpu.vector_load %arg13[%swap3A] {strides = array<i32>} : memref<256xf32, #tpu.memory_space<vmem>>, vector<16xf32>,
        tpu.vector_store %arg13[%swap3A], %cumsum3A_143 {strides = array<i32>} : memref<256xf32, #tpu.memory_space<vmem>>, vector<16xf32>,
        %add3A_145 = arith.constant 1 : i32
        %add3A_146 = arith.addi %mul3A_129, %add3A_145 : i32
        %get3A_147 = arith.index_cast %add3A_146 : i32 to index
        %get3A_148 = arith.constant 0 : index
        %get3A_149 = tpu.vector_load %arg8[%get3A_147, %get3A_148] {strides = array<i32>} : memref<400x32xf32, #tpu.memory_space<vmem>>, vector<16xf32>,
        %mul3A_150 = arith.mulf %get3A_149, %get3A_149 : vector<16xf32>
        %add3A_151 = arith.constant 1 : i32
        %add3A_152 = arith.addi %mul3A_129, %add3A_151 : i32
        %get3A_153 = arith.index_cast %add3A_152 : i32 to index
        %get3A_154 = arith.constant 16 : index
        %get3A_155 = tpu.vector_load %arg8[%get3A_153, %get3A_154] {strides = array<i32>} : memref<400x32xf32, #tpu.memory_space<vmem>>, vector<16xf32>,
        %mul3A_156 = arith.mulf %get3A_155, %get3A_155 : vector<16xf32>
        %add3A_157 = arith.addf %mul3A_150, %mul3A_156 : vector<16xf32>
        %cumsum3A_158 = arith.constant true
        %cumsum3A_159 = vector.broadcast %cumsum3A_158 : i1 to vector<16xi1>
        %cumsum3A_160 = tpu.scan <sum>, %add3A_157 masked %cumsum3A_159 : vector<16xf32>, vector<16xi1> -> vector<16xf32>
        %swap3A_161 = arith.constant 16 : index
        %swap3A_162 = tpu.vector_load %arg13[%swap3A_161] {strides = array<i32>} : memref<256xf32, #tpu.memory_space<vmem>>, vector<16xf32>,
        tpu.vector_store %arg13[%swap3A_161], %cumsum3A_160 {strides = array<i32>} : memref<256xf32, #tpu.memory_space<vmem>>, vector<16xf32>,
        %add3A_163 = arith.constant 2 : i32
        %add3A_164 = arith.addi %mul3A_129, %add3A_163 : i32
        %get3A_165 = arith.index_cast %add3A_164 : i32 to index
        %get3A_166 = arith.constant 0 : index
        %get3A_167 = tpu.vector_load %arg8[%get3A_165, %get3A_166] {strides = array<i32>} : memref<400x32xf32, #tpu.memory_space<vmem>>, vector<16xf32>,
        %mul3A_168 = arith.mulf %get3A_167, %get3A_167 : vector<16xf32>
        %add3A_169 = arith.constant 2 : i32
        %add3A_170 = arith.addi %mul3A_129, %add3A_169 : i32
        %get3A_171 = arith.index_cast %add3A_170 : i32 to index
        %get3A_172 = arith.constant 16 : index
        %get3A_173 = tpu.vector_load %arg8[%get3A_171, %get3A_172] {strides = array<i32>} : memref<400x32xf32, #tpu.memory_space<vmem>>, vector<16xf32>,
        %mul3A_174 = arith.mulf %get3A_173, %get3A_173 : vector<16xf32>
        %add3A_175 = arith.addf %mul3A_168, %mul3A_174 : vector<16xf32>
        %cumsum3A_176 = arith.constant true
        %cumsum3A_177 = vector.broadcast %cumsum3A_176 : i1 to vector<16xi1>
        %cumsum3A_178 = tpu.scan <sum>, %add3A_175 masked %cumsum3A_177 : vector<16xf32>, vector<16xi1> -> vector<16xf32>
        %swap3A_179 = arith.constant 32 : index
        %swap3A_180 = tpu.vector_load %arg13[%swap3A_179] {strides = array<i32>} : memref<256xf32, #tpu.memory_space<vmem>>, vector<16xf32>,
        tpu.vector_store %arg13[%swap3A_179], %cumsum3A_178 {strides = array<i32>} : memref<256xf32, #tpu.memory_space<vmem>>, vector<16xf32>,
        %add3A_181 = arith.constant 3 : i32
        %add3A_182 = arith.addi %mul3A_129, %add3A_181 : i32
        %get3A_183 = arith.index_cast %add3A_182 : i32 to index
        %get3A_184 = arith.constant 0 : index
        %get3A_185 = tpu.vector_load %arg8[%get3A_183, %get3A_184] {strides = array<i32>} : memref<400x32xf32, #tpu.memory_space<vmem>>, vector<16xf32>,
        %mul3A_186 = arith.mulf %get3A_185, %get3A_185 : vector<16xf32>
        %add3A_187 = arith.constant 3 : i32
        %add3A_188 = arith.addi %mul3A_129, %add3A_187 : i32
        %get3A_189 = arith.index_cast %add3A_188 : i32 to index
        %get3A_190 = arith.constant 16 : index
        %get3A_191 = tpu.vector_load %arg8[%get3A_189, %get3A_190] {strides = array<i32>} : memref<400x32xf32, #tpu.memory_space<vmem>>, vector<16xf32>,
        %mul3A_192 = arith.mulf %get3A_191, %get3A_191 : vector<16xf32>
        %add3A_193 = arith.addf %mul3A_186, %mul3A_192 : vector<16xf32>
        %cumsum3A_194 = arith.constant true
        %cumsum3A_195 = vector.broadcast %cumsum3A_194 : i1 to vector<16xi1>
        %cumsum3A_196 = tpu.scan <sum>, %add3A_193 masked %cumsum3A_195 : vector<16xf32>, vector<16xi1> -> vector<16xf32>
        %swap3A_197 = arith.constant 48 : index
        %swap3A_198 = tpu.vector_load %arg13[%swap3A_197] {strides = array<i32>} : memref<256xf32, #tpu.memory_space<vmem>>, vector<16xf32>,
        tpu.vector_store %arg13[%swap3A_197], %cumsum3A_196 {strides = array<i32>} : memref<256xf32, #tpu.memory_space<vmem>>, vector<16xf32>,
        %add3A_199 = arith.constant 4 : i32
        %add3A_200 = arith.addi %mul3A_129, %add3A_199 : i32
        %get3A_201 = arith.index_cast %add3A_200 : i32 to index
        %get3A_202 = arith.constant 0 : index
        %get3A_203 = tpu.vector_load %arg8[%get3A_201, %get3A_202] {strides = array<i32>} : memref<400x32xf32, #tpu.memory_space<vmem>>, vector<16xf32>,
        %mul3A_204 = arith.mulf %get3A_203, %get3A_203 : vector<16xf32>
        %add3A_205 = arith.constant 4 : i32
        %add3A_206 = arith.addi %mul3A_129, %add3A_205 : i32
        %get3A_207 = arith.index_cast %add3A_206 : i32 to index
        %get3A_208 = arith.constant 16 : index
        %get3A_209 = tpu.vector_load %arg8[%get3A_207, %get3A_208] {strides = array<i32>} : memref<400x32xf32, #tpu.memory_space<vmem>>, vector<16xf32>,
        %mul3A_210 = arith.mulf %get3A_209, %get3A_209 : vector<16xf32>
        %add3A_211 = arith.addf %mul3A_204, %mul3A_210 : vector<16xf32>
        %cumsum3A_212 = arith.constant true
        %cumsum3A_213 = vector.broadcast %cumsum3A_212 : i1 to vector<16xi1>
        %cumsum3A_214 = tpu.scan <sum>, %add3A_211 masked %cumsum3A_213 : vector<16xf32>, vector<16xi1> -> vector<16xf32>
        %swap3A_215 = arith.constant 64 : index
        %swap3A_216 = tpu.vector_load %arg13[%swap3A_215] {strides = array<i32>} : memref<256xf32, #tpu.memory_space<vmem>>, vector<16xf32>,
        tpu.vector_store %arg13[%swap3A_215], %cumsum3A_214 {strides = array<i32>} : memref<256xf32, #tpu.memory_space<vmem>>, vector<16xf32>,
        %add3A_217 = arith.constant 5 : i32
        %add3A_218 = arith.addi %mul3A_129, %add3A_217 : i32
        %get3A_219 = arith.index_cast %add3A_218 : i32 to index
        %get3A_220 = arith.constant 0 : index
        %get3A_221 = tpu.vector_load %arg8[%get3A_219, %get3A_220] {strides = array<i32>} : memref<400x32xf32, #tpu.memory_space<vmem>>, vector<16xf32>,
        %mul3A_222 = arith.mulf %get3A_221, %get3A_221 : vector<16xf32>
        %add3A_223 = arith.constant 5 : i32
        %add3A_224 = arith.addi %mul3A_129, %add3A_223 : i32
        %get3A_225 = arith.index_cast %add3A_224 : i32 to index
        %get3A_226 = arith.constant 16 : index
        %get3A_227 = tpu.vector_load %arg8[%get3A_225, %get3A_226] {strides = array<i32>} : memref<400x32xf32, #tpu.memory_space<vmem>>, vector<16xf32>,
        %mul3A_228 = arith.mulf %get3A_227, %get3A_227 : vector<16xf32>
        %add3A_229 = arith.addf %mul3A_222, %mul3A_228 : vector<16xf32>
        %cumsum3A_230 = arith.constant true
        %cumsum3A_231 = vector.broadcast %cumsum3A_230 : i1 to vector<16xi1>
        %cumsum3A_232 = tpu.scan <sum>, %add3A_229 masked %cumsum3A_231 : vector<16xf32>, vector<16xi1> -> vector<16xf32>
        %swap3A_233 = arith.constant 80 : index
        %swap3A_234 = tpu.vector_load %arg13[%swap3A_233] {strides = array<i32>} : memref<256xf32, #tpu.memory_space<vmem>>, vector<16xf32>,
        tpu.vector_store %arg13[%swap3A_233], %cumsum3A_232 {strides = array<i32>} : memref<256xf32, #tpu.memory_space<vmem>>, vector<16xf32>,
        %add3A_235 = arith.constant 6 : i32
        %add3A_236 = arith.addi %mul3A_129, %add3A_235 : i32
        %get3A_237 = arith.index_cast %add3A_236 : i32 to index
        %get3A_238 = arith.constant 0 : index
        %get3A_239 = tpu.vector_load %arg8[%get3A_237, %get3A_238] {strides = array<i32>} : memref<400x32xf32, #tpu.memory_space<vmem>>, vector<16xf32>,
        %mul3A_240 = arith.mulf %get3A_239, %get3A_239 : vector<16xf32>
        %add3A_241 = arith.constant 6 : i32
        %add3A_242 = arith.addi %mul3A_129, %add3A_241 : i32
        %get3A_243 = arith.index_cast %add3A_242 : i32 to index
        %get3A_244 = arith.constant 16 : index
        %get3A_245 = tpu.vector_load %arg8[%get3A_243, %get3A_244] {strides = array<i32>} : memref<400x32xf32, #tpu.memory_space<vmem>>, vector<16xf32>,
        %mul3A_246 = arith.mulf %get3A_245, %get3A_245 : vector<16xf32>
        %add3A_247 = arith.addf %mul3A_240, %mul3A_246 : vector<16xf32>
        %cumsum3A_248 = arith.constant true
        %cumsum3A_249 = vector.broadcast %cumsum3A_248 : i1 to vector<16xi1>
        %cumsum3A_250 = tpu.scan <sum>, %add3A_247 masked %cumsum3A_249 : vector<16xf32>, vector<16xi1> -> vector<16xf32>
        %swap3A_251 = arith.constant 96 : index
        %swap3A_252 = tpu.vector_load %arg13[%swap3A_251] {strides = array<i32>} : memref<256xf32, #tpu.memory_space<vmem>>, vector<16xf32>,
        tpu.vector_store %arg13[%swap3A_251], %cumsum3A_250 {strides = array<i32>} : memref<256xf32, #tpu.memory_space<vmem>>, vector<16xf32>,
        %add3A_253 = arith.constant 7 : i32
        %add3A_254 = arith.addi %mul3A_129, %add3A_253 : i32
        %get3A_255 = arith.index_cast %add3A_254 : i32 to index
        %get3A_256 = arith.constant 0 : index
        %get3A_257 = tpu.vector_load %arg8[%get3A_255, %get3A_256] {strides = array<i32>} : memref<400x32xf32, #tpu.memory_space<vmem>>, vector<16xf32>,
        %mul3A_258 = arith.mulf %get3A_257, %get3A_257 : vector<16xf32>
        %add3A_259 = arith.constant 7 : i32
        %add3A_260 = arith.addi %mul3A_129, %add3A_259 : i32
        %get3A_261 = arith.index_cast %add3A_260 : i32 to index
        %get3A_262 = arith.constant 16 : index
        %get3A_263 = tpu.vector_load %arg8[%get3A_261, %get3A_262] {strides = array<i32>} : memref<400x32xf32, #tpu.memory_space<vmem>>, vector<16xf32>,
        %mul3A_264 = arith.mulf %get3A_263, %get3A_263 : vector<16xf32>
        %add3A_265 = arith.addf %mul3A_258, %mul3A_264 : vector<16xf32>
        %cumsum3A_266 = arith.constant true
        %cumsum3A_267 = vector.broadcast %cumsum3A_266 : i1 to vector<16xi1>
        %cumsum3A_268 = tpu.scan <sum>, %add3A_265 masked %cumsum3A_267 : vector<16xf32>, vector<16xi1> -> vector<16xf32>
        %swap3A_269 = arith.constant 112 : index
        %swap3A_270 = tpu.vector_load %arg13[%swap3A_269] {strides = array<i32>} : memref<256xf32, #tpu.memory_space<vmem>>, vector<16xf32>,
        tpu.vector_store %arg13[%swap3A_269], %cumsum3A_268 {strides = array<i32>} : memref<256xf32, #tpu.memory_space<vmem>>, vector<16xf32>,
        %add3A_271 = arith.constant 8 : i32
        %add3A_272 = arith.addi %mul3A_129, %add3A_271 : i32
        %get3A_273 = arith.index_cast %add3A_272 : i32 to index
        %get3A_274 = arith.constant 0 : index
        %get3A_275 = tpu.vector_load %arg8[%get3A_273, %get3A_274] {strides = array<i32>} : memref<400x32xf32, #tpu.memory_space<vmem>>, vector<16xf32>,
        %mul3A_276 = arith.mulf %get3A_275, %get3A_275 : vector<16xf32>
        %add3A_277 = arith.constant 8 : i32
        %add3A_278 = arith.addi %mul3A_129, %add3A_277 : i32
        %get3A_279 = arith.index_cast %add3A_278 : i32 to index
        %get3A_280 = arith.constant 16 : index
        %get3A_281 = tpu.vector_load %arg8[%get3A_279, %get3A_280] {strides = array<i32>} : memref<400x32xf32, #tpu.memory_space<vmem>>, vector<16xf32>,
        %mul3A_282 = arith.mulf %get3A_281, %get3A_281 : vector<16xf32>
        %add3A_283 = arith.addf %mul3A_276, %mul3A_282 : vector<16xf32>
        %cumsum3A_284 = arith.constant true
        %cumsum3A_285 = vector.broadcast %cumsum3A_284 : i1 to vector<16xi1>
        %cumsum3A_286 = tpu.scan <sum>, %add3A_283 masked %cumsum3A_285 : vector<16xf32>, vector<16xi1> -> vector<16xf32>
        %swap3A_287 = arith.constant 128 : index
        %swap3A_288 = tpu.vector_load %arg13[%swap3A_287] {strides = array<i32>} : memref<256xf32, #tpu.memory_space<vmem>>, vector<16xf32>,
        tpu.vector_store %arg13[%swap3A_287], %cumsum3A_286 {strides = array<i32>} : memref<256xf32, #tpu.memory_space<vmem>>, vector<16xf32>,
        %add3A_289 = arith.constant 9 : i32
        %add3A_290 = arith.addi %mul3A_129, %add3A_289 : i32
        %get3A_291 = arith.index_cast %add3A_290 : i32 to index
        %get3A_292 = arith.constant 0 : index
        %get3A_293 = tpu.vector_load %arg8[%get3A_291, %get3A_292] {strides = array<i32>} : memref<400x32xf32, #tpu.memory_space<vmem>>, vector<16xf32>,
        %mul3A_294 = arith.mulf %get3A_293, %get3A_293 : vector<16xf32>
        %add3A_295 = arith.constant 9 : i32
        %add3A_296 = arith.addi %mul3A_129, %add3A_295 : i32
        %get3A_297 = arith.index_cast %add3A_296 : i32 to index
        %get3A_298 = arith.constant 16 : index
        %get3A_299 = tpu.vector_load %arg8[%get3A_297, %get3A_298] {strides = array<i32>} : memref<400x32xf32, #tpu.memory_space<vmem>>, vector<16xf32>,
        %mul3A_300 = arith.mulf %get3A_299, %get3A_299 : vector<16xf32>
        %add3A_301 = arith.addf %mul3A_294, %mul3A_300 : vector<16xf32>
        %cumsum3A_302 = arith.constant true
        %cumsum3A_303 = vector.broadcast %cumsum3A_302 : i1 to vector<16xi1>
        %cumsum3A_304 = tpu.scan <sum>, %add3A_301 masked %cumsum3A_303 : vector<16xf32>, vector<16xi1> -> vector<16xf32>
        %swap3A_305 = arith.constant 144 : index
        %swap3A_306 = tpu.vector_load %arg13[%swap3A_305] {strides = array<i32>} : memref<256xf32, #tpu.memory_space<vmem>>, vector<16xf32>,
        tpu.vector_store %arg13[%swap3A_305], %cumsum3A_304 {strides = array<i32>} : memref<256xf32, #tpu.memory_space<vmem>>, vector<16xf32>,
        %add3A_307 = arith.constant 10 : i32
        %add3A_308 = arith.addi %mul3A_129, %add3A_307 : i32
        %get3A_309 = arith.index_cast %add3A_308 : i32 to index
        %get3A_310 = arith.constant 0 : index
        %get3A_311 = tpu.vector_load %arg8[%get3A_309, %get3A_310] {strides = array<i32>} : memref<400x32xf32, #tpu.memory_space<vmem>>, vector<16xf32>,
        %mul3A_312 = arith.mulf %get3A_311, %get3A_311 : vector<16xf32>
        %add3A_313 = arith.constant 10 : i32
        %add3A_314 = arith.addi %mul3A_129, %add3A_313 : i32
        %get3A_315 = arith.index_cast %add3A_314 : i32 to index
        %get3A_316 = arith.constant 16 : index
        %get3A_317 = tpu.vector_load %arg8[%get3A_315, %get3A_316] {strides = array<i32>} : memref<400x32xf32, #tpu.memory_space<vmem>>, vector<16xf32>,
        %mul3A_318 = arith.mulf %get3A_317, %get3A_317 : vector<16xf32>
        %add3A_319 = arith.addf %mul3A_312, %mul3A_318 : vector<16xf32>
        %cumsum3A_320 = arith.constant true
        %cumsum3A_321 = vector.broadcast %cumsum3A_320 : i1 to vector<16xi1>
        %cumsum3A_322 = tpu.scan <sum>, %add3A_319 masked %cumsum3A_321 : vector<16xf32>, vector<16xi1> -> vector<16xf32>
        %swap3A_323 = arith.constant 160 : index
        %swap3A_324 = tpu.vector_load %arg13[%swap3A_323] {strides = array<i32>} : memref<256xf32, #tpu.memory_space<vmem>>, vector<16xf32>,
        tpu.vector_store %arg13[%swap3A_323], %cumsum3A_322 {strides = array<i32>} : memref<256xf32, #tpu.memory_space<vmem>>, vector<16xf32>,
        %add3A_325 = arith.constant 11 : i32
        %add3A_326 = arith.addi %mul3A_129, %add3A_325 : i32
        %get3A_327 = arith.index_cast %add3A_326 : i32 to index
        %get3A_328 = arith.constant 0 : index
        %get3A_329 = tpu.vector_load %arg8[%get3A_327, %get3A_328] {strides = array<i32>} : memref<400x32xf32, #tpu.memory_space<vmem>>, vector<16xf32>,
        %mul3A_330 = arith.mulf %get3A_329, %get3A_329 : vector<16xf32>
        %add3A_331 = arith.constant 11 : i32
        %add3A_332 = arith.addi %mul3A_129, %add3A_331 : i32
        %get3A_333 = arith.index_cast %add3A_332 : i32 to index
        %get3A_334 = arith.constant 16 : index
        %get3A_335 = tpu.vector_load %arg8[%get3A_333, %get3A_334] {strides = array<i32>} : memref<400x32xf32, #tpu.memory_space<vmem>>, vector<16xf32>,
        %mul3A_336 = arith.mulf %get3A_335, %get3A_335 : vector<16xf32>
        %add3A_337 = arith.addf %mul3A_330, %mul3A_336 : vector<16xf32>
        %cumsum3A_338 = arith.constant true
        %cumsum3A_339 = vector.broadcast %cumsum3A_338 : i1 to vector<16xi1>
        %cumsum3A_340 = tpu.scan <sum>, %add3A_337 masked %cumsum3A_339 : vector<16xf32>, vector<16xi1> -> vector<16xf32>
        %swap3A_341 = arith.constant 176 : index
        %swap3A_342 = tpu.vector_load %arg13[%swap3A_341] {strides = array<i32>} : memref<256xf32, #tpu.memory_space<vmem>>, vector<16xf32>,
        tpu.vector_store %arg13[%swap3A_341], %cumsum3A_340 {strides = array<i32>} : memref<256xf32, #tpu.memory_space<vmem>>, vector<16xf32>,
        %add3A_343 = arith.constant 12 : i32
        %add3A_344 = arith.addi %mul3A_129, %add3A_343 : i32
        %get3A_345 = arith.index_cast %add3A_344 : i32 to index
        %get3A_346 = arith.constant 0 : index
        %get3A_347 = tpu.vector_load %arg8[%get3A_345, %get3A_346] {strides = array<i32>} : memref<400x32xf32, #tpu.memory_space<vmem>>, vector<16xf32>,
        %mul3A_348 = arith.mulf %get3A_347, %get3A_347 : vector<16xf32>
        %add3A_349 = arith.constant 12 : i32
        %add3A_350 = arith.addi %mul3A_129, %add3A_349 : i32
        %get3A_351 = arith.index_cast %add3A_350 : i32 to index
        %get3A_352 = arith.constant 16 : index
        %get3A_353 = tpu.vector_load %arg8[%get3A_351, %get3A_352] {strides = array<i32>} : memref<400x32xf32, #tpu.memory_space<vmem>>, vector<16xf32>,
        %mul3A_354 = arith.mulf %get3A_353, %get3A_353 : vector<16xf32>
        %add3A_355 = arith.addf %mul3A_348, %mul3A_354 : vector<16xf32>
        %cumsum3A_356 = arith.constant true
        %cumsum3A_357 = vector.broadcast %cumsum3A_356 : i1 to vector<16xi1>
        %cumsum3A_358 = tpu.scan <sum>, %add3A_355 masked %cumsum3A_357 : vector<16xf32>, vector<16xi1> -> vector<16xf32>
        %swap3A_359 = arith.constant 192 : index
        %swap3A_360 = tpu.vector_load %arg13[%swap3A_359] {strides = array<i32>} : memref<256xf32, #tpu.memory_space<vmem>>, vector<16xf32>,
        tpu.vector_store %arg13[%swap3A_359], %cumsum3A_358 {strides = array<i32>} : memref<256xf32, #tpu.memory_space<vmem>>, vector<16xf32>,
        %add3A_361 = arith.constant 13 : i32
        %add3A_362 = arith.addi %mul3A_129, %add3A_361 : i32
        %get3A_363 = arith.index_cast %add3A_362 : i32 to index
        %get3A_364 = arith.constant 0 : index
        %get3A_365 = tpu.vector_load %arg8[%get3A_363, %get3A_364] {strides = array<i32>} : memref<400x32xf32, #tpu.memory_space<vmem>>, vector<16xf32>,
        %mul3A_366 = arith.mulf %get3A_365, %get3A_365 : vector<16xf32>
        %add3A_367 = arith.constant 13 : i32
        %add3A_368 = arith.addi %mul3A_129, %add3A_367 : i32
        %get3A_369 = arith.index_cast %add3A_368 : i32 to index
        %get3A_370 = arith.constant 16 : index
        %get3A_371 = tpu.vector_load %arg8[%get3A_369, %get3A_370] {strides = array<i32>} : memref<400x32xf32, #tpu.memory_space<vmem>>, vector<16xf32>,
        %mul3A_372 = arith.mulf %get3A_371, %get3A_371 : vector<16xf32>
        %add3A_373 = arith.addf %mul3A_366, %mul3A_372 : vector<16xf32>
        %cumsum3A_374 = arith.constant true
        %cumsum3A_375 = vector.broadcast %cumsum3A_374 : i1 to vector<16xi1>
        %cumsum3A_376 = tpu.scan <sum>, %add3A_373 masked %cumsum3A_375 : vector<16xf32>, vector<16xi1> -> vector<16xf32>
        %swap3A_377 = arith.constant 208 : index
        %swap3A_378 = tpu.vector_load %arg13[%swap3A_377] {strides = array<i32>} : memref<256xf32, #tpu.memory_space<vmem>>, vector<16xf32>,
        tpu.vector_store %arg13[%swap3A_377], %cumsum3A_376 {strides = array<i32>} : memref<256xf32, #tpu.memory_space<vmem>>, vector<16xf32>,
        %add3A_379 = arith.constant 14 : i32
        %add3A_380 = arith.addi %mul3A_129, %add3A_379 : i32
        %get3A_381 = arith.index_cast %add3A_380 : i32 to index
        %get3A_382 = arith.constant 0 : index
        %get3A_383 = tpu.vector_load %arg8[%get3A_381, %get3A_382] {strides = array<i32>} : memref<400x32xf32, #tpu.memory_space<vmem>>, vector<16xf32>,
        %mul3A_384 = arith.mulf %get3A_383, %get3A_383 : vector<16xf32>
        %add3A_385 = arith.constant 14 : i32
        %add3A_386 = arith.addi %mul3A_129, %add3A_385 : i32
        %get3A_387 = arith.index_cast %add3A_386 : i32 to index
        %get3A_388 = arith.constant 16 : index
        %get3A_389 = tpu.vector_load %arg8[%get3A_387, %get3A_388] {strides = array<i32>} : memref<400x32xf32, #tpu.memory_space<vmem>>, vector<16xf32>,
        %mul3A_390 = arith.mulf %get3A_389, %get3A_389 : vector<16xf32>
        %add3A_391 = arith.addf %mul3A_384, %mul3A_390 : vector<16xf32>
        %cumsum3A_392 = arith.constant true
        %cumsum3A_393 = vector.broadcast %cumsum3A_392 : i1 to vector<16xi1>
        %cumsum3A_394 = tpu.scan <sum>, %add3A_391 masked %cumsum3A_393 : vector<16xf32>, vector<16xi1> -> vector<16xf32>
        %swap3A_395 = arith.constant 224 : index
        %swap3A_396 = tpu.vector_load %arg13[%swap3A_395] {strides = array<i32>} : memref<256xf32, #tpu.memory_space<vmem>>, vector<16xf32>,
        tpu.vector_store %arg13[%swap3A_395], %cumsum3A_394 {strides = array<i32>} : memref<256xf32, #tpu.memory_space<vmem>>, vector<16xf32>,
        %add3A_397 = arith.constant 15 : i32
        %add3A_398 = arith.addi %mul3A_129, %add3A_397 : i32
        %get3A_399 = arith.index_cast %add3A_398 : i32 to index
        %get3A_400 = arith.constant 0 : index
        %get3A_401 = tpu.vector_load %arg8[%get3A_399, %get3A_400] {strides = array<i32>} : memref<400x32xf32, #tpu.memory_space<vmem>>, vector<16xf32>,
        %mul3A_402 = arith.mulf %get3A_401, %get3A_401 : vector<16xf32>
        %add3A_403 = arith.constant 15 : i32
        %add3A_404 = arith.addi %mul3A_129, %add3A_403 : i32
        %get3A_405 = arith.index_cast %add3A_404 : i32 to index
        %get3A_406 = arith.constant 16 : index
        %get3A_407 = tpu.vector_load %arg8[%get3A_405, %get3A_406] {strides = array<i32>} : memref<400x32xf32, #tpu.memory_space<vmem>>, vector<16xf32>,
        %mul3A_408 = arith.mulf %get3A_407, %get3A_407 : vector<16xf32>
        %add3A_409 = arith.addf %mul3A_402, %mul3A_408 : vector<16xf32>
        %cumsum3A_410 = arith.constant true
        %cumsum3A_411 = vector.broadcast %cumsum3A_410 : i1 to vector<16xi1>
        %cumsum3A_412 = tpu.scan <sum>, %add3A_409 masked %cumsum3A_411 : vector<16xf32>, vector<16xi1> -> vector<16xf32>
        %swap3A_413 = arith.constant 240 : index
        %swap3A_414 = tpu.vector_load %arg13[%swap3A_413] {strides = array<i32>} : memref<256xf32, #tpu.memory_space<vmem>>, vector<16xf32>,
        tpu.vector_store %arg13[%swap3A_413], %cumsum3A_412 {strides = array<i32>} : memref<256xf32, #tpu.memory_space<vmem>>, vector<16xf32>,
        %gather3A = tpu.vector_load_idx %arg13[%add3A_6] : memref<256xf32, #tpu.memory_space<vmem>>[vector<16xi32>], vector<16xf32>,
        %get3A_415 = arith.index_cast %mul3A_129 : i32 to index
        %get3A_416 = tpu.vector_load %arg12[%get3A_415] {strides = array<i32>} : memref<400xf32, #tpu.memory_space<vmem>>, vector<16xf32>,
        %bitcast3A = vector.bitcast %gather3A : vector<16xf32> to vector<16xi32>
        %shift_right_arithmetic3A = arith.constant 1 : i32
        %shift_right_arithmetic3A_417 = vector.broadcast %shift_right_arithmetic3A : i32 to vector<16xi32>
        %shift_right_arithmetic3A_418 = arith.shrsi %bitcast3A, %shift_right_arithmetic3A_417 : vector<16xi32>
        %sub3A = arith.constant 1597463007 : i32
        %sub3A_419 = vector.broadcast %sub3A : i32 to vector<16xi32>
        %sub3A_420 = arith.subi %sub3A_419, %shift_right_arithmetic3A_418 : vector<16xi32>
        %bitcast3A_421 = vector.bitcast %sub3A_420 : vector<16xi32> to vector<16xf32>
        %mul3A_422 = arith.constant 5.000000e-01 : f32
        %mul3A_423 = vector.broadcast %mul3A_422 : f32 to vector<16xf32>
        %mul3A_424 = arith.mulf %gather3A, %mul3A_423 : vector<16xf32>
        %mul3A_425 = arith.mulf %mul3A_424, %bitcast3A_421 : vector<16xf32>
        %mul3A_426 = arith.mulf %mul3A_425, %bitcast3A_421 : vector<16xf32>
        %sub3A_427 = arith.constant 1.500000e+00 : f32
        %sub3A_428 = vector.broadcast %sub3A_427 : f32 to vector<16xf32>
        %sub3A_429 = arith.subf %sub3A_428, %mul3A_426 : vector<16xf32>
        %mul3A_430 = arith.mulf %bitcast3A_421, %sub3A_429 : vector<16xf32>
        %mul3A_431 = arith.mulf %mul3A_424, %mul3A_430 : vector<16xf32>
        %mul3A_432 = arith.mulf %mul3A_431, %mul3A_430 : vector<16xf32>
        %sub3A_433 = arith.constant 1.500000e+00 : f32
        %sub3A_434 = vector.broadcast %sub3A_433 : f32 to vector<16xf32>
        %sub3A_435 = arith.subf %sub3A_434, %mul3A_432 : vector<16xf32>
        %mul3A_436 = arith.mulf %mul3A_430, %sub3A_435 : vector<16xf32>
        %mul3A_437 = arith.mulf %get3A_416, %mul3A_436 : vector<16xf32>
        %broadcast_in_dim3A = arith.constant 0 : i32
        %broadcast_in_dim3A_438 = vector.broadcast %broadcast_in_dim3A : i32 to vector<16x1xi32>
        %gather3A_439 = vector.shape_cast %broadcast_in_dim3A_438 : vector<16x1xi32> to vector<16xi32>
        %gather3A_440 = tpu.dynamic_gather %mul3A_437[%gather3A_439] in [0] : vector<16xf32>, vector<16xi32> -> vector<16xf32>
        %add3A_441 = arith.constant 0 : i32
        %add3A_442 = arith.addi %mul3A_129, %add3A_441 : i32
        %mul3A_443 = arith.constant 41944 : i32
        %mul3A_444 = arith.muli %add3A_442, %mul3A_443 : i32
        %shift_right_logical3A = arith.constant 21 : i32
        %shift_right_logical3A_445 = arith.shrui %mul3A_444, %shift_right_logical3A : i32
        %mul3A_446 = arith.constant 50 : i32
        %mul3A_447 = arith.muli %shift_right_logical3A_445, %mul3A_446 : i32
        %sub3A_448 = arith.subi %add3A_442, %mul3A_447 : i32
        %get3A_449 = arith.index_cast %add3A_442 : i32 to index
        %get3A_450 = arith.constant 0 : index
        %get3A_451 = tpu.vector_load %arg8[%get3A_449, %get3A_450] {strides = array<i32>} : memref<400x32xf32, #tpu.memory_space<vmem>>, vector<16xf32>,
        %mul3A_452 = arith.mulf %get3A_451, %gather3A_440 : vector<16xf32>
        %swap3A_453 = arith.index_cast %shift_right_logical3A_445 : i32 to index
        %swap3A_454 = arith.index_cast %sub3A_448 : i32 to index
        %swap3A_455 = arith.constant 0 : index
        %swap3A_456 = tpu.vector_load %arg10[%swap3A_453, %swap3A_454, %swap3A_455] {strides = array<i32>} : memref<8x50x32xf32, #tpu.memory_space<vmem>>, vector<16xf32>,
        tpu.vector_store %arg10[%swap3A_453, %swap3A_454, %swap3A_455], %mul3A_452 {strides = array<i32>} : memref<8x50x32xf32, #tpu.memory_space<vmem>>, vector<16xf32>,
        %get3A_457 = arith.index_cast %add3A_442 : i32 to index
        %get3A_458 = arith.constant 16 : index
        %get3A_459 = tpu.vector_load %arg8[%get3A_457, %get3A_458] {strides = array<i32>} : memref<400x32xf32, #tpu.memory_space<vmem>>, vector<16xf32>,
        %mul3A_460 = arith.mulf %get3A_459, %gather3A_440 : vector<16xf32>
        %swap3A_461 = arith.index_cast %shift_right_logical3A_445 : i32 to index
        %swap3A_462 = arith.index_cast %sub3A_448 : i32 to index
        %swap3A_463 = arith.constant 16 : index
        %swap3A_464 = tpu.vector_load %arg10[%swap3A_461, %swap3A_462, %swap3A_463] {strides = array<i32>} : memref<8x50x32xf32, #tpu.memory_space<vmem>>, vector<16xf32>,
        tpu.vector_store %arg10[%swap3A_461, %swap3A_462, %swap3A_463], %mul3A_460 {strides = array<i32>} : memref<8x50x32xf32, #tpu.memory_space<vmem>>, vector<16xf32>,
        %broadcast_in_dim3A_465 = arith.constant 1 : i32
        %broadcast_in_dim3A_466 = vector.broadcast %broadcast_in_dim3A_465 : i32 to vector<16x1xi32>
        %gather3A_467 = vector.shape_cast %broadcast_in_dim3A_466 : vector<16x1xi32> to vector<16xi32>
        %gather3A_468 = tpu.dynamic_gather %mul3A_437[%gather3A_467] in [0] : vector<16xf32>, vector<16xi32> -> vector<16xf32>
        %add3A_469 = arith.constant 1 : i32
        %add3A_470 = arith.addi %mul3A_129, %add3A_469 : i32
        %mul3A_471 = arith.constant 41944 : i32
        %mul3A_472 = arith.muli %add3A_470, %mul3A_471 : i32
        %shift_right_logical3A_473 = arith.constant 21 : i32
        %shift_right_logical3A_474 = arith.shrui %mul3A_472, %shift_right_logical3A_473 : i32
        %mul3A_475 = arith.constant 50 : i32
        %mul3A_476 = arith.muli %shift_right_logical3A_474, %mul3A_475 : i32
        %sub3A_477 = arith.subi %add3A_470, %mul3A_476 : i32
        %get3A_478 = arith.index_cast %add3A_470 : i32 to index
        %get3A_479 = arith.constant 0 : index
        %get3A_480 = tpu.vector_load %arg8[%get3A_478, %get3A_479] {strides = array<i32>} : memref<400x32xf32, #tpu.memory_space<vmem>>, vector<16xf32>,
        %mul3A_481 = arith.mulf %get3A_480, %gather3A_468 : vector<16xf32>
        %swap3A_482 = arith.index_cast %shift_right_logical3A_474 : i32 to index
        %swap3A_483 = arith.index_cast %sub3A_477 : i32 to index
        %swap3A_484 = arith.constant 0 : index
        %swap3A_485 = tpu.vector_load %arg10[%swap3A_482, %swap3A_483, %swap3A_484] {strides = array<i32>} : memref<8x50x32xf32, #tpu.memory_space<vmem>>, vector<16xf32>,
        tpu.vector_store %arg10[%swap3A_482, %swap3A_483, %swap3A_484], %mul3A_481 {strides = array<i32>} : memref<8x50x32xf32, #tpu.memory_space<vmem>>, vector<16xf32>,
        %get3A_486 = arith.index_cast %add3A_470 : i32 to index
        %get3A_487 = arith.constant 16 : index
        %get3A_488 = tpu.vector_load %arg8[%get3A_486, %get3A_487] {strides = array<i32>} : memref<400x32xf32, #tpu.memory_space<vmem>>, vector<16xf32>,
        %mul3A_489 = arith.mulf %get3A_488, %gather3A_468 : vector<16xf32>
        %swap3A_490 = arith.index_cast %shift_right_logical3A_474 : i32 to index
        %swap3A_491 = arith.index_cast %sub3A_477 : i32 to index
        %swap3A_492 = arith.constant 16 : index
        %swap3A_493 = tpu.vector_load %arg10[%swap3A_490, %swap3A_491, %swap3A_492] {strides = array<i32>} : memref<8x50x32xf32, #tpu.memory_space<vmem>>, vector<16xf32>,
        tpu.vector_store %arg10[%swap3A_490, %swap3A_491, %swap3A_492], %mul3A_489 {strides = array<i32>} : memref<8x50x32xf32, #tpu.memory_space<vmem>>, vector<16xf32>,
        %broadcast_in_dim3A_494 = arith.constant 2 : i32
        %broadcast_in_dim3A_495 = vector.broadcast %broadcast_in_dim3A_494 : i32 to vector<16x1xi32>
        %gather3A_496 = vector.shape_cast %broadcast_in_dim3A_495 : vector<16x1xi32> to vector<16xi32>
        %gather3A_497 = tpu.dynamic_gather %mul3A_437[%gather3A_496] in [0] : vector<16xf32>, vector<16xi32> -> vector<16xf32>
        %add3A_498 = arith.constant 2 : i32
        %add3A_499 = arith.addi %mul3A_129, %add3A_498 : i32
        %mul3A_500 = arith.constant 41944 : i32
        %mul3A_501 = arith.muli %add3A_499, %mul3A_500 : i32
        %shift_right_logical3A_502 = arith.constant 21 : i32
        %shift_right_logical3A_503 = arith.shrui %mul3A_501, %shift_right_logical3A_502 : i32
        %mul3A_504 = arith.constant 50 : i32
        %mul3A_505 = arith.muli %shift_right_logical3A_503, %mul3A_504 : i32
        %sub3A_506 = arith.subi %add3A_499, %mul3A_505 : i32
        %get3A_507 = arith.index_cast %add3A_499 : i32 to index
        %get3A_508 = arith.constant 0 : index
        %get3A_509 = tpu.vector_load %arg8[%get3A_507, %get3A_508] {strides = array<i32>} : memref<400x32xf32, #tpu.memory_space<vmem>>, vector<16xf32>,
        %mul3A_510 = arith.mulf %get3A_509, %gather3A_497 : vector<16xf32>
        %swap3A_511 = arith.index_cast %shift_right_logical3A_503 : i32 to index
        %swap3A_512 = arith.index_cast %sub3A_506 : i32 to index
        %swap3A_513 = arith.constant 0 : index
        %swap3A_514 = tpu.vector_load %arg10[%swap3A_511, %swap3A_512, %swap3A_513] {strides = array<i32>} : memref<8x50x32xf32, #tpu.memory_space<vmem>>, vector<16xf32>,
        tpu.vector_store %arg10[%swap3A_511, %swap3A_512, %swap3A_513], %mul3A_510 {strides = array<i32>} : memref<8x50x32xf32, #tpu.memory_space<vmem>>, vector<16xf32>,
        %get3A_515 = arith.index_cast %add3A_499 : i32 to index
        %get3A_516 = arith.constant 16 : index
        %get3A_517 = tpu.vector_load %arg8[%get3A_515, %get3A_516] {strides = array<i32>} : memref<400x32xf32, #tpu.memory_space<vmem>>, vector<16xf32>,
        %mul3A_518 = arith.mulf %get3A_517, %gather3A_497 : vector<16xf32>
        %swap3A_519 = arith.index_cast %shift_right_logical3A_503 : i32 to index
        %swap3A_520 = arith.index_cast %sub3A_506 : i32 to index
        %swap3A_521 = arith.constant 16 : index
        %swap3A_522 = tpu.vector_load %arg10[%swap3A_519, %swap3A_520, %swap3A_521] {strides = array<i32>} : memref<8x50x32xf32, #tpu.memory_space<vmem>>, vector<16xf32>,
        tpu.vector_store %arg10[%swap3A_519, %swap3A_520, %swap3A_521], %mul3A_518 {strides = array<i32>} : memref<8x50x32xf32, #tpu.memory_space<vmem>>, vector<16xf32>,
        %broadcast_in_dim3A_523 = arith.constant 3 : i32
        %broadcast_in_dim3A_524 = vector.broadcast %broadcast_in_dim3A_523 : i32 to vector<16x1xi32>
        %gather3A_525 = vector.shape_cast %broadcast_in_dim3A_524 : vector<16x1xi32> to vector<16xi32>
        %gather3A_526 = tpu.dynamic_gather %mul3A_437[%gather3A_525] in [0] : vector<16xf32>, vector<16xi32> -> vector<16xf32>
        %add3A_527 = arith.constant 3 : i32
        %add3A_528 = arith.addi %mul3A_129, %add3A_527 : i32
        %mul3A_529 = arith.constant 41944 : i32
        %mul3A_530 = arith.muli %add3A_528, %mul3A_529 : i32
        %shift_right_logical3A_531 = arith.constant 21 : i32
        %shift_right_logical3A_532 = arith.shrui %mul3A_530, %shift_right_logical3A_531 : i32
        %mul3A_533 = arith.constant 50 : i32
        %mul3A_534 = arith.muli %shift_right_logical3A_532, %mul3A_533 : i32
        %sub3A_535 = arith.subi %add3A_528, %mul3A_534 : i32
        %get3A_536 = arith.index_cast %add3A_528 : i32 to index
        %get3A_537 = arith.constant 0 : index
        %get3A_538 = tpu.vector_load %arg8[%get3A_536, %get3A_537] {strides = array<i32>} : memref<400x32xf32, #tpu.memory_space<vmem>>, vector<16xf32>,
        %mul3A_539 = arith.mulf %get3A_538, %gather3A_526 : vector<16xf32>
        %swap3A_540 = arith.index_cast %shift_right_logical3A_532 : i32 to index
        %swap3A_541 = arith.index_cast %sub3A_535 : i32 to index
        %swap3A_542 = arith.constant 0 : index
        %swap3A_543 = tpu.vector_load %arg10[%swap3A_540, %swap3A_541, %swap3A_542] {strides = array<i32>} : memref<8x50x32xf32, #tpu.memory_space<vmem>>, vector<16xf32>,
        tpu.vector_store %arg10[%swap3A_540, %swap3A_541, %swap3A_542], %mul3A_539 {strides = array<i32>} : memref<8x50x32xf32, #tpu.memory_space<vmem>>, vector<16xf32>,
        %get3A_544 = arith.index_cast %add3A_528 : i32 to index
        %get3A_545 = arith.constant 16 : index
        %get3A_546 = tpu.vector_load %arg8[%get3A_544, %get3A_545] {strides = array<i32>} : memref<400x32xf32, #tpu.memory_space<vmem>>, vector<16xf32>,
        %mul3A_547 = arith.mulf %get3A_546, %gather3A_526 : vector<16xf32>
        %swap3A_548 = arith.index_cast %shift_right_logical3A_532 : i32 to index
        %swap3A_549 = arith.index_cast %sub3A_535 : i32 to index
        %swap3A_550 = arith.constant 16 : index
        %swap3A_551 = tpu.vector_load %arg10[%swap3A_548, %swap3A_549, %swap3A_550] {strides = array<i32>} : memref<8x50x32xf32, #tpu.memory_space<vmem>>, vector<16xf32>,
        tpu.vector_store %arg10[%swap3A_548, %swap3A_549, %swap3A_550], %mul3A_547 {strides = array<i32>} : memref<8x50x32xf32, #tpu.memory_space<vmem>>, vector<16xf32>,
        %broadcast_in_dim3A_552 = arith.constant 4 : i32
        %broadcast_in_dim3A_553 = vector.broadcast %broadcast_in_dim3A_552 : i32 to vector<16x1xi32>
        %gather3A_554 = vector.shape_cast %broadcast_in_dim3A_553 : vector<16x1xi32> to vector<16xi32>
        %gather3A_555 = tpu.dynamic_gather %mul3A_437[%gather3A_554] in [0] : vector<16xf32>, vector<16xi32> -> vector<16xf32>
        %add3A_556 = arith.constant 4 : i32
        %add3A_557 = arith.addi %mul3A_129, %add3A_556 : i32
        %mul3A_558 = arith.constant 41944 : i32
        %mul3A_559 = arith.muli %add3A_557, %mul3A_558 : i32
        %shift_right_logical3A_560 = arith.constant 21 : i32
        %shift_right_logical3A_561 = arith.shrui %mul3A_559, %shift_right_logical3A_560 : i32
        %mul3A_562 = arith.constant 50 : i32
        %mul3A_563 = arith.muli %shift_right_logical3A_561, %mul3A_562 : i32
        %sub3A_564 = arith.subi %add3A_557, %mul3A_563 : i32
        %get3A_565 = arith.index_cast %add3A_557 : i32 to index
        %get3A_566 = arith.constant 0 : index
        %get3A_567 = tpu.vector_load %arg8[%get3A_565, %get3A_566] {strides = array<i32>} : memref<400x32xf32, #tpu.memory_space<vmem>>, vector<16xf32>,
        %mul3A_568 = arith.mulf %get3A_567, %gather3A_555 : vector<16xf32>
        %swap3A_569 = arith.index_cast %shift_right_logical3A_561 : i32 to index
        %swap3A_570 = arith.index_cast %sub3A_564 : i32 to index
        %swap3A_571 = arith.constant 0 : index
        %swap3A_572 = tpu.vector_load %arg10[%swap3A_569, %swap3A_570, %swap3A_571] {strides = array<i32>} : memref<8x50x32xf32, #tpu.memory_space<vmem>>, vector<16xf32>,
        tpu.vector_store %arg10[%swap3A_569, %swap3A_570, %swap3A_571], %mul3A_568 {strides = array<i32>} : memref<8x50x32xf32, #tpu.memory_space<vmem>>, vector<16xf32>,
        %get3A_573 = arith.index_cast %add3A_557 : i32 to index
        %get3A_574 = arith.constant 16 : index
        %get3A_575 = tpu.vector_load %arg8[%get3A_573, %get3A_574] {strides = array<i32>} : memref<400x32xf32, #tpu.memory_space<vmem>>, vector<16xf32>,
        %mul3A_576 = arith.mulf %get3A_575, %gather3A_555 : vector<16xf32>
        %swap3A_577 = arith.index_cast %shift_right_logical3A_561 : i32 to index
        %swap3A_578 = arith.index_cast %sub3A_564 : i32 to index
        %swap3A_579 = arith.constant 16 : index
        %swap3A_580 = tpu.vector_load %arg10[%swap3A_577, %swap3A_578, %swap3A_579] {strides = array<i32>} : memref<8x50x32xf32, #tpu.memory_space<vmem>>, vector<16xf32>,
        tpu.vector_store %arg10[%swap3A_577, %swap3A_578, %swap3A_579], %mul3A_576 {strides = array<i32>} : memref<8x50x32xf32, #tpu.memory_space<vmem>>, vector<16xf32>,
        %broadcast_in_dim3A_581 = arith.constant 5 : i32
        %broadcast_in_dim3A_582 = vector.broadcast %broadcast_in_dim3A_581 : i32 to vector<16x1xi32>
        %gather3A_583 = vector.shape_cast %broadcast_in_dim3A_582 : vector<16x1xi32> to vector<16xi32>
        %gather3A_584 = tpu.dynamic_gather %mul3A_437[%gather3A_583] in [0] : vector<16xf32>, vector<16xi32> -> vector<16xf32>
        %add3A_585 = arith.constant 5 : i32
        %add3A_586 = arith.addi %mul3A_129, %add3A_585 : i32
        %mul3A_587 = arith.constant 41944 : i32
        %mul3A_588 = arith.muli %add3A_586, %mul3A_587 : i32
        %shift_right_logical3A_589 = arith.constant 21 : i32
        %shift_right_logical3A_590 = arith.shrui %mul3A_588, %shift_right_logical3A_589 : i32
        %mul3A_591 = arith.constant 50 : i32
        %mul3A_592 = arith.muli %shift_right_logical3A_590, %mul3A_591 : i32
        %sub3A_593 = arith.subi %add3A_586, %mul3A_592 : i32
        %get3A_594 = arith.index_cast %add3A_586 : i32 to index
        %get3A_595 = arith.constant 0 : index
        %get3A_596 = tpu.vector_load %arg8[%get3A_594, %get3A_595] {strides = array<i32>} : memref<400x32xf32, #tpu.memory_space<vmem>>, vector<16xf32>,
        %mul3A_597 = arith.mulf %get3A_596, %gather3A_584 : vector<16xf32>
        %swap3A_598 = arith.index_cast %shift_right_logical3A_590 : i32 to index
        %swap3A_599 = arith.index_cast %sub3A_593 : i32 to index
        %swap3A_600 = arith.constant 0 : index
        %swap3A_601 = tpu.vector_load %arg10[%swap3A_598, %swap3A_599, %swap3A_600] {strides = array<i32>} : memref<8x50x32xf32, #tpu.memory_space<vmem>>, vector<16xf32>,
        tpu.vector_store %arg10[%swap3A_598, %swap3A_599, %swap3A_600], %mul3A_597 {strides = array<i32>} : memref<8x50x32xf32, #tpu.memory_space<vmem>>, vector<16xf32>,
        %get3A_602 = arith.index_cast %add3A_586 : i32 to index
        %get3A_603 = arith.constant 16 : index
        %get3A_604 = tpu.vector_load %arg8[%get3A_602, %get3A_603] {strides = array<i32>} : memref<400x32xf32, #tpu.memory_space<vmem>>, vector<16xf32>,
        %mul3A_605 = arith.mulf %get3A_604, %gather3A_584 : vector<16xf32>
        %swap3A_606 = arith.index_cast %shift_right_logical3A_590 : i32 to index
        %swap3A_607 = arith.index_cast %sub3A_593 : i32 to index
        %swap3A_608 = arith.constant 16 : index
        %swap3A_609 = tpu.vector_load %arg10[%swap3A_606, %swap3A_607, %swap3A_608] {strides = array<i32>} : memref<8x50x32xf32, #tpu.memory_space<vmem>>, vector<16xf32>,
        tpu.vector_store %arg10[%swap3A_606, %swap3A_607, %swap3A_608], %mul3A_605 {strides = array<i32>} : memref<8x50x32xf32, #tpu.memory_space<vmem>>, vector<16xf32>,
        %broadcast_in_dim3A_610 = arith.constant 6 : i32
        %broadcast_in_dim3A_611 = vector.broadcast %broadcast_in_dim3A_610 : i32 to vector<16x1xi32>
        %gather3A_612 = vector.shape_cast %broadcast_in_dim3A_611 : vector<16x1xi32> to vector<16xi32>
        %gather3A_613 = tpu.dynamic_gather %mul3A_437[%gather3A_612] in [0] : vector<16xf32>, vector<16xi32> -> vector<16xf32>
        %add3A_614 = arith.constant 6 : i32
        %add3A_615 = arith.addi %mul3A_129, %add3A_614 : i32
        %mul3A_616 = arith.constant 41944 : i32
        %mul3A_617 = arith.muli %add3A_615, %mul3A_616 : i32
        %shift_right_logical3A_618 = arith.constant 21 : i32
        %shift_right_logical3A_619 = arith.shrui %mul3A_617, %shift_right_logical3A_618 : i32
        %mul3A_620 = arith.constant 50 : i32
        %mul3A_621 = arith.muli %shift_right_logical3A_619, %mul3A_620 : i32
        %sub3A_622 = arith.subi %add3A_615, %mul3A_621 : i32
        %get3A_623 = arith.index_cast %add3A_615 : i32 to index
        %get3A_624 = arith.constant 0 : index
        %get3A_625 = tpu.vector_load %arg8[%get3A_623, %get3A_624] {strides = array<i32>} : memref<400x32xf32, #tpu.memory_space<vmem>>, vector<16xf32>,
        %mul3A_626 = arith.mulf %get3A_625, %gather3A_613 : vector<16xf32>
        %swap3A_627 = arith.index_cast %shift_right_logical3A_619 : i32 to index
        %swap3A_628 = arith.index_cast %sub3A_622 : i32 to index
        %swap3A_629 = arith.constant 0 : index
        %swap3A_630 = tpu.vector_load %arg10[%swap3A_627, %swap3A_628, %swap3A_629] {strides = array<i32>} : memref<8x50x32xf32, #tpu.memory_space<vmem>>, vector<16xf32>,
        tpu.vector_store %arg10[%swap3A_627, %swap3A_628, %swap3A_629], %mul3A_626 {strides = array<i32>} : memref<8x50x32xf32, #tpu.memory_space<vmem>>, vector<16xf32>,
        %get3A_631 = arith.index_cast %add3A_615 : i32 to index
        %get3A_632 = arith.constant 16 : index
        %get3A_633 = tpu.vector_load %arg8[%get3A_631, %get3A_632] {strides = array<i32>} : memref<400x32xf32, #tpu.memory_space<vmem>>, vector<16xf32>,
        %mul3A_634 = arith.mulf %get3A_633, %gather3A_613 : vector<16xf32>
        %swap3A_635 = arith.index_cast %shift_right_logical3A_619 : i32 to index
        %swap3A_636 = arith.index_cast %sub3A_622 : i32 to index
        %swap3A_637 = arith.constant 16 : index
        %swap3A_638 = tpu.vector_load %arg10[%swap3A_635, %swap3A_636, %swap3A_637] {strides = array<i32>} : memref<8x50x32xf32, #tpu.memory_space<vmem>>, vector<16xf32>,
        tpu.vector_store %arg10[%swap3A_635, %swap3A_636, %swap3A_637], %mul3A_634 {strides = array<i32>} : memref<8x50x32xf32, #tpu.memory_space<vmem>>, vector<16xf32>,
        %broadcast_in_dim3A_639 = arith.constant 7 : i32
        %broadcast_in_dim3A_640 = vector.broadcast %broadcast_in_dim3A_639 : i32 to vector<16x1xi32>
        %gather3A_641 = vector.shape_cast %broadcast_in_dim3A_640 : vector<16x1xi32> to vector<16xi32>
        %gather3A_642 = tpu.dynamic_gather %mul3A_437[%gather3A_641] in [0] : vector<16xf32>, vector<16xi32> -> vector<16xf32>
        %add3A_643 = arith.constant 7 : i32
        %add3A_644 = arith.addi %mul3A_129, %add3A_643 : i32
        %mul3A_645 = arith.constant 41944 : i32
        %mul3A_646 = arith.muli %add3A_644, %mul3A_645 : i32
        %shift_right_logical3A_647 = arith.constant 21 : i32
        %shift_right_logical3A_648 = arith.shrui %mul3A_646, %shift_right_logical3A_647 : i32
        %mul3A_649 = arith.constant 50 : i32
        %mul3A_650 = arith.muli %shift_right_logical3A_648, %mul3A_649 : i32
        %sub3A_651 = arith.subi %add3A_644, %mul3A_650 : i32
        %get3A_652 = arith.index_cast %add3A_644 : i32 to index
        %get3A_653 = arith.constant 0 : index
        %get3A_654 = tpu.vector_load %arg8[%get3A_652, %get3A_653] {strides = array<i32>} : memref<400x32xf32, #tpu.memory_space<vmem>>, vector<16xf32>,
        %mul3A_655 = arith.mulf %get3A_654, %gather3A_642 : vector<16xf32>
        %swap3A_656 = arith.index_cast %shift_right_logical3A_648 : i32 to index
        %swap3A_657 = arith.index_cast %sub3A_651 : i32 to index
        %swap3A_658 = arith.constant 0 : index
        %swap3A_659 = tpu.vector_load %arg10[%swap3A_656, %swap3A_657, %swap3A_658] {strides = array<i32>} : memref<8x50x32xf32, #tpu.memory_space<vmem>>, vector<16xf32>,
        tpu.vector_store %arg10[%swap3A_656, %swap3A_657, %swap3A_658], %mul3A_655 {strides = array<i32>} : memref<8x50x32xf32, #tpu.memory_space<vmem>>, vector<16xf32>,
        %get3A_660 = arith.index_cast %add3A_644 : i32 to index
        %get3A_661 = arith.constant 16 : index
        %get3A_662 = tpu.vector_load %arg8[%get3A_660, %get3A_661] {strides = array<i32>} : memref<400x32xf32, #tpu.memory_space<vmem>>, vector<16xf32>,
        %mul3A_663 = arith.mulf %get3A_662, %gather3A_642 : vector<16xf32>
        %swap3A_664 = arith.index_cast %shift_right_logical3A_648 : i32 to index
        %swap3A_665 = arith.index_cast %sub3A_651 : i32 to index
        %swap3A_666 = arith.constant 16 : index
        %swap3A_667 = tpu.vector_load %arg10[%swap3A_664, %swap3A_665, %swap3A_666] {strides = array<i32>} : memref<8x50x32xf32, #tpu.memory_space<vmem>>, vector<16xf32>,
        tpu.vector_store %arg10[%swap3A_664, %swap3A_665, %swap3A_666], %mul3A_663 {strides = array<i32>} : memref<8x50x32xf32, #tpu.memory_space<vmem>>, vector<16xf32>,
        %broadcast_in_dim3A_668 = arith.constant 8 : i32
        %broadcast_in_dim3A_669 = vector.broadcast %broadcast_in_dim3A_668 : i32 to vector<16x1xi32>
        %gather3A_670 = vector.shape_cast %broadcast_in_dim3A_669 : vector<16x1xi32> to vector<16xi32>
        %gather3A_671 = tpu.dynamic_gather %mul3A_437[%gather3A_670] in [0] : vector<16xf32>, vector<16xi32> -> vector<16xf32>
        %add3A_672 = arith.constant 8 : i32
        %add3A_673 = arith.addi %mul3A_129, %add3A_672 : i32
        %mul3A_674 = arith.constant 41944 : i32
        %mul3A_675 = arith.muli %add3A_673, %mul3A_674 : i32
        %shift_right_logical3A_676 = arith.constant 21 : i32
        %shift_right_logical3A_677 = arith.shrui %mul3A_675, %shift_right_logical3A_676 : i32
        %mul3A_678 = arith.constant 50 : i32
        %mul3A_679 = arith.muli %shift_right_logical3A_677, %mul3A_678 : i32
        %sub3A_680 = arith.subi %add3A_673, %mul3A_679 : i32
        %get3A_681 = arith.index_cast %add3A_673 : i32 to index
        %get3A_682 = arith.constant 0 : index
        %get3A_683 = tpu.vector_load %arg8[%get3A_681, %get3A_682] {strides = array<i32>} : memref<400x32xf32, #tpu.memory_space<vmem>>, vector<16xf32>,
        %mul3A_684 = arith.mulf %get3A_683, %gather3A_671 : vector<16xf32>
        %swap3A_685 = arith.index_cast %shift_right_logical3A_677 : i32 to index
        %swap3A_686 = arith.index_cast %sub3A_680 : i32 to index
        %swap3A_687 = arith.constant 0 : index
        %swap3A_688 = tpu.vector_load %arg10[%swap3A_685, %swap3A_686, %swap3A_687] {strides = array<i32>} : memref<8x50x32xf32, #tpu.memory_space<vmem>>, vector<16xf32>,
        tpu.vector_store %arg10[%swap3A_685, %swap3A_686, %swap3A_687], %mul3A_684 {strides = array<i32>} : memref<8x50x32xf32, #tpu.memory_space<vmem>>, vector<16xf32>,
        %get3A_689 = arith.index_cast %add3A_673 : i32 to index
        %get3A_690 = arith.constant 16 : index
        %get3A_691 = tpu.vector_load %arg8[%get3A_689, %get3A_690] {strides = array<i32>} : memref<400x32xf32, #tpu.memory_space<vmem>>, vector<16xf32>,
        %mul3A_692 = arith.mulf %get3A_691, %gather3A_671 : vector<16xf32>
        %swap3A_693 = arith.index_cast %shift_right_logical3A_677 : i32 to index
        %swap3A_694 = arith.index_cast %sub3A_680 : i32 to index
        %swap3A_695 = arith.constant 16 : index
        %swap3A_696 = tpu.vector_load %arg10[%swap3A_693, %swap3A_694, %swap3A_695] {strides = array<i32>} : memref<8x50x32xf32, #tpu.memory_space<vmem>>, vector<16xf32>,
        tpu.vector_store %arg10[%swap3A_693, %swap3A_694, %swap3A_695], %mul3A_692 {strides = array<i32>} : memref<8x50x32xf32, #tpu.memory_space<vmem>>, vector<16xf32>,
        %broadcast_in_dim3A_697 = arith.constant 9 : i32
        %broadcast_in_dim3A_698 = vector.broadcast %broadcast_in_dim3A_697 : i32 to vector<16x1xi32>
        %gather3A_699 = vector.shape_cast %broadcast_in_dim3A_698 : vector<16x1xi32> to vector<16xi32>
        %gather3A_700 = tpu.dynamic_gather %mul3A_437[%gather3A_699] in [0] : vector<16xf32>, vector<16xi32> -> vector<16xf32>
        %add3A_701 = arith.constant 9 : i32
        %add3A_702 = arith.addi %mul3A_129, %add3A_701 : i32
        %mul3A_703 = arith.constant 41944 : i32
        %mul3A_704 = arith.muli %add3A_702, %mul3A_703 : i32
        %shift_right_logical3A_705 = arith.constant 21 : i32
        %shift_right_logical3A_706 = arith.shrui %mul3A_704, %shift_right_logical3A_705 : i32
        %mul3A_707 = arith.constant 50 : i32
        %mul3A_708 = arith.muli %shift_right_logical3A_706, %mul3A_707 : i32
        %sub3A_709 = arith.subi %add3A_702, %mul3A_708 : i32
        %get3A_710 = arith.index_cast %add3A_702 : i32 to index
        %get3A_711 = arith.constant 0 : index
        %get3A_712 = tpu.vector_load %arg8[%get3A_710, %get3A_711] {strides = array<i32>} : memref<400x32xf32, #tpu.memory_space<vmem>>, vector<16xf32>,
        %mul3A_713 = arith.mulf %get3A_712, %gather3A_700 : vector<16xf32>
        %swap3A_714 = arith.index_cast %shift_right_logical3A_706 : i32 to index
        %swap3A_715 = arith.index_cast %sub3A_709 : i32 to index
        %swap3A_716 = arith.constant 0 : index
        %swap3A_717 = tpu.vector_load %arg10[%swap3A_714, %swap3A_715, %swap3A_716] {strides = array<i32>} : memref<8x50x32xf32, #tpu.memory_space<vmem>>, vector<16xf32>,
        tpu.vector_store %arg10[%swap3A_714, %swap3A_715, %swap3A_716], %mul3A_713 {strides = array<i32>} : memref<8x50x32xf32, #tpu.memory_space<vmem>>, vector<16xf32>,
        %get3A_718 = arith.index_cast %add3A_702 : i32 to index
        %get3A_719 = arith.constant 16 : index
        %get3A_720 = tpu.vector_load %arg8[%get3A_718, %get3A_719] {strides = array<i32>} : memref<400x32xf32, #tpu.memory_space<vmem>>, vector<16xf32>,
        %mul3A_721 = arith.mulf %get3A_720, %gather3A_700 : vector<16xf32>
        %swap3A_722 = arith.index_cast %shift_right_logical3A_706 : i32 to index
        %swap3A_723 = arith.index_cast %sub3A_709 : i32 to index
        %swap3A_724 = arith.constant 16 : index
        %swap3A_725 = tpu.vector_load %arg10[%swap3A_722, %swap3A_723, %swap3A_724] {strides = array<i32>} : memref<8x50x32xf32, #tpu.memory_space<vmem>>, vector<16xf32>,
        tpu.vector_store %arg10[%swap3A_722, %swap3A_723, %swap3A_724], %mul3A_721 {strides = array<i32>} : memref<8x50x32xf32, #tpu.memory_space<vmem>>, vector<16xf32>,
        %broadcast_in_dim3A_726 = arith.constant 10 : i32
        %broadcast_in_dim3A_727 = vector.broadcast %broadcast_in_dim3A_726 : i32 to vector<16x1xi32>
        %gather3A_728 = vector.shape_cast %broadcast_in_dim3A_727 : vector<16x1xi32> to vector<16xi32>
        %gather3A_729 = tpu.dynamic_gather %mul3A_437[%gather3A_728] in [0] : vector<16xf32>, vector<16xi32> -> vector<16xf32>
        %add3A_730 = arith.constant 10 : i32
        %add3A_731 = arith.addi %mul3A_129, %add3A_730 : i32
        %mul3A_732 = arith.constant 41944 : i32
        %mul3A_733 = arith.muli %add3A_731, %mul3A_732 : i32
        %shift_right_logical3A_734 = arith.constant 21 : i32
        %shift_right_logical3A_735 = arith.shrui %mul3A_733, %shift_right_logical3A_734 : i32
        %mul3A_736 = arith.constant 50 : i32
        %mul3A_737 = arith.muli %shift_right_logical3A_735, %mul3A_736 : i32
        %sub3A_738 = arith.subi %add3A_731, %mul3A_737 : i32
        %get3A_739 = arith.index_cast %add3A_731 : i32 to index
        %get3A_740 = arith.constant 0 : index
        %get3A_741 = tpu.vector_load %arg8[%get3A_739, %get3A_740] {strides = array<i32>} : memref<400x32xf32, #tpu.memory_space<vmem>>, vector<16xf32>,
        %mul3A_742 = arith.mulf %get3A_741, %gather3A_729 : vector<16xf32>
        %swap3A_743 = arith.index_cast %shift_right_logical3A_735 : i32 to index
        %swap3A_744 = arith.index_cast %sub3A_738 : i32 to index
        %swap3A_745 = arith.constant 0 : index
        %swap3A_746 = tpu.vector_load %arg10[%swap3A_743, %swap3A_744, %swap3A_745] {strides = array<i32>} : memref<8x50x32xf32, #tpu.memory_space<vmem>>, vector<16xf32>,
        tpu.vector_store %arg10[%swap3A_743, %swap3A_744, %swap3A_745], %mul3A_742 {strides = array<i32>} : memref<8x50x32xf32, #tpu.memory_space<vmem>>, vector<16xf32>,
        %get3A_747 = arith.index_cast %add3A_731 : i32 to index
        %get3A_748 = arith.constant 16 : index
        %get3A_749 = tpu.vector_load %arg8[%get3A_747, %get3A_748] {strides = array<i32>} : memref<400x32xf32, #tpu.memory_space<vmem>>, vector<16xf32>,
        %mul3A_750 = arith.mulf %get3A_749, %gather3A_729 : vector<16xf32>
        %swap3A_751 = arith.index_cast %shift_right_logical3A_735 : i32 to index
        %swap3A_752 = arith.index_cast %sub3A_738 : i32 to index
        %swap3A_753 = arith.constant 16 : index
        %swap3A_754 = tpu.vector_load %arg10[%swap3A_751, %swap3A_752, %swap3A_753] {strides = array<i32>} : memref<8x50x32xf32, #tpu.memory_space<vmem>>, vector<16xf32>,
        tpu.vector_store %arg10[%swap3A_751, %swap3A_752, %swap3A_753], %mul3A_750 {strides = array<i32>} : memref<8x50x32xf32, #tpu.memory_space<vmem>>, vector<16xf32>,
        %broadcast_in_dim3A_755 = arith.constant 11 : i32
        %broadcast_in_dim3A_756 = vector.broadcast %broadcast_in_dim3A_755 : i32 to vector<16x1xi32>
        %gather3A_757 = vector.shape_cast %broadcast_in_dim3A_756 : vector<16x1xi32> to vector<16xi32>
        %gather3A_758 = tpu.dynamic_gather %mul3A_437[%gather3A_757] in [0] : vector<16xf32>, vector<16xi32> -> vector<16xf32>
        %add3A_759 = arith.constant 11 : i32
        %add3A_760 = arith.addi %mul3A_129, %add3A_759 : i32
        %mul3A_761 = arith.constant 41944 : i32
        %mul3A_762 = arith.muli %add3A_760, %mul3A_761 : i32
        %shift_right_logical3A_763 = arith.constant 21 : i32
        %shift_right_logical3A_764 = arith.shrui %mul3A_762, %shift_right_logical3A_763 : i32
        %mul3A_765 = arith.constant 50 : i32
        %mul3A_766 = arith.muli %shift_right_logical3A_764, %mul3A_765 : i32
        %sub3A_767 = arith.subi %add3A_760, %mul3A_766 : i32
        %get3A_768 = arith.index_cast %add3A_760 : i32 to index
        %get3A_769 = arith.constant 0 : index
        %get3A_770 = tpu.vector_load %arg8[%get3A_768, %get3A_769] {strides = array<i32>} : memref<400x32xf32, #tpu.memory_space<vmem>>, vector<16xf32>,
        %mul3A_771 = arith.mulf %get3A_770, %gather3A_758 : vector<16xf32>
        %swap3A_772 = arith.index_cast %shift_right_logical3A_764 : i32 to index
        %swap3A_773 = arith.index_cast %sub3A_767 : i32 to index
        %swap3A_774 = arith.constant 0 : index
        %swap3A_775 = tpu.vector_load %arg10[%swap3A_772, %swap3A_773, %swap3A_774] {strides = array<i32>} : memref<8x50x32xf32, #tpu.memory_space<vmem>>, vector<16xf32>,
        tpu.vector_store %arg10[%swap3A_772, %swap3A_773, %swap3A_774], %mul3A_771 {strides = array<i32>} : memref<8x50x32xf32, #tpu.memory_space<vmem>>, vector<16xf32>,
        %get3A_776 = arith.index_cast %add3A_760 : i32 to index
        %get3A_777 = arith.constant 16 : index
        %get3A_778 = tpu.vector_load %arg8[%get3A_776, %get3A_777] {strides = array<i32>} : memref<400x32xf32, #tpu.memory_space<vmem>>, vector<16xf32>,
        %mul3A_779 = arith.mulf %get3A_778, %gather3A_758 : vector<16xf32>
        %swap3A_780 = arith.index_cast %shift_right_logical3A_764 : i32 to index
        %swap3A_781 = arith.index_cast %sub3A_767 : i32 to index
        %swap3A_782 = arith.constant 16 : index
        %swap3A_783 = tpu.vector_load %arg10[%swap3A_780, %swap3A_781, %swap3A_782] {strides = array<i32>} : memref<8x50x32xf32, #tpu.memory_space<vmem>>, vector<16xf32>,
        tpu.vector_store %arg10[%swap3A_780, %swap3A_781, %swap3A_782], %mul3A_779 {strides = array<i32>} : memref<8x50x32xf32, #tpu.memory_space<vmem>>, vector<16xf32>,
        %broadcast_in_dim3A_784 = arith.constant 12 : i32
        %broadcast_in_dim3A_785 = vector.broadcast %broadcast_in_dim3A_784 : i32 to vector<16x1xi32>
        %gather3A_786 = vector.shape_cast %broadcast_in_dim3A_785 : vector<16x1xi32> to vector<16xi32>
        %gather3A_787 = tpu.dynamic_gather %mul3A_437[%gather3A_786] in [0] : vector<16xf32>, vector<16xi32> -> vector<16xf32>
        %add3A_788 = arith.constant 12 : i32
        %add3A_789 = arith.addi %mul3A_129, %add3A_788 : i32
        %mul3A_790 = arith.constant 41944 : i32
        %mul3A_791 = arith.muli %add3A_789, %mul3A_790 : i32
        %shift_right_logical3A_792 = arith.constant 21 : i32
        %shift_right_logical3A_793 = arith.shrui %mul3A_791, %shift_right_logical3A_792 : i32
        %mul3A_794 = arith.constant 50 : i32
        %mul3A_795 = arith.muli %shift_right_logical3A_793, %mul3A_794 : i32
        %sub3A_796 = arith.subi %add3A_789, %mul3A_795 : i32
        %get3A_797 = arith.index_cast %add3A_789 : i32 to index
        %get3A_798 = arith.constant 0 : index
        %get3A_799 = tpu.vector_load %arg8[%get3A_797, %get3A_798] {strides = array<i32>} : memref<400x32xf32, #tpu.memory_space<vmem>>, vector<16xf32>,
        %mul3A_800 = arith.mulf %get3A_799, %gather3A_787 : vector<16xf32>
        %swap3A_801 = arith.index_cast %shift_right_logical3A_793 : i32 to index
        %swap3A_802 = arith.index_cast %sub3A_796 : i32 to index
        %swap3A_803 = arith.constant 0 : index
        %swap3A_804 = tpu.vector_load %arg10[%swap3A_801, %swap3A_802, %swap3A_803] {strides = array<i32>} : memref<8x50x32xf32, #tpu.memory_space<vmem>>, vector<16xf32>,
        tpu.vector_store %arg10[%swap3A_801, %swap3A_802, %swap3A_803], %mul3A_800 {strides = array<i32>} : memref<8x50x32xf32, #tpu.memory_space<vmem>>, vector<16xf32>,
        %get3A_805 = arith.index_cast %add3A_789 : i32 to index
        %get3A_806 = arith.constant 16 : index
        %get3A_807 = tpu.vector_load %arg8[%get3A_805, %get3A_806] {strides = array<i32>} : memref<400x32xf32, #tpu.memory_space<vmem>>, vector<16xf32>,
        %mul3A_808 = arith.mulf %get3A_807, %gather3A_787 : vector<16xf32>
        %swap3A_809 = arith.index_cast %shift_right_logical3A_793 : i32 to index
        %swap3A_810 = arith.index_cast %sub3A_796 : i32 to index
        %swap3A_811 = arith.constant 16 : index
        %swap3A_812 = tpu.vector_load %arg10[%swap3A_809, %swap3A_810, %swap3A_811] {strides = array<i32>} : memref<8x50x32xf32, #tpu.memory_space<vmem>>, vector<16xf32>,
        tpu.vector_store %arg10[%swap3A_809, %swap3A_810, %swap3A_811], %mul3A_808 {strides = array<i32>} : memref<8x50x32xf32, #tpu.memory_space<vmem>>, vector<16xf32>,
        %broadcast_in_dim3A_813 = arith.constant 13 : i32
        %broadcast_in_dim3A_814 = vector.broadcast %broadcast_in_dim3A_813 : i32 to vector<16x1xi32>
        %gather3A_815 = vector.shape_cast %broadcast_in_dim3A_814 : vector<16x1xi32> to vector<16xi32>
        %gather3A_816 = tpu.dynamic_gather %mul3A_437[%gather3A_815] in [0] : vector<16xf32>, vector<16xi32> -> vector<16xf32>
        %add3A_817 = arith.constant 13 : i32
        %add3A_818 = arith.addi %mul3A_129, %add3A_817 : i32
        %mul3A_819 = arith.constant 41944 : i32
        %mul3A_820 = arith.muli %add3A_818, %mul3A_819 : i32
        %shift_right_logical3A_821 = arith.constant 21 : i32
        %shift_right_logical3A_822 = arith.shrui %mul3A_820, %shift_right_logical3A_821 : i32
        %mul3A_823 = arith.constant 50 : i32
        %mul3A_824 = arith.muli %shift_right_logical3A_822, %mul3A_823 : i32
        %sub3A_825 = arith.subi %add3A_818, %mul3A_824 : i32
        %get3A_826 = arith.index_cast %add3A_818 : i32 to index
        %get3A_827 = arith.constant 0 : index
        %get3A_828 = tpu.vector_load %arg8[%get3A_826, %get3A_827] {strides = array<i32>} : memref<400x32xf32, #tpu.memory_space<vmem>>, vector<16xf32>,
        %mul3A_829 = arith.mulf %get3A_828, %gather3A_816 : vector<16xf32>
        %swap3A_830 = arith.index_cast %shift_right_logical3A_822 : i32 to index
        %swap3A_831 = arith.index_cast %sub3A_825 : i32 to index
        %swap3A_832 = arith.constant 0 : index
        %swap3A_833 = tpu.vector_load %arg10[%swap3A_830, %swap3A_831, %swap3A_832] {strides = array<i32>} : memref<8x50x32xf32, #tpu.memory_space<vmem>>, vector<16xf32>,
        tpu.vector_store %arg10[%swap3A_830, %swap3A_831, %swap3A_832], %mul3A_829 {strides = array<i32>} : memref<8x50x32xf32, #tpu.memory_space<vmem>>, vector<16xf32>,
        %get3A_834 = arith.index_cast %add3A_818 : i32 to index
        %get3A_835 = arith.constant 16 : index
        %get3A_836 = tpu.vector_load %arg8[%get3A_834, %get3A_835] {strides = array<i32>} : memref<400x32xf32, #tpu.memory_space<vmem>>, vector<16xf32>,
        %mul3A_837 = arith.mulf %get3A_836, %gather3A_816 : vector<16xf32>
        %swap3A_838 = arith.index_cast %shift_right_logical3A_822 : i32 to index
        %swap3A_839 = arith.index_cast %sub3A_825 : i32 to index
        %swap3A_840 = arith.constant 16 : index
        %swap3A_841 = tpu.vector_load %arg10[%swap3A_838, %swap3A_839, %swap3A_840] {strides = array<i32>} : memref<8x50x32xf32, #tpu.memory_space<vmem>>, vector<16xf32>,
        tpu.vector_store %arg10[%swap3A_838, %swap3A_839, %swap3A_840], %mul3A_837 {strides = array<i32>} : memref<8x50x32xf32, #tpu.memory_space<vmem>>, vector<16xf32>,
        %broadcast_in_dim3A_842 = arith.constant 14 : i32
        %broadcast_in_dim3A_843 = vector.broadcast %broadcast_in_dim3A_842 : i32 to vector<16x1xi32>
        %gather3A_844 = vector.shape_cast %broadcast_in_dim3A_843 : vector<16x1xi32> to vector<16xi32>
        %gather3A_845 = tpu.dynamic_gather %mul3A_437[%gather3A_844] in [0] : vector<16xf32>, vector<16xi32> -> vector<16xf32>
        %add3A_846 = arith.constant 14 : i32
        %add3A_847 = arith.addi %mul3A_129, %add3A_846 : i32
        %mul3A_848 = arith.constant 41944 : i32
        %mul3A_849 = arith.muli %add3A_847, %mul3A_848 : i32
        %shift_right_logical3A_850 = arith.constant 21 : i32
        %shift_right_logical3A_851 = arith.shrui %mul3A_849, %shift_right_logical3A_850 : i32
        %mul3A_852 = arith.constant 50 : i32
        %mul3A_853 = arith.muli %shift_right_logical3A_851, %mul3A_852 : i32
        %sub3A_854 = arith.subi %add3A_847, %mul3A_853 : i32
        %get3A_855 = arith.index_cast %add3A_847 : i32 to index
        %get3A_856 = arith.constant 0 : index
        %get3A_857 = tpu.vector_load %arg8[%get3A_855, %get3A_856] {strides = array<i32>} : memref<400x32xf32, #tpu.memory_space<vmem>>, vector<16xf32>,
        %mul3A_858 = arith.mulf %get3A_857, %gather3A_845 : vector<16xf32>
        %swap3A_859 = arith.index_cast %shift_right_logical3A_851 : i32 to index
        %swap3A_860 = arith.index_cast %sub3A_854 : i32 to index
        %swap3A_861 = arith.constant 0 : index
        %swap3A_862 = tpu.vector_load %arg10[%swap3A_859, %swap3A_860, %swap3A_861] {strides = array<i32>} : memref<8x50x32xf32, #tpu.memory_space<vmem>>, vector<16xf32>,
        tpu.vector_store %arg10[%swap3A_859, %swap3A_860, %swap3A_861], %mul3A_858 {strides = array<i32>} : memref<8x50x32xf32, #tpu.memory_space<vmem>>, vector<16xf32>,
        %get3A_863 = arith.index_cast %add3A_847 : i32 to index
        %get3A_864 = arith.constant 16 : index
        %get3A_865 = tpu.vector_load %arg8[%get3A_863, %get3A_864] {strides = array<i32>} : memref<400x32xf32, #tpu.memory_space<vmem>>, vector<16xf32>,
        %mul3A_866 = arith.mulf %get3A_865, %gather3A_845 : vector<16xf32>
        %swap3A_867 = arith.index_cast %shift_right_logical3A_851 : i32 to index
        %swap3A_868 = arith.index_cast %sub3A_854 : i32 to index
        %swap3A_869 = arith.constant 16 : index
        %swap3A_870 = tpu.vector_load %arg10[%swap3A_867, %swap3A_868, %swap3A_869] {strides = array<i32>} : memref<8x50x32xf32, #tpu.memory_space<vmem>>, vector<16xf32>,
        tpu.vector_store %arg10[%swap3A_867, %swap3A_868, %swap3A_869], %mul3A_866 {strides = array<i32>} : memref<8x50x32xf32, #tpu.memory_space<vmem>>, vector<16xf32>,
        %broadcast_in_dim3A_871 = arith.constant 15 : i32
        %broadcast_in_dim3A_872 = vector.broadcast %broadcast_in_dim3A_871 : i32 to vector<16x1xi32>
        %gather3A_873 = vector.shape_cast %broadcast_in_dim3A_872 : vector<16x1xi32> to vector<16xi32>
        %gather3A_874 = tpu.dynamic_gather %mul3A_437[%gather3A_873] in [0] : vector<16xf32>, vector<16xi32> -> vector<16xf32>
        %add3A_875 = arith.constant 15 : i32
        %add3A_876 = arith.addi %mul3A_129, %add3A_875 : i32
        %mul3A_877 = arith.constant 41944 : i32
        %mul3A_878 = arith.muli %add3A_876, %mul3A_877 : i32
        %shift_right_logical3A_879 = arith.constant 21 : i32
        %shift_right_logical3A_880 = arith.shrui %mul3A_878, %shift_right_logical3A_879 : i32
        %mul3A_881 = arith.constant 50 : i32
        %mul3A_882 = arith.muli %shift_right_logical3A_880, %mul3A_881 : i32
        %sub3A_883 = arith.subi %add3A_876, %mul3A_882 : i32
        %get3A_884 = arith.index_cast %add3A_876 : i32 to index
        %get3A_885 = arith.constant 0 : index
        %get3A_886 = tpu.vector_load %arg8[%get3A_884, %get3A_885] {strides = array<i32>} : memref<400x32xf32, #tpu.memory_space<vmem>>, vector<16xf32>,
        %mul3A_887 = arith.mulf %get3A_886, %gather3A_874 : vector<16xf32>
        %swap3A_888 = arith.index_cast %shift_right_logical3A_880 : i32 to index
        %swap3A_889 = arith.index_cast %sub3A_883 : i32 to index
        %swap3A_890 = arith.constant 0 : index
        %swap3A_891 = tpu.vector_load %arg10[%swap3A_888, %swap3A_889, %swap3A_890] {strides = array<i32>} : memref<8x50x32xf32, #tpu.memory_space<vmem>>, vector<16xf32>,
        tpu.vector_store %arg10[%swap3A_888, %swap3A_889, %swap3A_890], %mul3A_887 {strides = array<i32>} : memref<8x50x32xf32, #tpu.memory_space<vmem>>, vector<16xf32>,
        %get3A_892 = arith.index_cast %add3A_876 : i32 to index
        %get3A_893 = arith.constant 16 : index
        %get3A_894 = tpu.vector_load %arg8[%get3A_892, %get3A_893] {strides = array<i32>} : memref<400x32xf32, #tpu.memory_space<vmem>>, vector<16xf32>,
        %mul3A_895 = arith.mulf %get3A_894, %gather3A_874 : vector<16xf32>
        %swap3A_896 = arith.index_cast %shift_right_logical3A_880 : i32 to index
        %swap3A_897 = arith.index_cast %sub3A_883 : i32 to index
        %swap3A_898 = arith.constant 16 : index
        %swap3A_899 = tpu.vector_load %arg10[%swap3A_896, %swap3A_897, %swap3A_898] {strides = array<i32>} : memref<8x50x32xf32, #tpu.memory_space<vmem>>, vector<16xf32>,
        tpu.vector_store %arg10[%swap3A_896, %swap3A_897, %swap3A_898], %mul3A_895 {strides = array<i32>} : memref<8x50x32xf32, #tpu.memory_space<vmem>>, vector<16xf32>,
      }
      %scan3A_113 = arith.constant 25 : i32
      %mul3A_114 = arith.constant 8 : i32
      %mul3A_115 = arith.muli %add3A_86, %mul3A_114 : i32
      %add3A_116 = arith.addi %mul3A_8, %mul3A_115 : i32
      %dma_start3A_117 = arith.constant 0 : i32
      %dma_start3A_118 = arith.constant 0 : i32
      %dma_start3A_119 = tpu.memref_slice %arg5[%add3A_116, %dma_start3A_117, %dma_start3A_118] : memref<16384x50x32xf32, #tpu.memory_space<hbm>> -> memref<8x50x32xf32, #tpu.memory_space<hbm>>
      %dma_start3A_120 = arith.constant 0 : i32
      %dma_start3A_121 = arith.constant 0 : i32
      %dma_start3A_122 = tpu.memref_slice %arg5[%add3A_116, %dma_start3A_120, %dma_start3A_121] : memref<16384x50x32xf32, #tpu.memory_space<hbm>> -> memref<8x50x32xf32, #tpu.memory_space<hbm>>
      tpu.enqueue_dma source(%arg10 : memref<8x50x32xf32, #tpu.memory_space<vmem>>) target(%dma_start3A_122 : memref<8x50x32xf32, #tpu.memory_space<hbm>>) target_semaphore(%arg19 : memref<!tpu.dma_semaphore, #tpu.memory_space<semaphore_mem>>)
    }
    %scan3A_26 = arith.constant 32 : i32
    %dma_wait3A = arith.constant 0 : i32
    %dma_wait3A_27 = arith.constant 0 : i32
    %dma_wait3A_28 = arith.constant 0 : i32
    %dma_wait3A_29 = tpu.memref_slice %arg5[%dma_wait3A, %dma_wait3A_27, %dma_wait3A_28] : memref<16384x50x32xf32, #tpu.memory_space<hbm>> -> memref<8x50x32xf32, #tpu.memory_space<hbm>>
    %dma_wait3A_30 = arith.constant 0 : i32
    %dma_wait3A_31 = arith.constant 0 : i32
    %dma_wait3A_32 = arith.constant 0 : i32
    %dma_wait3A_33 = tpu.memref_slice %arg5[%dma_wait3A_30, %dma_wait3A_31, %dma_wait3A_32] : memref<16384x50x32xf32, #tpu.memory_space<hbm>> -> memref<8x50x32xf32, #tpu.memory_space<hbm>>
    tpu.wait_dma2 semaphore(%arg18 : memref<!tpu.dma_semaphore, #tpu.memory_space<semaphore_mem>>) src(%arg9 : memref<8x50x32xf32, #tpu.memory_space<vmem>>) dst(%dma_wait3A_33 : memref<8x50x32xf32, #tpu.memory_space<hbm>>)
    %dma_wait3A_34 = arith.constant 0 : i32
    %dma_wait3A_35 = arith.constant 0 : i32
    %dma_wait3A_36 = arith.constant 0 : i32
    %dma_wait3A_37 = tpu.memref_slice %arg5[%dma_wait3A_34, %dma_wait3A_35, %dma_wait3A_36] : memref<16384x50x32xf32, #tpu.memory_space<hbm>> -> memref<8x50x32xf32, #tpu.memory_space<hbm>>
    %dma_wait3A_38 = arith.constant 0 : i32
    %dma_wait3A_39 = arith.constant 0 : i32
    %dma_wait3A_40 = arith.constant 0 : i32
    %dma_wait3A_41 = tpu.memref_slice %arg5[%dma_wait3A_38, %dma_wait3A_39, %dma_wait3A_40] : memref<16384x50x32xf32, #tpu.memory_space<hbm>> -> memref<8x50x32xf32, #tpu.memory_space<hbm>>
    tpu.wait_dma2 semaphore(%arg19 : memref<!tpu.dma_semaphore, #tpu.memory_space<semaphore_mem>>) src(%arg10 : memref<8x50x32xf32, #tpu.memory_space<vmem>>) dst(%dma_wait3A_41 : memref<8x50x32xf32, #tpu.memory_space<hbm>>)
    return
  }
}

</mosaic_0001>

<sc_bundles>
// kernel: kernel.3.cloned.1.call-start
scs
__scs_entry_jumppad:
0x0: {  	(pc) =	sbr.rel $0x88, $3  }
0x1: {  	(tag) =	ssettag $0x0;
	lr =	simm.s32 $0x1  }
0x2: {  	[smem:$0x3F9E] =	sst lr;
	_ =	strace $0xD0000000  }
0x3: {  	_ = 	snop  }
0x4: {  	_ = 	snop  }
0x5: {  	_ = 	snop  }
0x6: {  	_ = 	snop  }
0x7: {  	_ = 	snop  }
__scs_overlays_trampoline_lowered:
0x8: {  	[smem:$0x3FAD] =	sst s0  }
0x9: {  	[smem:$0x3FAE] =	sst s1  }
0xa: {  	[smem:$0x3FAF] =	sst s2  }
0xb: {  	[smem:$0x3FB0] =	sst s3  }
0xc: {  	[smem:$0x3FB1] =	sst s4  }
0xd: {  	[smem:$0x3FB2] =	sst s5  }
0xe: {  	[smem:$0x3FB3] =	sst s6  }
0xf: {  	[smem:$0x3FB4] =	sst s7  }
0x10: {  	[smem:$0x3FB5] =	sst s8  }
0x11: {  	[smem:$0x3FB6] =	sst s9;
	s0 =	simm.s32 @!p0 $0x0  }
0x12: {  	s1 =	sld [smem:$0x3F9C];
	s0 =	simm.s32 @p0 $0x1  }
0x13: {  	[smem:$0x3FB7] =	sst s0;
	s0 =	simm.s32 @!p1 $0x0  }
0x14: {  	s2 =	sld [smem:$0x3F9B];
	s0 =	simm.s32 @p1 $0x1  }
0x15: {  	[smem:$0x3FB8] =	sst s0;
	s0 =	simm.s32 @!p2 $0x0  }
0x16: {  	s3 =	sld [smem:$0x3FDB];
	s0 =	simm.s32 @p2 $0x1  }
0x17: {  	s4 =	simm.s32 $0x1BF5;
	[smem:$0x3FBA] =	sst s0  }
0x18: {  	s0 =	sld [smem:$0x3F9D];
	_ =	swait.ge [sflag:s4], $0x0  }
0x19: {  	s7 =	sld [smem:$0x3F9E]  }
0x1a: {  	s8 =	sadd.s32 $0xFFFFE003, lr  }
0x1b: {  	s9 =	sadd.s32 $0xFFFFFEF7, lr;
	s5 =	simm.s32 $0xFFFFFFFF;
	p2 =	slt.u32 s8, $0xFFFFF086  }
0x1c: {  	p1 =	slt.u32 s9, $0xF7A;
	s5 =	simm.s32 @!p2 $0x0  }
0x1d: {  	s5 =	simm.s32 @p1 $0x1;
	p0 =	seq.s32 s7, s2  }
0x1e: {  	s7 =	smul.u32 @!p0 $0xF7A, s2;
	p2 =	seq.s32 @!p0 s5, $0x0  }
0x1f: {  	s9 =	smul.u32 $0xF7A, s1;
	s8 =	simm.s32 @!p0 $0x1BF5;
	p2 =	por !p2, p0  }
0x20: {  	[sflag:s8] =	ssyncset.s32 @!p0 $0xFFFFF086;
	s6 =	sadd.s32 @!p0 s3, s7;
	s7 =	simm.s32 @!p0 $0x108  }
0x21: {  	s3 =	sadd.s32 s3, s9;
	s6 =	sadd.s32 @!p0 $0x88, s6;
	s7 =	simm.s32 @p2 $0x1082  }
0x22: {  	[simem:s7], [sflag:s8] =	dma.local @!p0 [hbm:s6], $0xF7A  }
0x23: {  	s9 =	sor.u32 $0xD0000000, s2;
	s6 =	simm.s32 $0x108;
	_ =	swait.ge @!p0 [sflag:s8], $0x0  }
0x24: {  	s3 =	sadd.s32 $0x88, s3;
	s6 =	simm.s32 @!p1 $0x1082;
	[sflag:s4] =	ssyncset.s32 $0xFFFFF086  }
0x25: {  	[simem:s6], [sflag:s4] =	dma.local [hbm:s3], $0xF7A  }
0x26: {  	[smem:$0x3F9E] =	sst s1;
	(tag) =	ssettag s2;
	_ =	strace s9  }
0x27: {  	s1 =	sld [smem:$0x3FAE]  }
0x28: {  	s2 =	sld [smem:$0x3FAF]  }
0x29: {  	s4 =	sld [smem:$0x3FB1]  }
0x2a: {  	p0 =	seq.s32 s5, $0x0;
	s5 =	sld [smem:$0x3FB2]  }
0x2b: {  	s6 =	sld [smem:$0x3FB3]  }
0x2c: {  	s7 =	sld [smem:$0x3FB4]  }
0x2d: {  	s3 =	simm.s32 $0x108;
	s8 =	sld [smem:$0x3FB5]  }
0x2e: {  	s3 =	simm.s32 @!p0 $0x1082;
	s9 =	sld [smem:$0x3FB6]  }
0x2f: {  	lr =	sadd.s32 s0, s3;
	s0 =	sld [smem:$0x3FAD]  }
0x30: {  	s3 =	sld [smem:$0x3FB0]  }
0x31: {  	[smem:$0x3FB9] =	sst s10  }
0x32: {  	s10 =	sld [smem:$0x3FB7];
	_ =	sdelay $0x3  }
0x33: {  	p0 =	seq.s32 s10, $0x1;
	s10 =	sld [smem:$0x3FB9];
	_ =	sdelay $0x3  }
0x34: {  	[smem:$0x3FB9] =	sst s10  }
0x35: {  	s10 =	sld [smem:$0x3FB8];
	_ =	sdelay $0x3  }
0x36: {  	p1 =	seq.s32 s10, $0x1;
	s10 =	sld [smem:$0x3FB9];
	_ =	sdelay $0x3  }
0x37: {  	[smem:$0x3FB9] =	sst s10  }
0x38: {  	s10 =	sld [smem:$0x3FBA]  }
0x39: {  	_ = 	snop;
	(pc) =	sbr.ind lr, $3  }
0x3a: {  	_ = 	snop  }
0x3b: {  	_ = 	snop  }
0x3c: {  	p2 =	seq.s32 s10, $0x1;
	s10 =	sld [smem:$0x3FB9]  }
0x3d: {  	_ =	shalt  }
0x3e: {  	_ =	shalt  }
0x3f: {  	_ =	shalt  }
0x40: {  	_ =	shalt  }
0x41: {  	_ =	shalt  }
0x42: {  	_ =	shalt  }
0x43: {  	_ =	shalt  }
0x44: {  	_ =	shalt  }
0x45: {  	_ =	shalt  }
0x46: {  	_ =	shalt  }
0x47: {  	_ =	shalt  }
0x48: {  	_ =	shalt  }
0x49: {  	_ =	shalt  }
0x4a: {  	_ =	shalt  }
0x4b: {  	_ =	shalt  }
0x4c: {  	_ =	shalt  }
0x4d: {  	_ =	shalt  }
0x4e: {  	_ =	shalt  }
0x4f: {  	_ =	shalt  }
0x50: {  	_ =	shalt  }
0x51: {  	_ =	shalt  }
0x52: {  	_ =	shalt  }
0x53: {  	_ =	shalt  }
0x54: {  	_ =	shalt  }
0x55: {  	_ =	shalt  }
0x56: {  	_ =	shalt  }
0x57: {  	_ =	shalt  }
0x58: {  	_ =	shalt  }
0x59: {  	_ =	shalt  }
0x5a: {  	_ =	shalt  }
0x5b: {  	_ =	shalt  }
0x5c: {  	_ =	shalt  }
0x5d: {  	_ =	shalt  }
0x5e: {  	_ =	shalt  }
0x5f: {  	_ =	shalt  }
0x60: {  	_ =	shalt  }
0x61: {  	_ =	shalt  }
0x62: {  	_ =	shalt  }
0x63: {  	_ =	shalt  }
0x64: {  	_ =	shalt  }
0x65: {  	_ =	shalt  }
0x66: {  	_ =	shalt  }
0x67: {  	_ =	shalt  }
0x68: {  	_ =	shalt  }
0x69: {  	_ =	shalt  }
0x6a: {  	_ =	shalt  }
0x6b: {  	_ =	shalt  }
0x6c: {  	_ =	shalt  }
0x6d: {  	_ =	shalt  }
0x6e: {  	_ =	shalt  }
0x6f: {  	_ =	shalt  }
0x70: {  	_ =	shalt  }
0x71: {  	_ =	shalt  }
0x72: {  	_ =	shalt  }
0x73: {  	_ =	shalt  }
0x74: {  	_ =	shalt  }
0x75: {  	_ =	shalt  }
0x76: {  	_ =	shalt  }
0x77: {  	_ =	shalt  }
0x78: {  	_ =	shalt  }
0x79: {  	_ =	shalt  }
0x7a: {  	_ =	shalt  }
0x7b: {  	_ =	shalt  }
0x7c: {  	_ =	shalt  }
0x7d: {  	_ =	shalt  }
0x7e: {  	_ =	shalt  }
0x7f: {  	_ =	shalt  }
0x80: {  	_ =	shalt  }
0x81: {  	_ =	shalt  }
0x82: {  	_ =	shalt  }
0x83: {  	_ =	shalt  }
0x84: {  	_ =	shalt  }
0x85: {  	_ =	shalt  }
0x86: {  	_ =	shalt  }
0x87: {  	_ =	shalt  }
.Lfunc_end0:
.L_simem_size_0:
called_computation.1_lowered:
.L_overlay_start_0:
0x88: {  	s2 =	sld [smem:$0x3FD9]  }
0x89: {  	s3 =	sld [smem:$0x3FFE];
	_ =	sdelay $0x1  }
0x8a: {  	s1 =	srdreg.scid  }
0x8b: {  	s0 =	sand.u32 $0x1, s1  }
0x8c: {  	s17 =	sshll.u32 s0, $0xA;
	s2 =	sadd.s32 s3, s2  }
0x8d: {  	s2 =	sadd.s32 s2, s17  }
0x8e: {  	[smem:$0x3FC5] =	sst s2  }
0x8f: {  	_ = 	snop  }
0x90: {  	s2 =	sld [smem:$0x3FC8]  }
0x91: {  	s18 =	sld [smem:$0x3FD0];
	(tm) =	ssettm $0x1  }
0x92: {  	s4 =	sld [smem:$0x3FFB];
	_ =	sdelay $0x3  }
0x93: {  	_ =	strace s4  }
0x94: {  	s4 =	sld [smem:$0x3FFC];
	_ =	sdelay $0x3  }
0x95: {  	_ =	strace s4  }
0x96: {  	s4 =	sld [smem:$0x3FFD];
	_ =	sdelay $0x3  }
0x97: {  	_ =	strace s4  }
0x98: {  	_ =	strace $0x8FFFFFFF  }
0x99: {  	s19 =	sld [smem:$0x3FDB];
	_ =	sdelay $0x1  }
0x9a: {  	s5 =	simm.s32 $_scs_section_size  }
0x9b: {  	s6 =	simm.s32 $_size__tile_overlayer_lowered;
	s7 =	simm.s32 $_tile_overlayer_lowered  }
0x9c: {  	s22 =	simm.s32 $0x1BFF;
	s21 =	sshll.u32 s7, $0x1;
	s4 =	sadd.s32 s5, s19  }
0x9d: {  	s8 =	simm.s32 $0x0;
	s20 =	sshll.u32 s6, $0x1;
	s6 =	sadd.s32 s21, s4  }
0x9e: {  	[timem:s8], [sflag:s22] =	dma.local [hbm:s6], s20  }
0x9f: {  	_ =	swait.ge [sflag:s22], s20  }
0xa0: {  	s5 =	ssub.s32 $0x0, s20;
	[sflag:s22] =	ssyncset.done $0x0  }
0xa1: {  	[sflag:s22] =	ssyncadd.s32 s5;
	_ =	sdelay $0x1  }
0xa2: {  	s23 =	simm.s32 $0x1B8B  }
0xa3: {  	_ =	swait.ge [sflag:s23], $0x1  }
0xa4: {  	[sflag:s23] =	ssyncset.done $0x0  }
0xa5: {  	s25 =	simm.s32 $0x1B8E;
	s24 =	sld [smem:$0x3FFE];
	[sflag:s23] =	ssyncadd.s32 $0xFFFFFFFF  }
0xa6: {  	s26 =	simm.s32 $execute0_lowered;
	[smem:$0x3FD2] =	sst s25  }
0xa7: {  	s6 =	sshll.u32 s26, $0x1;
	_ =	strace $0x80000046;
	[dreg:$0x1] =	wrdreg $0xFFFFFFFF  }
0xa8: {  	s28 =	simm.s32 $_size_execute0_lowered;
	s4 =	sadd.s32 s4, s6;
	[dreg:$0x0] =	wrdreg $0x0  }
0xa9: {  	s6 =	sshll.u32 s28, $0x1;
	[dreg:$0x2] =	wrdreg s4  }
0xaa: {  	[dreg:$0x3] =	wrdreg s6  }
0xab: {  	[dreg:$0x4] =	wrdreg $0xC0  }
0xac: {  	_ =	task [dreg:s8], $0x5FFFF  }
0xad: {  	[dreg:$0x1] =	wrdreg $0xFFFFFFFF  }
0xae: {  	[dreg:$0x0] =	wrdreg $0x60  }
0xaf: {  	[dreg:$0x2] =	wrdreg s24  }
0xb0: {  	[dreg:$0x3] =	wrdreg s2  }
0xb1: {  	[dreg:$0x4] =	wrdreg s18  }
0xb2: {  	[dreg:$0x5] =	wrdreg $0x9  }
0xb3: {  	_ =	task.clear_ibuf [dreg:s8], $0x6FFFF;
	_ =	strace $0x90000046  }
0xb4: {  	s29 =	simm.s32 $0x9;
	_ =	strace $0x80000048  }
0xb5: {  	_ =	swait.ge [sflag:s29], $0x1  }
0xb6: {  	[sflag:s29] =	ssyncadd.s32 $0xFFFFFFFF  }
0xb7: {  	_ =	strace $0x90000048  }
0xb8: {  	_ =	sfence  }
0xb9: {  	s30 =	sld [smem:$0x0];
	_ =	sdelay $0x2  }
0xba: {  	s31 =	sshll.u32 s1, $0xD;
	s1 =	sshrl.u32 s1, $0x2  }
0xbb: {  	s3 =	sand.u32 $0x4000, s31;
	s1 =	sadd.s32 s1, s30  }
0xbc: {  	s0 =	sor.u32 s3, s0;
	s1 =	sshll.u32 s1, $0x11  }
0xbd: {  	s0 =	sor.u32 s1, s0  }
0xbe: {  	s0 =	sadd.s32 $0x8F2B, s0  }
0xbf: {  	[sflag:s0] =	ssyncadd.remote.s32 $0x1  }
0xc0: {  	_ =	sfence.sel $0xFFFF  }
0xc1: {  	[dreg:$0x0] =	wrdreg $0xFFFFFFFF;
	(pc) =	sbr.abs _section_cstart, $3  }
0xc2: {  	[dreg:$0x1] =	wrdreg $0xFFFFFFFF  }
0xc3: {  	_ =	task.clear_ibuf [dreg:s8], $0x2FFFF;
	_ =	strace $0x9FFFFFFF  }
0xc4: {  	(tm) =	ssettm $0x7FFFFFFF  }
0xc5: {  	_ =	shalt  }
tec
execute0_lowered:
.L_overlay_start_1:
0x0: {  	(tag) =	ssettag $0x1  }
0x1: {  	s6 =	rddreg [dreg:$0x0]  }
0x2: {  	s2 =	rddreg [dreg:$0x1]  }
0x3: {  	s1 =	srdreg.scid;
	s0 =	stileid.u32  }
0x4: {  	s3 =	rddreg [dreg:$0x2];
	s4 =	simm.s32 $0x0;
	s11 =	simm.s32 $0x6400  }
0x5: {  	s12 =	simm.s32 $0x12C00;
	s13 =	simm.s32 $0x9600;
	s14 =	simm.s32 $0x12D90  }
0x6: {  	s15 =	simm.s32 $0x1;
	s16 =	simm.s32 $0x3;
	s17 =	simm.s32 $0x12F20  }
0x7: {  	s18 =	simm.s32 $0xC800;
	s19 =	simm.s32 $0x2;
	s20 =	simm.s32 $0x4  }
0x8: {  	v0 =	vlaneseq.u32;
	s21 =	simm.s32 $0xFA00;
	s22 =	simm.s32 $0x5;
	s23 =	simm.s32 $0x6  }
0x9: {  	v1 =	vimm.s32 $0x1;
	v2 =	vimm.s32 $0x0;
	v3 =	vimm.s32 $0x2;
	s24 =	simm.s32 $0x0;
	s5 =	sand.u32 $0x1, s1;
	s7 =	sshll.u32 s0, $0x1  }
0xa: {  	v4 =	vimm.s32 $0x3;
	v5 =	vimm.s32 $0x4;
	v6 =	vimm.s32 $0x5;
	s1 =	rddreg [dreg:$0x3];
	s7 =	sor.u32 s5, s7;
	s9 =	ssub.s32 $0x2, s5  }
0xb: {  	v7 =	vimm.s32 $0x6;
	v8 =	vimm.s32 $0x7;
	v10 =	vimm.s32 $0x9;
	[smem:$0x7FF] =	sst s4;
	s8 =	smul.u32 $0xC80, s7;
	s10 =	sshrl.u32 s9, $0x1  }
0xc: {  	v9 =	vimm.s32 $0x8;
	v11 =	vimm.s32 $0xA;
	v0 =	vmul.u32 $0x10, v0;
	_ =	strace $0x80000047;
	s5 =	sadd.s32 $0xF42E00, s6;
	s9 =	ssub.s32 s9, s10  }
0xd: {  	v12 =	vimm.s32 $0xB;
	v13 =	vimm.s32 $0xC;
	v14 =	vimm.s32 $0xD;
	s10 =	simm.s32 $0x190;
	s8 =	sadd.s32 s8, s6;
	s6 =	sshll.u32 s7, $0x9  }
0xe: {  	v15 =	vimm.s32 $0xE;
	v16 =	vimm.s32 $0xF;
	v0 =	vor.u32 $0xF, v0;
	s7 =	sadd.s32 $0xA00, s8;
	s8 =	smax.u32 s9, $0x1;
	s9 =	simm.s32 $0x7  }
.LBB2_1:
0xf: {  	[tilespmem:s4], [sflag:$0x7] =	stream.linear.gather [hbm4b:s7+s4], $0x6400, $0x38;
	[tilespmem:$0x13020] =	vst v63  }
0x10: {  	_ =	swait.ge [sflag:s9], $0x6400  }
0x11: {  	[sflag:s9] =	ssyncset.done $0x0  }
0x12: {  	[sflag:s9] =	ssyncadd.s32 $0xFFFF9C00  }
0x13: {  	[tilespmem:s11], [sflag:$0x1] =	stream.indirect.gather [hbm4b:s5+s10], $0x20, s4, s10, $0xb8;
	[tilespmem:$0x13020] =	vst v63  }
0x14: {  	s25 =	simm.s32 $0x0  }
0x15: {  	[tilespmem:s12], [sflag:$0x3] =	stream.indirect.gather [hbm4b:s2+s10], $0x1, s4, s10, $0xb8;
	[tilespmem:$0x13020] =	vst v63  }
.LBB2_2:
0x16: {  	s26 =	sshllo.u32 s25, $0x1  }
0x17: {  	s28 =	smul.u32 $0x640, s26;
	_ =	sdelay $0x1  }
0x18: {  	s28 =	sshra.s32 s28, $0x2  }
0x19: {  	[tilespmem:s13], [sflag:$0x2] =	stream.indirect.gather [hbm4b:s5+s10], $0x20, s28, s10, $0xb8;
	[tilespmem:$0x13020] =	vst v63  }
0x1a: {  	p0 =	seq.s32 s25, $0x0  }
0x1b: {  	[tilespmem:s14], [sflag:$0x4] =	stream.indirect.gather [hbm4b:s2+s10], $0x1, s28, s10, $0xb8;
	[tilespmem:$0x13020] =	vst v63  }
0x1c: {  	s28 =	simm.s32 @!p0 $0x5  }
0x1d: {  	_ =	swait.ge @!p0 [sflag:s28], $0x3200  }
0x1e: {  	[sflag:s28] =	ssyncset.done @!p0 $0x0  }
0x1f: {  	[sflag:s28] =	ssyncadd.s32 @!p0 $0xFFFFCE00  }
0x20: {  	_ =	swait.ge [sflag:s15], $0x3200  }
0x21: {  	[sflag:s15] =	ssyncset.done $0x0  }
0x22: {  	[sflag:s15] =	ssyncadd.s32 $0xFFFFCE00  }
0x23: {  	_ =	swait.ge [sflag:s16], $0x190  }
0x24: {  	s29 =	simm.s32 $0x12C00;
	s30 =	simm.s32 $0xC900;
	[sflag:s16] =	ssyncset.done $0x0  }
0x25: {  	s31 =	simm.s32 $0x6500;
	s28 =	simm.s32 $0x0;
	[sflag:s16] =	ssyncadd.s32 $0xFFFFFE70  }
.LBB2_3:
0x26: {  	v17 =	vld [tilespmem:s31+$0xFFFFFF00]  }
0x27: {  	v18 =	vld [tilespmem:s31+$0xFFFFFF10];
	_ =	sdelay $0x4  }
0x28: {  	v17 =	vmul.f32 v17, v17;
	v18 =	vmul.f32 v18, v18;
	_ =	sdelay $0x1  }
0x29: {  	v17 =	vadd.f32 v18, v17;
	_ =	sdelay $0x1  }
0x2a: {  	(xrf2) =	vadd.scan.msk.f32 $0xffff, v17;
	_ =	sdelay $0x9  }
0x2b: {  	v17, _, _ =	vpop (xrf2)  }
0x2c: {  	[tilespmem:$0x12F20] =	vst v17  }
0x2d: {  	v17 =	vld [tilespmem:s31+$0xFFFFFF20]  }
0x2e: {  	v18 =	vld [tilespmem:s31+$0xFFFFFF30];
	_ =	sdelay $0x4  }
0x2f: {  	v17 =	vmul.f32 v17, v17;
	v18 =	vmul.f32 v18, v18;
	_ =	sdelay $0x1  }
0x30: {  	v17 =	vadd.f32 v18, v17;
	_ =	sdelay $0x1  }
0x31: {  	(xrf2) =	vadd.scan.msk.f32 $0xffff, v17;
	_ =	sdelay $0x9  }
0x32: {  	v17, _, _ =	vpop (xrf2)  }
0x33: {  	[tilespmem:$0x12F30] =	vst v17  }
0x34: {  	v17 =	vld [tilespmem:s31+$0xFFFFFF40]  }
0x35: {  	v18 =	vld [tilespmem:s31+$0xFFFFFF50];
	_ =	sdelay $0x4  }
0x36: {  	v17 =	vmul.f32 v17, v17;
	v18 =	vmul.f32 v18, v18;
	_ =	sdelay $0x1  }
0x37: {  	v17 =	vadd.f32 v18, v17;
	_ =	sdelay $0x1  }
0x38: {  	(xrf2) =	vadd.scan.msk.f32 $0xffff, v17;
	_ =	sdelay $0x9  }
0x39: {  	v17, _, _ =	vpop (xrf2)  }
0x3a: {  	[tilespmem:$0x12F40] =	vst v17  }
0x3b: {  	v17 =	vld [tilespmem:s31+$0xFFFFFF60]  }
0x3c: {  	v18 =	vld [tilespmem:s31+$0xFFFFFF70];
	_ =	sdelay $0x4  }
0x3d: {  	v17 =	vmul.f32 v17, v17;
	v18 =	vmul.f32 v18, v18;
	_ =	sdelay $0x1  }
0x3e: {  	v17 =	vadd.f32 v18, v17;
	_ =	sdelay $0x1  }
0x3f: {  	(xrf2) =	vadd.scan.msk.f32 $0xffff, v17;
	_ =	sdelay $0x9  }
0x40: {  	v17, _, _ =	vpop (xrf2)  }
0x41: {  	[tilespmem:$0x12F50] =	vst v17  }
0x42: {  	v17 =	vld [tilespmem:s31+$0xFFFFFF80]  }
0x43: {  	v18 =	vld [tilespmem:s31+$0xFFFFFF90];
	_ =	sdelay $0x4  }
0x44: {  	v17 =	vmul.f32 v17, v17;
	v18 =	vmul.f32 v18, v18;
	_ =	sdelay $0x1  }
0x45: {  	v17 =	vadd.f32 v18, v17;
	_ =	sdelay $0x1  }
0x46: {  	(xrf2) =	vadd.scan.msk.f32 $0xffff, v17;
	_ =	sdelay $0x9  }
0x47: {  	v17, _, _ =	vpop (xrf2)  }
0x48: {  	[tilespmem:$0x12F60] =	vst v17  }
0x49: {  	v17 =	vld [tilespmem:s31+$0xFFFFFFA0]  }
0x4a: {  	v18 =	vld [tilespmem:s31+$0xFFFFFFB0];
	_ =	sdelay $0x4  }
0x4b: {  	v17 =	vmul.f32 v17, v17;
	v18 =	vmul.f32 v18, v18;
	_ =	sdelay $0x1  }
0x4c: {  	v17 =	vadd.f32 v18, v17;
	_ =	sdelay $0x1  }
0x4d: {  	(xrf2) =	vadd.scan.msk.f32 $0xffff, v17;
	_ =	sdelay $0x9  }
0x4e: {  	v17, _, _ =	vpop (xrf2)  }
0x4f: {  	[tilespmem:$0x12F70] =	vst v17  }
0x50: {  	v17 =	vld [tilespmem:s31+$0xFFFFFFC0]  }
0x51: {  	v18 =	vld [tilespmem:s31+$0xFFFFFFD0];
	_ =	sdelay $0x4  }
0x52: {  	v17 =	vmul.f32 v17, v17;
	v18 =	vmul.f32 v18, v18;
	_ =	sdelay $0x1  }
0x53: {  	v17 =	vadd.f32 v18, v17;
	_ =	sdelay $0x1  }
0x54: {  	(xrf2) =	vadd.scan.msk.f32 $0xffff, v17;
	_ =	sdelay $0x9  }
0x55: {  	v17, _, _ =	vpop (xrf2)  }
0x56: {  	[tilespmem:$0x12F80] =	vst v17  }
0x57: {  	v17 =	vld [tilespmem:s31+$0xFFFFFFE0]  }
0x58: {  	v18 =	vld [tilespmem:s31+$0xFFFFFFF0];
	_ =	sdelay $0x4  }
0x59: {  	v17 =	vmul.f32 v17, v17;
	v18 =	vmul.f32 v18, v18;
	_ =	sdelay $0x1  }
0x5a: {  	v17 =	vadd.f32 v18, v17;
	_ =	sdelay $0x1  }
0x5b: {  	(xrf2) =	vadd.scan.msk.f32 $0xffff, v17;
	_ =	sdelay $0x9  }
0x5c: {  	v17, _, _ =	vpop (xrf2)  }
0x5d: {  	[tilespmem:$0x12F90] =	vst v17  }
0x5e: {  	v17 =	vld [tilespmem:s31+$0x0]  }
0x5f: {  	v18 =	vld [tilespmem:s31+$0x10];
	_ =	sdelay $0x4  }
0x60: {  	v17 =	vmul.f32 v17, v17;
	v18 =	vmul.f32 v18, v18;
	_ =	sdelay $0x1  }
0x61: {  	v17 =	vadd.f32 v18, v17;
	_ =	sdelay $0x1  }
0x62: {  	(xrf2) =	vadd.scan.msk.f32 $0xffff, v17;
	_ =	sdelay $0x9  }
0x63: {  	v17, _, _ =	vpop (xrf2)  }
0x64: {  	[tilespmem:$0x12FA0] =	vst v17  }
0x65: {  	v17 =	vld [tilespmem:s31+$0x20]  }
0x66: {  	v18 =	vld [tilespmem:s31+$0x30];
	_ =	sdelay $0x4  }
0x67: {  	v17 =	vmul.f32 v17, v17;
	v18 =	vmul.f32 v18, v18;
	_ =	sdelay $0x1  }
0x68: {  	v17 =	vadd.f32 v18, v17;
	_ =	sdelay $0x1  }
0x69: {  	(xrf2) =	vadd.scan.msk.f32 $0xffff, v17;
	_ =	sdelay $0x9  }
0x6a: {  	v17, _, _ =	vpop (xrf2)  }
0x6b: {  	[tilespmem:$0x12FB0] =	vst v17  }
0x6c: {  	v17 =	vld [tilespmem:s31+$0x40]  }
0x6d: {  	v18 =	vld [tilespmem:s31+$0x50];
	_ =	sdelay $0x4  }
0x6e: {  	v17 =	vmul.f32 v17, v17;
	v18 =	vmul.f32 v18, v18;
	_ =	sdelay $0x1  }
0x6f: {  	v17 =	vadd.f32 v18, v17;
	_ =	sdelay $0x1  }
0x70: {  	(xrf2) =	vadd.scan.msk.f32 $0xffff, v17;
	_ =	sdelay $0x9  }
0x71: {  	v17, _, _ =	vpop (xrf2)  }
0x72: {  	[tilespmem:$0x12FC0] =	vst v17  }
0x73: {  	v17 =	vld [tilespmem:s31+$0x60]  }
0x74: {  	v18 =	vld [tilespmem:s31+$0x70];
	_ =	sdelay $0x4  }
0x75: {  	v17 =	vmul.f32 v17, v17;
	v18 =	vmul.f32 v18, v18;
	_ =	sdelay $0x1  }
0x76: {  	v17 =	vadd.f32 v18, v17;
	_ =	sdelay $0x1  }
0x77: {  	(xrf2) =	vadd.scan.msk.f32 $0xffff, v17;
	_ =	sdelay $0x9  }
0x78: {  	v17, _, _ =	vpop (xrf2)  }
0x79: {  	[tilespmem:$0x12FD0] =	vst v17  }
0x7a: {  	v17 =	vld [tilespmem:s31+$0x80]  }
0x7b: {  	v18 =	vld [tilespmem:s31+$0x90];
	_ =	sdelay $0x4  }
0x7c: {  	v17 =	vmul.f32 v17, v17;
	v18 =	vmul.f32 v18, v18;
	_ =	sdelay $0x1  }
0x7d: {  	v17 =	vadd.f32 v18, v17;
	_ =	sdelay $0x1  }
0x7e: {  	(xrf2) =	vadd.scan.msk.f32 $0xffff, v17;
	_ =	sdelay $0x9  }
0x7f: {  	v17, _, _ =	vpop (xrf2)  }
0x80: {  	[tilespmem:$0x12FE0] =	vst v17  }
0x81: {  	v17 =	vld [tilespmem:s31+$0xA0]  }
0x82: {  	v18 =	vld [tilespmem:s31+$0xB0];
	_ =	sdelay $0x4  }
0x83: {  	v17 =	vmul.f32 v17, v17;
	v18 =	vmul.f32 v18, v18;
	_ =	sdelay $0x1  }
0x84: {  	v17 =	vadd.f32 v18, v17;
	_ =	sdelay $0x1  }
0x85: {  	(xrf2) =	vadd.scan.msk.f32 $0xffff, v17;
	_ =	sdelay $0x9  }
0x86: {  	v17, _, _ =	vpop (xrf2)  }
0x87: {  	[tilespmem:$0x12FF0] =	vst v17  }
0x88: {  	v17 =	vld [tilespmem:s31+$0xC0]  }
0x89: {  	v18 =	vld [tilespmem:s31+$0xD0];
	_ =	sdelay $0x4  }
0x8a: {  	v17 =	vmul.f32 v17, v17;
	v18 =	vmul.f32 v18, v18;
	_ =	sdelay $0x1  }
0x8b: {  	v17 =	vadd.f32 v18, v17;
	_ =	sdelay $0x1  }
0x8c: {  	(xrf2) =	vadd.scan.msk.f32 $0xffff, v17;
	_ =	sdelay $0x9  }
0x8d: {  	v17, _, _ =	vpop (xrf2)  }
0x8e: {  	[tilespmem:$0x13000] =	vst v17  }
0x8f: {  	v17 =	vld [tilespmem:s31+$0xE0]  }
0x90: {  	v18 =	vld [tilespmem:s31+$0xF0];
	_ =	sdelay $0x4  }
0x91: {  	v17 =	vmul.f32 v17, v17;
	v18 =	vmul.f32 v18, v18;
	_ =	sdelay $0x1  }
0x92: {  	v17 =	vadd.f32 v18, v17;
	_ =	sdelay $0x1  }
0x93: {  	(xrf2) =	vadd.scan.msk.f32 $0xffff, v17;
	_ =	sdelay $0x9  }
0x94: {  	v17, _, _ =	vpop (xrf2)  }
0x95: {  	[tilespmem:$0x13010] =	vst v17  }
0x96: {  	v17 =	vld.idx.msk [tilespmem:v0+s17+$0x0], $0xffff;
	_ =	sdelay $0x4  }
0x97: {  	v18 =	vshra.s32 v17, $0x1;
	v17 =	vmul.f32 $5.000000000e-01, v17  }
0x98: {  	v18 =	vsub.s32 $0x5F3759DF, v18  }
0x99: {  	v19 =	vmul.f32 v18, v17;
	_ =	sdelay $0x1  }
0x9a: {  	v19 =	vmul.f32 v18, v19;
	_ =	sdelay $0x1  }
0x9b: {  	v19 =	vsub.f32 $1.500000000e+00, v19;
	_ =	sdelay $0x1  }
0x9c: {  	v18 =	vmul.f32 v18, v19;
	_ =	sdelay $0x1  }
0x9d: {  	v17 =	vmul.f32 v18, v17;
	_ =	sdelay $0x1  }
0x9e: {  	v17 =	vmul.f32 v17, v18  }
0x9f: {  	v19 =	vld [tilespmem:s29+$0x0]  }
0xa0: {  	v17 =	vsub.f32 $1.500000000e+00, v17;
	_ =	sdelay $0x1  }
0xa1: {  	v17 =	vmul.f32 v17, v18  }
0xa2: {  	v18 =	vld [tilespmem:s31+$0xFFFFFF00]  }
0xa3: {  	v17 =	vmul.f32 v17, v19;
	_ =	sdelay $0x1  }
0xa4: {  	v19 =	vperm.xlane v17, v2;
	_ =	sdelay $0x1  }
0xa5: {  	v18 =	vmul.f32 v18, v19;
	_ =	sdelay $0x1  }
0xa6: {  	[tilespmem:s30+$0xFFFFFF00] =	vst v18  }
0xa7: {  	v18 =	vld [tilespmem:s31+$0xFFFFFF10];
	_ =	sdelay $0x4  }
0xa8: {  	v18 =	vmul.f32 v18, v19;
	_ =	sdelay $0x1  }
0xa9: {  	[tilespmem:s30+$0xFFFFFF10] =	vst v18  }
0xaa: {  	v18 =	vld [tilespmem:s31+$0xFFFFFF20];
	_ =	sdelay $0x2  }
0xab: {  	v19 =	vperm.xlane v17, v1;
	_ =	sdelay $0x1  }
0xac: {  	v18 =	vmul.f32 v18, v19;
	_ =	sdelay $0x1  }
0xad: {  	[tilespmem:s30+$0xFFFFFF20] =	vst v18  }
0xae: {  	v18 =	vld [tilespmem:s31+$0xFFFFFF30];
	_ =	sdelay $0x4  }
0xaf: {  	v18 =	vmul.f32 v18, v19;
	_ =	sdelay $0x1  }
0xb0: {  	[tilespmem:s30+$0xFFFFFF30] =	vst v18  }
0xb1: {  	v18 =	vld [tilespmem:s31+$0xFFFFFF40];
	_ =	sdelay $0x2  }
0xb2: {  	v19 =	vperm.xlane v17, v3;
	_ =	sdelay $0x1  }
0xb3: {  	v18 =	vmul.f32 v18, v19;
	_ =	sdelay $0x1  }
0xb4: {  	[tilespmem:s30+$0xFFFFFF40] =	vst v18  }
0xb5: {  	v18 =	vld [tilespmem:s31+$0xFFFFFF50];
	_ =	sdelay $0x4  }
0xb6: {  	v18 =	vmul.f32 v18, v19;
	_ =	sdelay $0x1  }
0xb7: {  	[tilespmem:s30+$0xFFFFFF50] =	vst v18  }
0xb8: {  	v18 =	vld [tilespmem:s31+$0xFFFFFF60];
	_ =	sdelay $0x2  }
0xb9: {  	v19 =	vperm.xlane v17, v4;
	_ =	sdelay $0x1  }
0xba: {  	v18 =	vmul.f32 v18, v19;
	_ =	sdelay $0x1  }
0xbb: {  	[tilespmem:s30+$0xFFFFFF60] =	vst v18  }
0xbc: {  	v18 =	vld [tilespmem:s31+$0xFFFFFF70];
	_ =	sdelay $0x4  }
0xbd: {  	v18 =	vmul.f32 v18, v19;
	_ =	sdelay $0x1  }
0xbe: {  	[tilespmem:s30+$0xFFFFFF70] =	vst v18  }
0xbf: {  	v18 =	vld [tilespmem:s31+$0xFFFFFF80];
	_ =	sdelay $0x2  }
0xc0: {  	v19 =	vperm.xlane v17, v5;
	_ =	sdelay $0x1  }
0xc1: {  	v18 =	vmul.f32 v18, v19;
	_ =	sdelay $0x1  }
0xc2: {  	[tilespmem:s30+$0xFFFFFF80] =	vst v18  }
0xc3: {  	v18 =	vld [tilespmem:s31+$0xFFFFFF90];
	_ =	sdelay $0x4  }
0xc4: {  	v18 =	vmul.f32 v18, v19;
	_ =	sdelay $0x1  }
0xc5: {  	[tilespmem:s30+$0xFFFFFF90] =	vst v18  }
0xc6: {  	v18 =	vld [tilespmem:s31+$0xFFFFFFA0];
	_ =	sdelay $0x2  }
0xc7: {  	v19 =	vperm.xlane v17, v6;
	_ =	sdelay $0x1  }
0xc8: {  	v18 =	vmul.f32 v18, v19;
	_ =	sdelay $0x1  }
0xc9: {  	[tilespmem:s30+$0xFFFFFFA0] =	vst v18  }
0xca: {  	v18 =	vld [tilespmem:s31+$0xFFFFFFB0];
	_ =	sdelay $0x4  }
0xcb: {  	v18 =	vmul.f32 v18, v19;
	_ =	sdelay $0x1  }
0xcc: {  	[tilespmem:s30+$0xFFFFFFB0] =	vst v18  }
0xcd: {  	v18 =	vld [tilespmem:s31+$0xFFFFFFC0];
	_ =	sdelay $0x2  }
0xce: {  	v19 =	vperm.xlane v17, v7;
	_ =	sdelay $0x1  }
0xcf: {  	v18 =	vmul.f32 v18, v19;
	_ =	sdelay $0x1  }
0xd0: {  	[tilespmem:s30+$0xFFFFFFC0] =	vst v18  }
0xd1: {  	v18 =	vld [tilespmem:s31+$0xFFFFFFD0];
	_ =	sdelay $0x4  }
0xd2: {  	v18 =	vmul.f32 v18, v19;
	_ =	sdelay $0x1  }
0xd3: {  	[tilespmem:s30+$0xFFFFFFD0] =	vst v18  }
0xd4: {  	v18 =	vld [tilespmem:s31+$0xFFFFFFE0];
	_ =	sdelay $0x2  }
0xd5: {  	v19 =	vperm.xlane v17, v8;
	_ =	sdelay $0x1  }
0xd6: {  	v18 =	vmul.f32 v18, v19;
	_ =	sdelay $0x1  }
0xd7: {  	[tilespmem:s30+$0xFFFFFFE0] =	vst v18  }
0xd8: {  	v18 =	vld [tilespmem:s31+$0xFFFFFFF0];
	_ =	sdelay $0x4  }
0xd9: {  	v18 =	vmul.f32 v18, v19;
	_ =	sdelay $0x1  }
0xda: {  	[tilespmem:s30+$0xFFFFFFF0] =	vst v18  }
0xdb: {  	v18 =	vld [tilespmem:s31+$0x0];
	_ =	sdelay $0x2  }
0xdc: {  	v19 =	vperm.xlane v17, v9;
	_ =	sdelay $0x1  }
0xdd: {  	v18 =	vmul.f32 v18, v19;
	_ =	sdelay $0x1  }
0xde: {  	[tilespmem:s30+$0x0] =	vst v18  }
0xdf: {  	v18 =	vld [tilespmem:s31+$0x10];
	_ =	sdelay $0x4  }
0xe0: {  	v18 =	vmul.f32 v18, v19;
	_ =	sdelay $0x1  }
0xe1: {  	[tilespmem:s30+$0x10] =	vst v18  }
0xe2: {  	v18 =	vld [tilespmem:s31+$0x20];
	_ =	sdelay $0x2  }
0xe3: {  	v19 =	vperm.xlane v17, v10;
	_ =	sdelay $0x1  }
0xe4: {  	v18 =	vmul.f32 v18, v19;
	_ =	sdelay $0x1  }
0xe5: {  	[tilespmem:s30+$0x20] =	vst v18  }
0xe6: {  	v18 =	vld [tilespmem:s31+$0x30];
	_ =	sdelay $0x4  }
0xe7: {  	v18 =	vmul.f32 v18, v19;
	_ =	sdelay $0x1  }
0xe8: {  	[tilespmem:s30+$0x30] =	vst v18  }
0xe9: {  	v18 =	vld [tilespmem:s31+$0x40];
	_ =	sdelay $0x2  }
0xea: {  	v19 =	vperm.xlane v17, v11;
	_ =	sdelay $0x1  }
0xeb: {  	v18 =	vmul.f32 v18, v19;
	_ =	sdelay $0x1  }
0xec: {  	[tilespmem:s30+$0x40] =	vst v18  }
0xed: {  	v18 =	vld [tilespmem:s31+$0x50];
	_ =	sdelay $0x4  }
0xee: {  	v18 =	vmul.f32 v18, v19;
	_ =	sdelay $0x1  }
0xef: {  	[tilespmem:s30+$0x50] =	vst v18  }
0xf0: {  	v18 =	vld [tilespmem:s31+$0x60];
	_ =	sdelay $0x2  }
0xf1: {  	v19 =	vperm.xlane v17, v12;
	_ =	sdelay $0x1  }
0xf2: {  	v18 =	vmul.f32 v18, v19;
	_ =	sdelay $0x1  }
0xf3: {  	[tilespmem:s30+$0x60] =	vst v18  }
0xf4: {  	v18 =	vld [tilespmem:s31+$0x70];
	_ =	sdelay $0x4  }
0xf5: {  	v18 =	vmul.f32 v18, v19;
	_ =	sdelay $0x1  }
0xf6: {  	[tilespmem:s30+$0x70] =	vst v18  }
0xf7: {  	v18 =	vld [tilespmem:s31+$0x80];
	_ =	sdelay $0x2  }
0xf8: {  	v19 =	vperm.xlane v17, v13;
	_ =	sdelay $0x1  }
0xf9: {  	v18 =	vmul.f32 v18, v19;
	_ =	sdelay $0x1  }
0xfa: {  	[tilespmem:s30+$0x80] =	vst v18  }
0xfb: {  	v18 =	vld [tilespmem:s31+$0x90];
	_ =	sdelay $0x4  }
0xfc: {  	v18 =	vmul.f32 v18, v19;
	_ =	sdelay $0x1  }
0xfd: {  	[tilespmem:s30+$0x90] =	vst v18  }
0xfe: {  	v18 =	vld [tilespmem:s31+$0xA0];
	_ =	sdelay $0x2  }
0xff: {  	v19 =	vperm.xlane v17, v14;
	_ =	sdelay $0x1  }
0x100: {  	v18 =	vmul.f32 v18, v19;
	_ =	sdelay $0x1  }
0x101: {  	[tilespmem:s30+$0xA0] =	vst v18  }
0x102: {  	v18 =	vld [tilespmem:s31+$0xB0];
	_ =	sdelay $0x4  }
0x103: {  	v18 =	vmul.f32 v18, v19;
	_ =	sdelay $0x1  }
0x104: {  	[tilespmem:s30+$0xB0] =	vst v18  }
0x105: {  	v18 =	vld [tilespmem:s31+$0xC0];
	_ =	sdelay $0x2  }
0x106: {  	v19 =	vperm.xlane v17, v15;
	_ =	sdelay $0x1  }
0x107: {  	v18 =	vmul.f32 v18, v19;
	_ =	sdelay $0x1  }
0x108: {  	[tilespmem:s30+$0xC0] =	vst v18  }
0x109: {  	v18 =	vld [tilespmem:s31+$0xD0];
	_ =	sdelay $0x4  }
0x10a: {  	v18 =	vmul.f32 v18, v19;
	_ =	sdelay $0x1  }
0x10b: {  	[tilespmem:s30+$0xD0] =	vst v18  }
0x10c: {  	v18 =	vld [tilespmem:s31+$0xE0];
	_ =	sdelay $0x2  }
0x10d: {  	v17 =	vperm.xlane v17, v16;
	_ =	sdelay $0x1  }
0x10e: {  	v18 =	vmul.f32 v18, v17;
	_ =	sdelay $0x1  }
0x10f: {  	[tilespmem:s30+$0xE0] =	vst v18  }
0x110: {  	v18 =	vld [tilespmem:s31+$0xF0];
	_ =	sdelay $0x1  }
0x111: {  	p0 =	sne.s32 s28, $0xF5C400  }
.Ltmp0:
0x112: {  	_ = 	snop;
	(pc) =	sbr.rel @p0 .LBB2_3-.Ltmp0, $4  }
0x113: {  	_ = 	snop  }
0x114: {  	v17 =	vmul.f32 v18, v17  }
0x115: {  	s28 =	sadd.s32 $0xA3D80, s28  }
0x116: {  	s29 =	sadd.s32 $0x10, s29;
	s31 =	sadd.s32 $0x200, s31;
	[tilespmem:s30+$0xF0] =	vst v17;
	s30 =	sadd.s32 $0x200, s30  }
0x117: {  	s28 =	sshll.u32 s25, $0x4  }
0x118: {  	s28 =	sadd.s32 s6, s28  }
0x119: {  	s28 =	smul.u32 $0xC8, s28  }
0x11a: {  	p0 =	seq.s32 s25, $0x1F  }
0x11b: {  	s29 =	smul.u32 @!p0 $0xC80, s25;
	s28 =	sadd.s32 s3, s28  }
0x11c: {  	[hbm4b:s28+s4] =	stream.linear.scatter [tilespmem:s18], [sflag:$0x5], $0x3200, $0x38;
	[tilespmem:$0x13020] =	vst v63  }
0x11d: {  	s28 =	sshra.s32 @!p0 s29, $0x2  }
0x11e: {  	s30 =	simm.s32 @!p0 $0x6400;
	s29 =	simm.s32 @!p0 $0x190;
	s28 =	sadd.s32 @!p0 $0x320, s28  }
0x11f: {  	[tilespmem:s30], [sflag:$0x1] =	stream.indirect.gather @!p0 [hbm4b:s5+s29], $0x20, s28, s29, $0xb8;
	[tilespmem:$0x13020] =	vst v63  }
0x120: {  	p1 =	seq.s32 @!p0 s25, $0x0;
	s30 =	simm.s32 @!p0 $0x12C00  }
0x121: {  	[tilespmem:s30], [sflag:$0x3] =	stream.indirect.gather @!p0 [hbm4b:s2+s29], $0x1, s28, s29, $0xb8;
	[tilespmem:$0x13020] =	vst v63  }
0x122: {  	p0 =	por p0, !p1  }
0x123: {  	_ =	swait.ge @p0 [sflag:s23], $0x3200  }
0x124: {  	[sflag:s23] =	ssyncset.done @p0 $0x0  }
0x125: {  	[sflag:s23] =	ssyncadd.s32 @p0 $0xFFFFCE00  }
0x126: {  	_ =	swait.ge [sflag:s19], $0x3200  }
0x127: {  	[sflag:s19] =	ssyncset.done $0x0  }
0x128: {  	[sflag:s19] =	ssyncadd.s32 $0xFFFFCE00  }
0x129: {  	_ =	swait.ge [sflag:s20], $0x190  }
0x12a: {  	s31 =	simm.s32 $0x9700;
	s28 =	simm.s32 $0x0;
	[sflag:s20] =	ssyncset.done $0x0  }
0x12b: {  	s29 =	simm.s32 $0x12D90;
	s30 =	simm.s32 $0xFB00;
	[sflag:s20] =	ssyncadd.s32 $0xFFFFFE70  }
.LBB2_5:
0x12c: {  	v17 =	vld [tilespmem:s31+$0xFFFFFF00]  }
0x12d: {  	v18 =	vld [tilespmem:s31+$0xFFFFFF10];
	_ =	sdelay $0x4  }
0x12e: {  	v17 =	vmul.f32 v17, v17;
	v18 =	vmul.f32 v18, v18;
	_ =	sdelay $0x1  }
0x12f: {  	v17 =	vadd.f32 v18, v17;
	_ =	sdelay $0x1  }
0x130: {  	(xrf2) =	vadd.scan.msk.f32 $0xffff, v17;
	_ =	sdelay $0x9  }
0x131: {  	v17, _, _ =	vpop (xrf2)  }
0x132: {  	[tilespmem:$0x12F20] =	vst v17  }
0x133: {  	v17 =	vld [tilespmem:s31+$0xFFFFFF20]  }
0x134: {  	v18 =	vld [tilespmem:s31+$0xFFFFFF30];
	_ =	sdelay $0x4  }
0x135: {  	v17 =	vmul.f32 v17, v17;
	v18 =	vmul.f32 v18, v18;
	_ =	sdelay $0x1  }
0x136: {  	v17 =	vadd.f32 v18, v17;
	_ =	sdelay $0x1  }
0x137: {  	(xrf2) =	vadd.scan.msk.f32 $0xffff, v17;
	_ =	sdelay $0x9  }
0x138: {  	v17, _, _ =	vpop (xrf2)  }
0x139: {  	[tilespmem:$0x12F30] =	vst v17  }
0x13a: {  	v17 =	vld [tilespmem:s31+$0xFFFFFF40]  }
0x13b: {  	v18 =	vld [tilespmem:s31+$0xFFFFFF50];
	_ =	sdelay $0x4  }
0x13c: {  	v17 =	vmul.f32 v17, v17;
	v18 =	vmul.f32 v18, v18;
	_ =	sdelay $0x1  }
0x13d: {  	v17 =	vadd.f32 v18, v17;
	_ =	sdelay $0x1  }
0x13e: {  	(xrf2) =	vadd.scan.msk.f32 $0xffff, v17;
	_ =	sdelay $0x9  }
0x13f: {  	v17, _, _ =	vpop (xrf2)  }
0x140: {  	[tilespmem:$0x12F40] =	vst v17  }
0x141: {  	v17 =	vld [tilespmem:s31+$0xFFFFFF60]  }
0x142: {  	v18 =	vld [tilespmem:s31+$0xFFFFFF70];
	_ =	sdelay $0x4  }
0x143: {  	v17 =	vmul.f32 v17, v17;
	v18 =	vmul.f32 v18, v18;
	_ =	sdelay $0x1  }
0x144: {  	v17 =	vadd.f32 v18, v17;
	_ =	sdelay $0x1  }
0x145: {  	(xrf2) =	vadd.scan.msk.f32 $0xffff, v17;
	_ =	sdelay $0x9  }
0x146: {  	v17, _, _ =	vpop (xrf2)  }
0x147: {  	[tilespmem:$0x12F50] =	vst v17  }
0x148: {  	v17 =	vld [tilespmem:s31+$0xFFFFFF80]  }
0x149: {  	v18 =	vld [tilespmem:s31+$0xFFFFFF90];
	_ =	sdelay $0x4  }
0x14a: {  	v17 =	vmul.f32 v17, v17;
	v18 =	vmul.f32 v18, v18;
	_ =	sdelay $0x1  }
0x14b: {  	v17 =	vadd.f32 v18, v17;
	_ =	sdelay $0x1  }
0x14c: {  	(xrf2) =	vadd.scan.msk.f32 $0xffff, v17;
	_ =	sdelay $0x9  }
0x14d: {  	v17, _, _ =	vpop (xrf2)  }
0x14e: {  	[tilespmem:$0x12F60] =	vst v17  }
0x14f: {  	v17 =	vld [tilespmem:s31+$0xFFFFFFA0]  }
0x150: {  	v18 =	vld [tilespmem:s31+$0xFFFFFFB0];
	_ =	sdelay $0x4  }
0x151: {  	v17 =	vmul.f32 v17, v17;
	v18 =	vmul.f32 v18, v18;
	_ =	sdelay $0x1  }
0x152: {  	v17 =	vadd.f32 v18, v17;
	_ =	sdelay $0x1  }
0x153: {  	(xrf2) =	vadd.scan.msk.f32 $0xffff, v17;
	_ =	sdelay $0x9  }
0x154: {  	v17, _, _ =	vpop (xrf2)  }
0x155: {  	[tilespmem:$0x12F70] =	vst v17  }
0x156: {  	v17 =	vld [tilespmem:s31+$0xFFFFFFC0]  }
0x157: {  	v18 =	vld [tilespmem:s31+$0xFFFFFFD0];
	_ =	sdelay $0x4  }
0x158: {  	v17 =	vmul.f32 v17, v17;
	v18 =	vmul.f32 v18, v18;
	_ =	sdelay $0x1  }
0x159: {  	v17 =	vadd.f32 v18, v17;
	_ =	sdelay $0x1  }
0x15a: {  	(xrf2) =	vadd.scan.msk.f32 $0xffff, v17;
	_ =	sdelay $0x9  }
0x15b: {  	v17, _, _ =	vpop (xrf2)  }
0x15c: {  	[tilespmem:$0x12F80] =	vst v17  }
0x15d: {  	v17 =	vld [tilespmem:s31+$0xFFFFFFE0]  }
0x15e: {  	v18 =	vld [tilespmem:s31+$0xFFFFFFF0];
	_ =	sdelay $0x4  }
0x15f: {  	v17 =	vmul.f32 v17, v17;
	v18 =	vmul.f32 v18, v18;
	_ =	sdelay $0x1  }
0x160: {  	v17 =	vadd.f32 v18, v17;
	_ =	sdelay $0x1  }
0x161: {  	(xrf2) =	vadd.scan.msk.f32 $0xffff, v17;
	_ =	sdelay $0x9  }
0x162: {  	v17, _, _ =	vpop (xrf2)  }
0x163: {  	[tilespmem:$0x12F90] =	vst v17  }
0x164: {  	v17 =	vld [tilespmem:s31+$0x0]  }
0x165: {  	v18 =	vld [tilespmem:s31+$0x10];
	_ =	sdelay $0x4  }
0x166: {  	v17 =	vmul.f32 v17, v17;
	v18 =	vmul.f32 v18, v18;
	_ =	sdelay $0x1  }
0x167: {  	v17 =	vadd.f32 v18, v17;
	_ =	sdelay $0x1  }
0x168: {  	(xrf2) =	vadd.scan.msk.f32 $0xffff, v17;
	_ =	sdelay $0x9  }
0x169: {  	v17, _, _ =	vpop (xrf2)  }
0x16a: {  	[tilespmem:$0x12FA0] =	vst v17  }
0x16b: {  	v17 =	vld [tilespmem:s31+$0x20]  }
0x16c: {  	v18 =	vld [tilespmem:s31+$0x30];
	_ =	sdelay $0x4  }
0x16d: {  	v17 =	vmul.f32 v17, v17;
	v18 =	vmul.f32 v18, v18;
	_ =	sdelay $0x1  }
0x16e: {  	v17 =	vadd.f32 v18, v17;
	_ =	sdelay $0x1  }
0x16f: {  	(xrf2) =	vadd.scan.msk.f32 $0xffff, v17;
	_ =	sdelay $0x9  }
0x170: {  	v17, _, _ =	vpop (xrf2)  }
0x171: {  	[tilespmem:$0x12FB0] =	vst v17  }
0x172: {  	v17 =	vld [tilespmem:s31+$0x40]  }
0x173: {  	v18 =	vld [tilespmem:s31+$0x50];
	_ =	sdelay $0x4  }
0x174: {  	v17 =	vmul.f32 v17, v17;
	v18 =	vmul.f32 v18, v18;
	_ =	sdelay $0x1  }
0x175: {  	v17 =	vadd.f32 v18, v17;
	_ =	sdelay $0x1  }
0x176: {  	(xrf2) =	vadd.scan.msk.f32 $0xffff, v17;
	_ =	sdelay $0x9  }
0x177: {  	v17, _, _ =	vpop (xrf2)  }
0x178: {  	[tilespmem:$0x12FC0] =	vst v17  }
0x179: {  	v17 =	vld [tilespmem:s31+$0x60]  }
0x17a: {  	v18 =	vld [tilespmem:s31+$0x70];
	_ =	sdelay $0x4  }
0x17b: {  	v17 =	vmul.f32 v17, v17;
	v18 =	vmul.f32 v18, v18;
	_ =	sdelay $0x1  }
0x17c: {  	v17 =	vadd.f32 v18, v17;
	_ =	sdelay $0x1  }
0x17d: {  	(xrf2) =	vadd.scan.msk.f32 $0xffff, v17;
	_ =	sdelay $0x9  }
0x17e: {  	v17, _, _ =	vpop (xrf2)  }
0x17f: {  	[tilespmem:$0x12FD0] =	vst v17  }
0x180: {  	v17 =	vld [tilespmem:s31+$0x80]  }
0x181: {  	v18 =	vld [tilespmem:s31+$0x90];
	_ =	sdelay $0x4  }
0x182: {  	v17 =	vmul.f32 v17, v17;
	v18 =	vmul.f32 v18, v18;
	_ =	sdelay $0x1  }
0x183: {  	v17 =	vadd.f32 v18, v17;
	_ =	sdelay $0x1  }
0x184: {  	(xrf2) =	vadd.scan.msk.f32 $0xffff, v17;
	_ =	sdelay $0x9  }
0x185: {  	v17, _, _ =	vpop (xrf2)  }
0x186: {  	[tilespmem:$0x12FE0] =	vst v17  }
0x187: {  	v17 =	vld [tilespmem:s31+$0xA0]  }
0x188: {  	v18 =	vld [tilespmem:s31+$0xB0];
	_ =	sdelay $0x4  }
0x189: {  	v17 =	vmul.f32 v17, v17;
	v18 =	vmul.f32 v18, v18;
	_ =	sdelay $0x1  }
0x18a: {  	v17 =	vadd.f32 v18, v17;
	_ =	sdelay $0x1  }
0x18b: {  	(xrf2) =	vadd.scan.msk.f32 $0xffff, v17;
	_ =	sdelay $0x9  }
0x18c: {  	v17, _, _ =	vpop (xrf2)  }
0x18d: {  	[tilespmem:$0x12FF0] =	vst v17  }
0x18e: {  	v17 =	vld [tilespmem:s31+$0xC0]  }
0x18f: {  	v18 =	vld [tilespmem:s31+$0xD0];
	_ =	sdelay $0x4  }
0x190: {  	v17 =	vmul.f32 v17, v17;
	v18 =	vmul.f32 v18, v18;
	_ =	sdelay $0x1  }
0x191: {  	v17 =	vadd.f32 v18, v17;
	_ =	sdelay $0x1  }
0x192: {  	(xrf2) =	vadd.scan.msk.f32 $0xffff, v17;
	_ =	sdelay $0x9  }
0x193: {  	v17, _, _ =	vpop (xrf2)  }
0x194: {  	[tilespmem:$0x13000] =	vst v17  }
0x195: {  	v17 =	vld [tilespmem:s31+$0xE0]  }
0x196: {  	v18 =	vld [tilespmem:s31+$0xF0];
	_ =	sdelay $0x4  }
0x197: {  	v17 =	vmul.f32 v17, v17;
	v18 =	vmul.f32 v18, v18;
	_ =	sdelay $0x1  }
0x198: {  	v17 =	vadd.f32 v18, v17;
	_ =	sdelay $0x1  }
0x199: {  	(xrf2) =	vadd.scan.msk.f32 $0xffff, v17;
	_ =	sdelay $0x9  }
0x19a: {  	v17, _, _ =	vpop (xrf2)  }
0x19b: {  	[tilespmem:$0x13010] =	vst v17  }
0x19c: {  	v17 =	vld.idx.msk [tilespmem:v0+s17+$0x0], $0xffff;
	_ =	sdelay $0x4  }
0x19d: {  	v18 =	vshra.s32 v17, $0x1;
	v17 =	vmul.f32 $5.000000000e-01, v17  }
0x19e: {  	v18 =	vsub.s32 $0x5F3759DF, v18  }
0x19f: {  	v19 =	vmul.f32 v18, v17;
	_ =	sdelay $0x1  }
0x1a0: {  	v19 =	vmul.f32 v18, v19;
	_ =	sdelay $0x1  }
0x1a1: {  	v19 =	vsub.f32 $1.500000000e+00, v19;
	_ =	sdelay $0x1  }
0x1a2: {  	v18 =	vmul.f32 v18, v19;
	_ =	sdelay $0x1  }
0x1a3: {  	v17 =	vmul.f32 v18, v17;
	_ =	sdelay $0x1  }
0x1a4: {  	v17 =	vmul.f32 v17, v18  }
0x1a5: {  	v19 =	vld [tilespmem:s29+$0x0]  }
0x1a6: {  	v17 =	vsub.f32 $1.500000000e+00, v17;
	_ =	sdelay $0x1  }
0x1a7: {  	v17 =	vmul.f32 v17, v18  }
0x1a8: {  	v18 =	vld [tilespmem:s31+$0xFFFFFF00]  }
0x1a9: {  	v17 =	vmul.f32 v17, v19;
	_ =	sdelay $0x1  }
0x1aa: {  	v19 =	vperm.xlane v17, v2;
	_ =	sdelay $0x1  }
0x1ab: {  	v18 =	vmul.f32 v18, v19;
	_ =	sdelay $0x1  }
0x1ac: {  	[tilespmem:s30+$0xFFFFFF00] =	vst v18  }
0x1ad: {  	v18 =	vld [tilespmem:s31+$0xFFFFFF10];
	_ =	sdelay $0x4  }
0x1ae: {  	v18 =	vmul.f32 v18, v19;
	_ =	sdelay $0x1  }
0x1af: {  	[tilespmem:s30+$0xFFFFFF10] =	vst v18  }
0x1b0: {  	v18 =	vld [tilespmem:s31+$0xFFFFFF20];
	_ =	sdelay $0x2  }
0x1b1: {  	v19 =	vperm.xlane v17, v1;
	_ =	sdelay $0x1  }
0x1b2: {  	v18 =	vmul.f32 v18, v19;
	_ =	sdelay $0x1  }
0x1b3: {  	[tilespmem:s30+$0xFFFFFF20] =	vst v18  }
0x1b4: {  	v18 =	vld [tilespmem:s31+$0xFFFFFF30];
	_ =	sdelay $0x4  }
0x1b5: {  	v18 =	vmul.f32 v18, v19;
	_ =	sdelay $0x1  }
0x1b6: {  	[tilespmem:s30+$0xFFFFFF30] =	vst v18  }
0x1b7: {  	v18 =	vld [tilespmem:s31+$0xFFFFFF40];
	_ =	sdelay $0x2  }
0x1b8: {  	v19 =	vperm.xlane v17, v3;
	_ =	sdelay $0x1  }
0x1b9: {  	v18 =	vmul.f32 v18, v19;
	_ =	sdelay $0x1  }
0x1ba: {  	[tilespmem:s30+$0xFFFFFF40] =	vst v18  }
0x1bb: {  	v18 =	vld [tilespmem:s31+$0xFFFFFF50];
	_ =	sdelay $0x4  }
0x1bc: {  	v18 =	vmul.f32 v18, v19;
	_ =	sdelay $0x1  }
0x1bd: {  	[tilespmem:s30+$0xFFFFFF50] =	vst v18  }
0x1be: {  	v18 =	vld [tilespmem:s31+$0xFFFFFF60];
	_ =	sdelay $0x2  }
0x1bf: {  	v19 =	vperm.xlane v17, v4;
	_ =	sdelay $0x1  }
0x1c0: {  	v18 =	vmul.f32 v18, v19;
	_ =	sdelay $0x1  }
0x1c1: {  	[tilespmem:s30+$0xFFFFFF60] =	vst v18  }
0x1c2: {  	v18 =	vld [tilespmem:s31+$0xFFFFFF70];
	_ =	sdelay $0x4  }
0x1c3: {  	v18 =	vmul.f32 v18, v19;
	_ =	sdelay $0x1  }
0x1c4: {  	[tilespmem:s30+$0xFFFFFF70] =	vst v18  }
0x1c5: {  	v18 =	vld [tilespmem:s31+$0xFFFFFF80];
	_ =	sdelay $0x2  }
0x1c6: {  	v19 =	vperm.xlane v17, v5;
	_ =	sdelay $0x1  }
0x1c7: {  	v18 =	vmul.f32 v18, v19;
	_ =	sdelay $0x1  }
0x1c8: {  	[tilespmem:s30+$0xFFFFFF80] =	vst v18  }
0x1c9: {  	v18 =	vld [tilespmem:s31+$0xFFFFFF90];
	_ =	sdelay $0x4  }
0x1ca: {  	v18 =	vmul.f32 v18, v19;
	_ =	sdelay $0x1  }
0x1cb: {  	[tilespmem:s30+$0xFFFFFF90] =	vst v18  }
0x1cc: {  	v18 =	vld [tilespmem:s31+$0xFFFFFFA0];
	_ =	sdelay $0x2  }
0x1cd: {  	v19 =	vperm.xlane v17, v6;
	_ =	sdelay $0x1  }
0x1ce: {  	v18 =	vmul.f32 v18, v19;
	_ =	sdelay $0x1  }
0x1cf: {  	[tilespmem:s30+$0xFFFFFFA0] =	vst v18  }
0x1d0: {  	v18 =	vld [tilespmem:s31+$0xFFFFFFB0];
	_ =	sdelay $0x4  }
0x1d1: {  	v18 =	vmul.f32 v18, v19;
	_ =	sdelay $0x1  }
0x1d2: {  	[tilespmem:s30+$0xFFFFFFB0] =	vst v18  }
0x1d3: {  	v18 =	vld [tilespmem:s31+$0xFFFFFFC0];
	_ =	sdelay $0x2  }
0x1d4: {  	v19 =	vperm.xlane v17, v7;
	_ =	sdelay $0x1  }
0x1d5: {  	v18 =	vmul.f32 v18, v19;
	_ =	sdelay $0x1  }
0x1d6: {  	[tilespmem:s30+$0xFFFFFFC0] =	vst v18  }
0x1d7: {  	v18 =	vld [tilespmem:s31+$0xFFFFFFD0];
	_ =	sdelay $0x4  }
0x1d8: {  	v18 =	vmul.f32 v18, v19;
	_ =	sdelay $0x1  }
0x1d9: {  	[tilespmem:s30+$0xFFFFFFD0] =	vst v18  }
0x1da: {  	v18 =	vld [tilespmem:s31+$0xFFFFFFE0];
	_ =	sdelay $0x2  }
0x1db: {  	v19 =	vperm.xlane v17, v8;
	_ =	sdelay $0x1  }
0x1dc: {  	v18 =	vmul.f32 v18, v19;
	_ =	sdelay $0x1  }
0x1dd: {  	[tilespmem:s30+$0xFFFFFFE0] =	vst v18  }
0x1de: {  	v18 =	vld [tilespmem:s31+$0xFFFFFFF0];
	_ =	sdelay $0x4  }
0x1df: {  	v18 =	vmul.f32 v18, v19;
	_ =	sdelay $0x1  }
0x1e0: {  	[tilespmem:s30+$0xFFFFFFF0] =	vst v18  }
0x1e1: {  	v18 =	vld [tilespmem:s31+$0x0];
	_ =	sdelay $0x2  }
0x1e2: {  	v19 =	vperm.xlane v17, v9;
	_ =	sdelay $0x1  }
0x1e3: {  	v18 =	vmul.f32 v18, v19;
	_ =	sdelay $0x1  }
0x1e4: {  	[tilespmem:s30+$0x0] =	vst v18  }
0x1e5: {  	v18 =	vld [tilespmem:s31+$0x10];
	_ =	sdelay $0x4  }
0x1e6: {  	v18 =	vmul.f32 v18, v19;
	_ =	sdelay $0x1  }
0x1e7: {  	[tilespmem:s30+$0x10] =	vst v18  }
0x1e8: {  	v18 =	vld [tilespmem:s31+$0x20];
	_ =	sdelay $0x2  }
0x1e9: {  	v19 =	vperm.xlane v17, v10;
	_ =	sdelay $0x1  }
0x1ea: {  	v18 =	vmul.f32 v18, v19;
	_ =	sdelay $0x1  }
0x1eb: {  	[tilespmem:s30+$0x20] =	vst v18  }
0x1ec: {  	v18 =	vld [tilespmem:s31+$0x30];
	_ =	sdelay $0x4  }
0x1ed: {  	v18 =	vmul.f32 v18, v19;
	_ =	sdelay $0x1  }
0x1ee: {  	[tilespmem:s30+$0x30] =	vst v18  }
0x1ef: {  	v18 =	vld [tilespmem:s31+$0x40];
	_ =	sdelay $0x2  }
0x1f0: {  	v19 =	vperm.xlane v17, v11;
	_ =	sdelay $0x1  }
0x1f1: {  	v18 =	vmul.f32 v18, v19;
	_ =	sdelay $0x1  }
0x1f2: {  	[tilespmem:s30+$0x40] =	vst v18  }
0x1f3: {  	v18 =	vld [tilespmem:s31+$0x50];
	_ =	sdelay $0x4  }
0x1f4: {  	v18 =	vmul.f32 v18, v19;
	_ =	sdelay $0x1  }
0x1f5: {  	[tilespmem:s30+$0x50] =	vst v18  }
0x1f6: {  	v18 =	vld [tilespmem:s31+$0x60];
	_ =	sdelay $0x2  }
0x1f7: {  	v19 =	vperm.xlane v17, v12;
	_ =	sdelay $0x1  }
0x1f8: {  	v18 =	vmul.f32 v18, v19;
	_ =	sdelay $0x1  }
0x1f9: {  	[tilespmem:s30+$0x60] =	vst v18  }
0x1fa: {  	v18 =	vld [tilespmem:s31+$0x70];
	_ =	sdelay $0x4  }
0x1fb: {  	v18 =	vmul.f32 v18, v19;
	_ =	sdelay $0x1  }
0x1fc: {  	[tilespmem:s30+$0x70] =	vst v18  }
0x1fd: {  	v18 =	vld [tilespmem:s31+$0x80];
	_ =	sdelay $0x2  }
0x1fe: {  	v19 =	vperm.xlane v17, v13;
	_ =	sdelay $0x1  }
0x1ff: {  	v18 =	vmul.f32 v18, v19;
	_ =	sdelay $0x1  }
0x200: {  	[tilespmem:s30+$0x80] =	vst v18  }
0x201: {  	v18 =	vld [tilespmem:s31+$0x90];
	_ =	sdelay $0x4  }
0x202: {  	v18 =	vmul.f32 v18, v19;
	_ =	sdelay $0x1  }
0x203: {  	[tilespmem:s30+$0x90] =	vst v18  }
0x204: {  	v18 =	vld [tilespmem:s31+$0xA0];
	_ =	sdelay $0x2  }
0x205: {  	v19 =	vperm.xlane v17, v14;
	_ =	sdelay $0x1  }
0x206: {  	v18 =	vmul.f32 v18, v19;
	_ =	sdelay $0x1  }
0x207: {  	[tilespmem:s30+$0xA0] =	vst v18  }
0x208: {  	v18 =	vld [tilespmem:s31+$0xB0];
	_ =	sdelay $0x4  }
0x209: {  	v18 =	vmul.f32 v18, v19;
	_ =	sdelay $0x1  }
0x20a: {  	[tilespmem:s30+$0xB0] =	vst v18  }
0x20b: {  	v18 =	vld [tilespmem:s31+$0xC0];
	_ =	sdelay $0x2  }
0x20c: {  	v19 =	vperm.xlane v17, v15;
	_ =	sdelay $0x1  }
0x20d: {  	v18 =	vmul.f32 v18, v19;
	_ =	sdelay $0x1  }
0x20e: {  	[tilespmem:s30+$0xC0] =	vst v18  }
0x20f: {  	v18 =	vld [tilespmem:s31+$0xD0];
	_ =	sdelay $0x4  }
0x210: {  	v18 =	vmul.f32 v18, v19;
	_ =	sdelay $0x1  }
0x211: {  	[tilespmem:s30+$0xD0] =	vst v18  }
0x212: {  	v18 =	vld [tilespmem:s31+$0xE0];
	_ =	sdelay $0x2  }
0x213: {  	v17 =	vperm.xlane v17, v16;
	_ =	sdelay $0x1  }
0x214: {  	v18 =	vmul.f32 v18, v17;
	_ =	sdelay $0x1  }
0x215: {  	[tilespmem:s30+$0xE0] =	vst v18  }
0x216: {  	v18 =	vld [tilespmem:s31+$0xF0];
	_ =	sdelay $0x1  }
0x217: {  	p0 =	sne.s32 s28, $0xF5C400  }
.Ltmp1:
0x218: {  	_ = 	snop;
	(pc) =	sbr.rel @p0 .LBB2_5-.Ltmp1, $4  }
0x219: {  	_ = 	snop  }
0x21a: {  	v17 =	vmul.f32 v18, v17  }
0x21b: {  	s28 =	sadd.s32 $0xA3D80, s28  }
0x21c: {  	s29 =	sadd.s32 $0x10, s29;
	s31 =	sadd.s32 $0x200, s31;
	[tilespmem:s30+$0xF0] =	vst v17;
	s30 =	sadd.s32 $0x200, s30  }
0x21d: {  	s25 =	sadd.s32 $0x1, s25  }
0x21e: {  	s26 =	sshll.u32 s26, $0x3;
	p0 =	sne.s32 s25, $0x20  }
.Ltmp2:
0x21f: {  	s26 =	sadd.s32 s6, s26;
	(pc) =	sbr.rel @p0 .LBB2_2-.Ltmp2, $3  }
0x220: {  	s26 =	smul.u32 $0xC8, s26;
	_ =	sdelay $0x1  }
0x221: {  	s26 =	sadd.s32 s3, s26  }
0x222: {  	[hbm4b:s26+s4] =	stream.linear.scatter [tilespmem:s21], [sflag:$0x6], $0x3200, $0x38;
	[tilespmem:$0x13020] =	vst v63  }
0x223: {  	s24 =	sadd.s32 $0x1, s24  }
0x224: {  	_ =	swait.ge [sflag:s22], $0x3200;
	p0 =	sne.s32 s24, s8  }
.Ltmp3:
0x225: {  	[sflag:s22] =	ssyncset.done $0x0;
	(pc) =	sbr.rel @p0 .LBB2_1-.Ltmp3, $4  }
0x226: {  	[sflag:s22] =	ssyncadd.s32 $0xFFFFCE00  }
0x227: {  	_ =	swait.ge [sflag:s23], $0x3200  }
0x228: {  	[sflag:s23] =	ssyncset.done $0x0  }
0x229: {  	[sflag:s23] =	ssyncadd.s32 $0xFFFFCE00  }
0x22a: {  	_ =	sfence.sel $0x180000  }
0x22b: {  	[bflag:$0x0] =	sbarrier.arrive $0xFFFF  }
0x22c: {  	p0 =	sne.s32 s0, $0x0;
	_ =	strace $0x90000047  }
0x22d: {  	s0 =	sadd.s32 @!p0 $0x100000, s1;
	[bflag:$0x2] =	sbarrier.arrive $0xFFFF  }
0x22e: {  	[sflag:s0] =	ssyncadd.tile.s32 @!p0 $0x1;
	_ =	shalt  }
.Lfunc_end2:
_tile_overlayer_lowered:
.L_overlay_start_2:
0x22f: {  	(tag) =	ssettag $0x2  }
0x230: {  	s0 =	rddreg [dreg:$0x0];
	s2 =	stileid.u32  }
0x231: {  	s1 =	rddreg [dreg:$0x1];
	p0 =	sne.s32 s2, $0x0  }
0x232: {  	s3 =	rddreg [dreg:$0x2];
	[bflag:$0x3] =	sbarrier.arrive $0xFFFF;
	s2 =	simm.s32 @!p0 $0x1C07  }
0x233: {  	[timem:s3], [sflag:s2] =	dma.local @!p0 [hbm:s0], s1  }
0x234: {  	s0 =	simm.s32 @!p0 $0x7  }
0x235: {  	_ =	swait.ge @!p0 [sflag:s0], s1  }
0x236: {  	s1 =	ssub.s32 @!p0 $0x0, s1;
	[sflag:s0] =	ssyncset.done @!p0 $0x0  }
0x237: {  	[sflag:s0] =	ssyncadd.s32 @!p0 s1  }
0x238: {  	[bflag:$0x3] =	sbarrier.arrive $0xFFFF  }
0x239: {  	_ =	shalt  }

// kernel: sparse-core-data-format-call.cloned.1.call-start
scs
called_computation_lowered:
.L_overlay_start_0:
0x0: {  	s2 =	sld [smem:$0x3FD9]  }
0x1: {  	s3 =	sld [smem:$0x3FFE];
	_ =	sdelay $0x1  }
0x2: {  	s1 =	srdreg.scid  }
0x3: {  	s0 =	sand.u32 $0x1, s1  }
0x4: {  	s18 =	sshll.u32 s0, $0xA;
	s2 =	sadd.s32 s3, s2  }
0x5: {  	s2 =	sadd.s32 s2, s18  }
0x6: {  	[smem:$0x3FC5] =	sst s2  }
0x7: {  	_ = 	snop  }
0x8: {  	s2 =	sld [smem:$0x3FD0];
	(tm) =	ssettm $0x1  }
0x9: {  	s19 =	sld [smem:$0x3FFB];
	_ =	sdelay $0x3  }
0xa: {  	_ =	strace s19  }
0xb: {  	s3 =	sld [smem:$0x3FFC];
	_ =	sdelay $0x3  }
0xc: {  	_ =	strace s3  }
0xd: {  	s3 =	sld [smem:$0x3FFD];
	_ =	sdelay $0x3  }
0xe: {  	_ =	strace s3  }
0xf: {  	_ =	strace $0x8FFFFFFF  }
0x10: {  	s20 =	sld [smem:$0x3FDB];
	_ =	sdelay $0x1  }
0x11: {  	s4 =	simm.s32 $_scs_section_size  }
0x12: {  	s5 =	simm.s32 $_size__tile_overlayer_lowered;
	s6 =	simm.s32 $_tile_overlayer_lowered  }
0x13: {  	s23 =	simm.s32 $0x1BFF;
	s22 =	sshll.u32 s6, $0x1;
	s3 =	sadd.s32 s4, s20  }
0x14: {  	s7 =	simm.s32 $0x0;
	s21 =	sshll.u32 s5, $0x1;
	s5 =	sadd.s32 s22, s3  }
0x15: {  	[timem:s7], [sflag:s23] =	dma.local [hbm:s5], s21  }
0x16: {  	_ =	swait.ge [sflag:s23], s21  }
0x17: {  	s4 =	ssub.s32 $0x0, s21;
	[sflag:s23] =	ssyncset.done $0x0  }
0x18: {  	[sflag:s23] =	ssyncadd.s32 s4;
	_ =	sdelay $0x1  }
0x19: {  	s24 =	simm.s32 $0x1B8B  }
0x1a: {  	_ =	swait.ge [sflag:s24], $0x1  }
0x1b: {  	[sflag:s24] =	ssyncset.done $0x0  }
0x1c: {  	s26 =	simm.s32 $0x1B8E;
	s25 =	sld [smem:$0x3FFE];
	[sflag:s24] =	ssyncadd.s32 $0xFFFFFFFF  }
0x1d: {  	s27 =	simm.s32 $execute0_lowered;
	[smem:$0x3FD2] =	sst s26  }
0x1e: {  	s5 =	sshll.u32 s27, $0x1;
	_ =	strace $0x80000049;
	[dreg:$0x1] =	wrdreg $0xFFFFFFFF  }
0x1f: {  	s28 =	simm.s32 $_size_execute0_lowered;
	s3 =	sadd.s32 s3, s5;
	[dreg:$0x0] =	wrdreg $0x0  }
0x20: {  	s5 =	sshll.u32 s28, $0x1;
	[dreg:$0x2] =	wrdreg s3  }
0x21: {  	[dreg:$0x3] =	wrdreg s5  }
0x22: {  	[dreg:$0x4] =	wrdreg $0xC0  }
0x23: {  	_ =	task [dreg:s7], $0x5FFFF  }
0x24: {  	[dreg:$0x1] =	wrdreg $0xFFFFFFFF  }
0x25: {  	[dreg:$0x0] =	wrdreg $0x60  }
0x26: {  	[dreg:$0x2] =	wrdreg s25  }
0x27: {  	[dreg:$0x3] =	wrdreg s2  }
0x28: {  	[dreg:$0x4] =	wrdreg $0x9  }
0x29: {  	_ =	task.clear_ibuf [dreg:s7], $0x5FFFF;
	_ =	strace $0x90000049  }
0x2a: {  	s29 =	simm.s32 $0x9;
	_ =	strace $0x8000004B  }
0x2b: {  	_ =	swait.ge [sflag:s29], $0x1  }
0x2c: {  	[sflag:s29] =	ssyncadd.s32 $0xFFFFFFFF  }
0x2d: {  	_ =	strace $0x9000004B  }
0x2e: {  	_ =	sfence  }
0x2f: {  	s30 =	sld [smem:$0x0];
	_ =	sdelay $0x2  }
0x30: {  	s31 =	sshll.u32 s1, $0xD;
	s1 =	sshrl.u32 s1, $0x2  }
0x31: {  	s3 =	sand.u32 $0x4000, s31;
	s1 =	sadd.s32 s1, s30  }
0x32: {  	s0 =	sor.u32 s3, s0;
	s1 =	sshll.u32 s1, $0x11  }
0x33: {  	s0 =	sor.u32 s1, s0  }
0x34: {  	s0 =	sadd.s32 $0x8F2B, s0  }
0x35: {  	[sflag:s0] =	ssyncadd.remote.s32 $0x1  }
0x36: {  	_ =	sfence.sel $0xFFFF  }
0x37: {  	[dreg:$0x0] =	wrdreg $0xFFFFFFFF;
	(pc) =	sbr.abs _section_cstart, $3  }
0x38: {  	[dreg:$0x1] =	wrdreg $0xFFFFFFFF  }
0x39: {  	_ =	task.clear_ibuf [dreg:s7], $0x2FFFF;
	_ =	strace $0x9FFFFFFF  }
0x3a: {  	(tm) =	ssettm $0x7FFFFFFF  }
0x3b: {  	_ =	shalt  }
tec
execute0_lowered:
.L_overlay_start_1:
0x0: {  	(tag) =	ssettag $0x1  }
0x1: {  	s0 =	srdreg.scid  }
0x2: {  	s1 =	sshll.u32 s0, $0x4  }
0x3: {  	s0 =	stileid.u32;
	s1 =	sand.u32 $0x10, s1  }
0x4: {  	s1 =	sor.u32 s0, s1  }
0x5: {  	s6 =	rddreg [dreg:$0x0];
	s4 =	simm.s32 $0x1;
	s2 =	sshll.u32 s1, $0x7  }
0x6: {  	s7 =	simm.s32 $0x2;
	s12 =	simm.s32 $0x0;
	s1 =	ssub.s32 $0x4000, s2  }
0x7: {  	s8 =	simm.s32 $0x20000;
	s13 =	simm.s32 $0x0;
	s3 =	sand.u32 $0xF80, s1  }
0x8: {  	s9 =	simm.s32 $0x0;
	s5 =	sshrl.u32 s1, $0xC;
	p0 =	sne.s32 s3, $0x0  }
.Ltmp0:
0x9: {  	s1 =	rddreg [dreg:$0x2];
	s4 =	simm.s32 @!p0 $0x0;
	(pc) =	sbr.rel .LBB1_1-.Ltmp0, $4  }
0xa: {  	s11 =	simm.s32 $0x0;
	s3 =	rddreg [dreg:$0x1];
	s5 =	sadd.s32 s4, s5  }
0xb: {  	_ =	strace $0x8000004A;
	s4 =	simm.s32 $0x1;
	s5 =	smul.u32 $0x32, s5  }
0xc: {  	s6 =	sadd.s32 $0xA00, s6;
	s10 =	smov.u32 s2;
	[sflag:s4] =	ssyncpa.u1 $0x0  }
0xd: {  	p0 =	por $0x0, $0x0;
	[sflag:s7] =	ssyncpa.u1 $0x0;
	s7 =	sor.u32 $0x1, s5  }
.LBB1_4:
0xe: {  	s16 =	sshll.u32 s13, $0x3;
	s17 =	sand.u32 $0x78, s13  }
0xf: {  	s30 =	sand.u32 $0xF800, s13;
	s12 =	sshll.u32 s12, $0x10;
	s16 =	sand.u32 $0x3C00, s16  }
0x10: {  	s31 =	sand.u32 $0x7, s13;
	s16 =	sor.u32 s17, s16;
	s17 =	sadd.s32 s3, s30  }
0x11: {  	s13 =	sshll.u32 s31, $0x12;
	s16 =	sshrl.u32 s16, $0x3;
	s12 =	sadd.s32 s12, s17  }
0x12: {  	[tilespmem:s15+$0x0 ss:$0x81] =	vst.msk $0xffff, v0;
	s13 =	sor.u32 $0x400, s13;
	s12 =	sadd.s32 s16, s12  }
0x13: {  	[hbm4b:s12+s13] =	stream.strided.scatter [tilespmem:s14], [sflag:$0x2], $0x1000, s8, s13, $0x20;
	[tilespmem:$0x4040] =	vst v63  }
.LBB1_5:
0x14: {  	s14 =	sadd.s32 $0x1, s9  }
0x15: {  	s12 =	sadd.s32 $0x1000, s10;
	s16 =	smov.u32 s10;
	p2 =	sgt.s32 s14, $0x31  }
0x16: {  	s16 =	smov.u32 @p2 s12  }
0x17: {  	s14 =	simm.s32 @p2 $0x0;
	p2 =	sgt.s32 s16, $0x3FFF  }
0x18: {  	s16 =	smov.u32 @p2 s2;
	p2 =	sne.s32 s11, s7  }
.Ltmp1:
0x19: {  	p1 =	slt.u32 s11, $0x2;
	(pc) =	sbr.rel @!p2 .LBB1_6-.Ltmp1, $4  }
0x1a: {  	s15 =	simm.s32 @!p1 $0x2  }
0x1b: {  	s13 =	smov.u32 s10;
	p0 =	por !p0, !p0;
	_ =	swait.ge @!p1 [sflag:s15], $0x1000  }
0x1c: {  	s12 =	smov.u32 s9;
	[sflag:s15] =	ssyncset.done @!p1 $0x0;
	s9 =	smov.u32 s14  }
0x1d: {  	s11 =	sadd.s32 $0x1, s11;
	[sflag:s15] =	ssyncadd.s32 @!p1 $0xFFFFF000;
	s10 =	smov.u32 s16  }
.LBB1_1:
0x1e: {  	p1 =	sge.u32 s11, s5  }
0x1f: {  	s14 =	sand.u32 @!p1 $0x1FFFFFF, s9  }
0x20: {  	s15 =	smulhi.u32 @!p1 $0x4924925, s14;
	_ =	sdelay $0x1  }
0x21: {  	s15 =	smul.u32 @!p1 $0x38, s15  }
0x22: {  	s16 =	sxor.u32 @!p1 $0xFFFFFFFF, s11;
	s17 =	smul.u32 @!p1 $0x380, s10  }
0x23: {  	s31 =	sadd.s32 $0xFFFFFFFF, s11;
	s16 =	sshll.u32 @!p1 s16, $0xC;
	s14 =	ssub.s32 @!p1 s14, s15  }
0x24: {  	s15 =	sand.u32 @!p1 $0x1000, s16;
	s16 =	sadd.s32 @!p1 s6, s17;
	s14 =	sshll.u32 @!p1 s14, $0x4  }
0x25: {  	s17 =	simm.s32 @!p1 $0x1C00;
	s14 =	sadd.s32 @!p1 s14, s16;
	s16 =	simm.s32 @!p1 $0x20  }
0x26: {  	[tilespmem:s15], [sflag:$0x1] =	stream.strided.gather @!p1 [hbm4b:s14+s16], $0x1000, s17, s16, $0x38;
	[tilespmem:$0x4040] =	vst v63  }
0x27: {  	p1 =	sge.u32 s31, s5  }
.Ltmp2:
0x28: {  	_ = 	snop;
	(pc) =	sbr.rel @p1 .LBB1_5-.Ltmp2, $1  }
0x29: {  	_ =	sdelay $0x3  }
0x2a: {  	s14 =	simm.s32 $0x1  }
0x2b: {  	_ =	swait.ge [sflag:s4], $0x1000;
	s14 =	simm.s32 @!p0 $0x0  }
0x2c: {  	[sflag:s4] =	ssyncset.done $0x0;
	s15 =	sshll.u32 s14, $0xC  }
0x2d: {  	[sflag:s4] =	ssyncadd.s32 $0xFFFFF000;
	s18 =	sor.u32 $0x10, s15  }
0x2e: {  	s14 =	smul.u32 $0x4080, s14;
	v1 =	vld [tilespmem:s18+$0x0]  }
0x2f: {  	s30 =	sand.u32 $0x1, s11;
	v0 =	vld [tilespmem:s18+$0xFFFFFFF0]  }
0x30: {  	s15 =	smul.u32 $0x4080, s30;
	s14 =	sshrl.u32 s14, $0x2  }
0x31: {  	s16 =	sor.u32 $0x2000, s14  }
0x32: {  	s31 =	sshrl.u32 s15, $0x2;
	s15 =	sadd.s32 $0x0, s16  }
0x33: {  	s17 =	simm.s32 $0x4;
	s18 =	sadd.s32 $0x20, s18;
	s14 =	sor.u32 $0x2000, s31;
	[tilespmem:s15+$0x810 ss:$0x81] =	vst.msk $0xffff, v1  }
.LBB1_3:
0x34: {  	v1 =	vld [tilespmem:s18+$0x0];
	p1 =	sne.s32 s17, $0x1FC;
	[tilespmem:s15+$0x0 ss:$0x81] =	vst.msk $0xffff, v0;
	s15 =	smov.u32 s17;
	s17 =	sadd.s32 $0x4, s17  }
.Ltmp3:
0x35: {  	v0 =	vld [tilespmem:s18+$0xFFFFFFF0];
	(pc) =	sbr.rel @p1 .LBB1_3-.Ltmp3, $4  }
0x36: {  	_ = 	snop  }
0x37: {  	s15 =	sshra.s32 s15, $0x2  }
0x38: {  	s15 =	sadd.s32 s15, s16  }
0x39: {  	s18 =	sadd.s32 $0x20, s18;
	[tilespmem:s15+$0x810 ss:$0x81] =	vst.msk $0xffff, v1  }
.Ltmp4:
0x3a: {  	_ = 	snop;
	(pc) =	sbr.rel .LBB1_4-.Ltmp4, $1  }
0x3b: {  	_ =	sdelay $0x3  }
.LBB1_6:
0x3c: {  	_ =	sfence.sel $0x180000  }
0x3d: {  	s2 =	simm.s32 $0x1;
	[bflag:$0x0] =	sbarrier.arrive $0xFFFF  }
0x3e: {  	s31 =	simm.s32 $0x2;
	[sflag:s2] =	ssyncpa.u1 $0x1  }
0x3f: {  	[sflag:s31] =	ssyncpa.u1 $0x1  }
0x40: {  	p0 =	sne.s32 s0, $0x0;
	_ =	strace $0x9000004A  }
0x41: {  	s0 =	sadd.s32 @!p0 $0x100000, s1;
	[bflag:$0x2] =	sbarrier.arrive $0xFFFF  }
0x42: {  	[sflag:s0] =	ssyncadd.tile.s32 @!p0 $0x1;
	_ =	shalt  }
.Lfunc_end1:
_tile_overlayer_lowered:
.L_overlay_start_2:
0x43: {  	(tag) =	ssettag $0x2  }
0x44: {  	s0 =	rddreg [dreg:$0x0];
	s2 =	stileid.u32  }
0x45: {  	s1 =	rddreg [dreg:$0x1];
	p0 =	sne.s32 s2, $0x0  }
0x46: {  	s3 =	rddreg [dreg:$0x2];
	[bflag:$0x3] =	sbarrier.arrive $0xFFFF;
	s2 =	simm.s32 @!p0 $0x1C01  }
0x47: {  	[timem:s3], [sflag:s2] =	dma.local @!p0 [hbm:s0], s1  }
0x48: {  	s0 =	simm.s32 @!p0 $0x1  }
0x49: {  	_ =	swait.ge @!p0 [sflag:s0], s1  }
0x4a: {  	s1 =	ssub.s32 @!p0 $0x0, s1;
	[sflag:s0] =	ssyncset.done @!p0 $0x0  }
0x4b: {  	[sflag:s0] =	ssyncadd.s32 @!p0 s1  }
0x4c: {  	[bflag:$0x3] =	sbarrier.arrive $0xFFFF  }
0x4d: {  	_ =	shalt  }

</sc_bundles>
